<compile_context>
chip_gen: v7x
topology: tpu7x:2x2x1
jax: 0.10.2.dev20260603
libtpu: 0.0.44.dev20260713+nightly
codegen_flags: <defaults>
</compile_context>

<pallas_src>
import functools

import jax
import jax.numpy as jnp
from jax import lax
from jax.experimental import pallas as pl
from jax.experimental.pallas import tpu as pltpu
from jax.experimental.pallas import tpu_sc as plsc

N = 10000
E = 320000
D = 128
HID = 128
G = 64
L = 3
EPS = 1e-7

NC = 2
NS = 16
LANES = 16
NW = NC * NS
CPT = D // NW
EPT = E // NW

CH_SS = 16000
CH_E = 5000
NCH_SS = E // CH_SS

_sc_mesh = plsc.VectorSubcoreMesh(core_axis_name="c", subcore_axis_name="s",
                                  num_cores=NC, num_subcores=NS)



def _pack_rows(t):
    a = t[:D // 2]
    b = t[D // 2:]
    au = lax.bitcast_convert_type(a.astype(jnp.bfloat16), jnp.uint16).astype(jnp.uint32)
    bu = lax.bitcast_convert_type(b.astype(jnp.bfloat16), jnp.uint16).astype(jnp.uint32)
    return lax.bitcast_convert_type(au | (bu << 16), jnp.float32)


def _enc_body(x_ref, w_ref, b_ref, s_ref, d_ref, out_ref, pkh_ref, pke_ref):
    h = lax.dot_general(w_ref[...], x_ref[...], (((0,), (1,)), ((), ())),
                        preferred_element_type=jnp.float32)
    h = jnp.maximum(h + b_ref[...], 0.0)
    out_ref[...] = h
    pkh_ref[...] = _pack_rows(h)
    pke_ref[...] = jnp.bitwise_or(s_ref[...], d_ref[...] << 16)


def _encode(x, w, b, src, dst):
    return pl.pallas_call(
        _enc_body,
        out_shape=[
            jax.ShapeDtypeStruct((D, N), jnp.float32),
            jax.ShapeDtypeStruct((D // 2, N), jnp.float32),
            jax.ShapeDtypeStruct((E // 128, 128), jnp.int32),
        ],
    )(x, w, b.reshape(D, 1),
      src.reshape(E // 128, 128), dst.reshape(E // 128, 128))


def _gin_body(h_ref, m_ref, w_ref, b_ref, eps_ref, out_ref, pkh_ref):
    t = (1.0 + eps_ref[0, 0]) * h_ref[...] + m_ref[...]
    o = lax.dot_general(w_ref[...], t, (((0,), (0,)), ((), ())),
                        preferred_element_type=jnp.float32)
    o = jnp.maximum(o + b_ref[...], 0.0)
    out_ref[...] = o
    pkh_ref[...] = _pack_rows(o)


def _gin(hT, msgT, w, b, eps):
    return pl.pallas_call(
        _gin_body,
        out_shape=[
            jax.ShapeDtypeStruct((D, N), jnp.float32),
            jax.ShapeDtypeStruct((D // 2, N), jnp.float32),
        ],
    )(hT, msgT, w, b.reshape(D, 1), eps.reshape(1, 1))


def _head_body(h_ref, m_ref, w_ref, b_ref, eps_ref, batch_ref,
               w1_ref, b1_ref, w2_ref, b2_ref, gf_ref, zi_ref):
    t = (1.0 + eps_ref[0, 0]) * h_ref[...] + m_ref[...]
    o = lax.dot_general(w_ref[...], t, (((0,), (0,)), ((), ())),
                        preferred_element_type=jnp.float32)
    hb = jnp.maximum(o + b_ref[...], 0.0)
    bt = batch_ref[...]
    iot = lax.broadcasted_iota(jnp.int32, (N, G), 1)
    oh = (iot == bt).astype(jnp.float32)

    gsum = lax.dot_general(oh, hb, (((0,), (1,)), ((), ())),
                           preferred_element_type=jnp.float32)
    cnt = lax.dot_general(oh, jnp.ones((N, 1), jnp.float32),
                          (((0,), (0,)), ((), ())),
                          preferred_element_type=jnp.float32)
    gf_ref[...] = gsum / jnp.maximum(cnt, 1.0)

    z1 = jnp.maximum(
        lax.dot_general(w1_ref[...], hb, (((0,), (0,)), ((), ())),
                        preferred_element_type=jnp.float32) + b1_ref[...], 0.0)
    zi_ref[...] = lax.dot_general(w2_ref[...], z1, (((0,), (0,)), ((), ())),
                                  preferred_element_type=jnp.float32) + b2_ref[...]


def _head(hT, msgT, w, b, eps, batch_col, w1, b1, w2p, b2p):
    return pl.pallas_call(
        _head_body,
        out_shape=[
            jax.ShapeDtypeStruct((G, D), jnp.float32),
            jax.ShapeDtypeStruct((8, N), jnp.float32),
        ],
    )(hT, msgT, w, b.reshape(D, 1), eps.reshape(1, 1), batch_col,
      w1, b1.reshape(HID, 1), w2p, b2p.reshape(8, 1))


def _loss_body(d2z_ref, d2q_ref, pos_ref, a_ref, b_ref, ce_ref, pl_ref):
    am = a_ref[0, 0]
    bm = b_ref[0, 0]

    def prob(d2):
        t = d2 + 1e-12
        p = 1.0 / (1.0 + am * jnp.exp(bm * jnp.log(t)))
        return jnp.clip(p, EPS, 1.0 - EPS)

    p = prob(d2z_ref[...])
    q = prob(d2q_ref[...])
    ce = -(q * jnp.log(p) + (1.0 - q) * jnp.log(1.0 - p))
    ce_ref[...] = (jnp.sum(ce) / E).reshape(1, 1)
    pl_ref[...] = (jnp.sum(pos_ref[...] ** 2) / (N * 3)).reshape(1, 1)


def _loss(d2z, d2q, pos, a, b):
    return pl.pallas_call(
        _loss_body,
        out_shape=[
            jax.ShapeDtypeStruct((1, 1), jnp.float32),
            jax.ShapeDtypeStruct((1, 1), jnp.float32),
        ],
    )(d2z.reshape(E // 128, 128), d2q.reshape(E // 128, 128), pos,
      a.reshape(1, 1), b.reshape(1, 1))



def _segsum_body(hP_hbm, pk_hbm, out_hbm,
                 h0, h1, m0, m1, m2, m3, pkA, pkB, semA, semB):
    wid = lax.axis_index("s") * NC + lax.axis_index("c")
    base = wid * 2
    hcols = (h0, h1)
    mcols = (m0, m1, m2, m3)
    pltpu.async_copy(pk_hbm.at[pl.ds(0, CH_SS)], pkA, semA)
    for c in range(2):
        pltpu.sync_copy(hP_hbm.at[base + c], hcols[c])

    def zero_body(i, _):
        z = jnp.zeros((LANES,), jnp.float32)
        for c in range(CPT):
            mcols[c][pl.ds(i * LANES, LANES)] = z
        return 0

    lax.fori_loop(0, N // LANES, zero_body, 0)

    def process(buf):
        def grp_body(j, _):
            bj = j * (4 * LANES)
            pk = [buf[pl.ds(bj + u * LANES, LANES)] for u in range(4)]
            ss = [jnp.bitwise_and(p, jnp.int32(0xFFFF)) for p in pk]
            dd = [lax.shift_right_logical(p, jnp.int32(16)) for p in pk]
            gs = [[plsc.load_gather(hcols[c], [ss[u]]) for c in range(2)]
                  for u in range(4)]
            for u in range(4):
                a0, b0 = plsc.unpack(plsc.bitcast(gs[u][0], jnp.bfloat16),
                                     format=plsc.PackFormat.INTERLEAVED,
                                     preferred_element_type=jnp.float32)
                a1, b1 = plsc.unpack(plsc.bitcast(gs[u][1], jnp.bfloat16),
                                     format=plsc.PackFormat.INTERLEAVED,
                                     preferred_element_type=jnp.float32)
                plsc.addupdate_scatter(mcols[0], [dd[u]], a0)
                plsc.addupdate_scatter(mcols[1], [dd[u]], a1)
                plsc.addupdate_scatter(mcols[2], [dd[u]], b0)
                plsc.addupdate_scatter(mcols[3], [dd[u]], b1)
            return 0

        lax.fori_loop(0, CH_SS // (4 * LANES), grp_body, 0)

    def chunk2_body(k, _):
        cpB = pltpu.async_copy(
            pk_hbm.at[pl.ds((2 * k + 1) * CH_SS, CH_SS)], pkB, semB)
        pltpu.make_async_copy(pk_hbm.at[pl.ds(0, CH_SS)], pkA, semA).wait()
        process(pkA)

        @pl.when(k < NCH_SS // 2 - 1)
        def _():
            pltpu.async_copy(
                pk_hbm.at[pl.ds((2 * k + 2) * CH_SS, CH_SS)], pkA, semA)

        cpB.wait()
        process(pkB)
        return 0

    lax.fori_loop(0, NCH_SS // 2, chunk2_body, 0)
    pltpu.sync_copy(m0, out_hbm.at[base])
    pltpu.sync_copy(m1, out_hbm.at[base + 1])
    pltpu.sync_copy(m2, out_hbm.at[D // 2 + base])
    pltpu.sync_copy(m3, out_hbm.at[D // 2 + base + 1])


_segsum = functools.partial(
    pl.kernel,
    _segsum_body,
    out_type=jax.ShapeDtypeStruct((D, N), jnp.float32),
    mesh=_sc_mesh,
    compiler_params=pltpu.CompilerParams(needs_layout_passes=False,
                                        use_tc_tiling_on_sc=False),
    scratch_types=(
        [pltpu.VMEM((N,), jnp.float32)] * 6
        + [pltpu.VMEM((CH_SS,), jnp.int32)] * 2
        + [pltpu.SemaphoreType.DMA] * 2
    ),
)()


def _edge_d2_body(zi_hbm, pos_hbm, pk_hbm, d2z_hbm, d2q_hbm,
                  z0, z1, z2, p0, p1, p2, pkbuf, oz, oq):
    wid = lax.axis_index("s") * NC + lax.axis_index("c")
    zcols = (z0, z1, z2)
    pcols = (p0, p1, p2)
    for c in range(3):
        pltpu.sync_copy(zi_hbm.at[c], zcols[c])
        pltpu.sync_copy(pos_hbm.at[c], pcols[c])
    base = wid * EPT

    def chunk_body(k, _):
        off = base + k * CH_E
        pltpu.sync_copy(pk_hbm.at[pl.ds(off, CH_E)], pkbuf)

        def grp_body(j, _):
            for u in range(2):
                jj = j * (2 * LANES) + u * LANES
                p = pkbuf[pl.ds(jj, LANES)]
                s = jnp.bitwise_and(p, jnp.int32(0xFFFF))
                d = lax.shift_right_logical(p, jnp.int32(16))
                zs = [plsc.load_gather(zcols[c], [s]) for c in range(3)]
                zd = [plsc.load_gather(zcols[c], [d]) for c in range(3)]
                ps = [plsc.load_gather(pcols[c], [s]) for c in range(3)]
                pd = [plsc.load_gather(pcols[c], [d]) for c in range(3)]
                az = jnp.zeros((LANES,), jnp.float32)
                aq = jnp.zeros((LANES,), jnp.float32)
                for c in range(3):
                    dz = zs[c] - zd[c]
                    az = az + dz * dz
                    dq = ps[c] - pd[c]
                    aq = aq + dq * dq
                oz[pl.ds(jj, LANES)] = az
                oq[pl.ds(jj, LANES)] = aq
            return 0

        lax.fori_loop(0, CH_E // (2 * LANES), grp_body, 0)
        pltpu.sync_copy(oz, d2z_hbm.at[pl.ds(off, CH_E)])
        pltpu.sync_copy(oq, d2q_hbm.at[pl.ds(off, CH_E)])
        return 0

    lax.fori_loop(0, EPT // CH_E, chunk_body, 0)


_edge_d2 = functools.partial(
    pl.kernel,
    _edge_d2_body,
    out_type=(
        jax.ShapeDtypeStruct((E,), jnp.float32),
        jax.ShapeDtypeStruct((E,), jnp.float32),
    ),
    mesh=_sc_mesh,
    compiler_params=pltpu.CompilerParams(needs_layout_passes=False,
                                        use_tc_tiling_on_sc=False),
    scratch_types=(
        [pltpu.VMEM((N,), jnp.float32)] * 6
        + [pltpu.VMEM((CH_E,), jnp.int32)]
        + [pltpu.VMEM((CH_E,), jnp.float32)] * 2
    ),
)()



def kernel(x, edge_index, batch, pos, a, b, params, epoch):
    src = edge_index[0]
    dst = edge_index[1]
    p = params

    hT, hP, packed = _encode(x, p['enc_W'], p['enc_b'], src, dst)
    packed = packed.reshape(E)
    for l in range(L - 1):
        msgT = _segsum(hP, packed)
        hT, hP = _gin(hT, msgT, p['gin_W'][l], p['gin_b'][l], p['gin_eps'][l])
    msgT = _segsum(hP, packed)

    w2p = jnp.zeros((HID, 8), jnp.float32).at[:, :3].set(p['z_W2'])
    b2p = jnp.zeros((8,), jnp.float32).at[:3].set(p['z_b2'])
    graph_feat, ziT8 = _head(hT, msgT, p['gin_W'][L - 1], p['gin_b'][L - 1],
                             p['gin_eps'][L - 1], batch.reshape(N, 1),
                             p['z_W1'], p['z_b1'], w2p, b2p)

    d2z, d2q = _edge_d2(ziT8[:3], pos.T, packed)
    ce, ploss = _loss(d2z, d2q, pos, a, b)

    pred_pos = jnp.zeros((N, 3), x.dtype)
    return pred_pos, graph_feat, ploss.reshape(()), ce.reshape(())

# --- scband reference (transcript-rebuilt; emitter-appended) ---
"""Pipeline reference for scband-gnnencoder-41807211660011 (READ-ONLY COPY).

The authoritative reference and input builder live on the scoring server;
editing this copy changes nothing except your own understanding.
"""

import jax, jax.numpy as jnp
import numpy as np

N = 10000
E = 320000
D = 128
HID = 128
G = 64
L = 3
EPS = 1e-7


def setup_inputs(seed: int = 0):
    key = jax.random.key(seed)
    ks = jax.random.split(key, 16)
    x = jax.random.normal(ks[0], (N, D), dtype=jnp.float32)
    edge_index = jax.random.randint(ks[1], (2, E), 0, N, dtype=jnp.int32)
    batch = jnp.sort(jax.random.randint(ks[2], (N,), 0, G, dtype=jnp.int32))
    pos = jax.random.normal(ks[3], (N, 3), dtype=jnp.float32)
    a = jax.random.uniform(ks[4], (1,), dtype=jnp.float32) + 0.5
    b = jax.random.uniform(ks[5], (1,), dtype=jnp.float32) * 0.5 + 0.5
    s = 1.0 / np.sqrt(D)
    params = {
        'enc_W': jax.random.normal(ks[6], (D, D), dtype=jnp.float32) * s,
        'enc_b': jnp.zeros((D,), dtype=jnp.float32),
        'gin_W': jax.random.normal(ks[7], (L, D, D), dtype=jnp.float32) * s,
        'gin_b': jnp.zeros((L, D), dtype=jnp.float32),
        'gin_eps': jnp.zeros((L,), dtype=jnp.float32),
        'z_W1': jax.random.normal(ks[8], (D, HID), dtype=jnp.float32) * s,
        'z_b1': jnp.zeros((HID,), dtype=jnp.float32),
        'z_W2': jax.random.normal(ks[9], (HID, 3), dtype=jnp.float32) * s,
        'z_b2': jnp.zeros((3,), dtype=jnp.float32),
    }
    return {'x': x, 'edge_index': edge_index, 'batch': batch, 'pos': pos, 'a': a, 'b': b, 'params': params, 'epoch': 0}


def _prob_low_dim(Z, src, dst, am, bm):
    # UMAP-style low-dimensional membership probability evaluated on graph edge pairs
    dz = Z[src] - Z[dst]
    d2 = jnp.sum(dz * dz, axis=-1)
    p = 1.0 / (1.0 + am * jnp.power(d2 + 1e-12, bm))
    return jnp.clip(p, EPS, 1.0 - EPS)


def _forward(x, pos, a, b, params, src, dst, batch):
    # GNN_node: GIN-style message passing (gather on src, scatter-add on dst)
    h = jax.nn.relu(x @ params['enc_W'] + params['enc_b'])
    for l in range(L):
        msg = jax.ops.segment_sum(h[src], dst, num_segments=N)
        h = jax.nn.relu(((1.0 + params['gin_eps'][l]) * h + msg) @ params['gin_W'][l] + params['gin_b'][l])
    # global_mean_pool over batch segment ids
    graph_sum = jax.ops.segment_sum(h, batch, num_segments=G)
    counts = jnp.maximum(jnp.bincount(batch, length=G), 1).astype(h.dtype)
    graph_feat = graph_sum / counts[:, None]
    # mlp4Z -> Zi
    z1 = jax.nn.relu(h @ params['z_W1'] + params['z_b1'])
    Zi = z1 @ params['z_W2'] + params['z_b2']
    am = jnp.mean(a)
    bm = jnp.mean(b)
    Phat = _prob_low_dim(Zi, src, dst, am, bm)
    Q = _prob_low_dim(pos, src, dst, am, bm)
    CE = jnp.mean(-(Q * jnp.log(Phat) + (1.0 - Q) * jnp.log(1.0 - Phat)))
    pred_pos = jnp.zeros((N, 3), dtype=x.dtype)
    pos_loss = jnp.mean((pred_pos - pos) ** 2)
    mani_loss = CE
    return pred_pos, graph_feat, pos_loss, mani_loss


def reference(x, edge_index, batch, pos, a, b, params, epoch):
    src = edge_index[0]
    dst = edge_index[1]
    return _forward(x, pos, a, b, params, src, dst, batch)

if __name__ == "__main__":
    import jax
    _d = setup_inputs()
    print(jax.jit(kernel)(*tuple(_d.values())))

</pallas_src>

<mosaic_0001>
#map = affine_map<(d0, d1) -> (0, 0)>
#map1 = affine_map<(d0, d1) -> (0)>
module attributes {stable_mosaic.version = 14 : i64} {
  func.func @_segsum_body(%arg0: i32, %arg1: i32, %arg2: memref<64x10000xf32, #tpu.memory_space<hbm>>, %arg3: memref<320000xi32, #tpu.memory_space<hbm>>, %arg4: memref<128x10000xf32, #tpu.memory_space<hbm>>, %arg5: memref<10000xf32, #tpu.memory_space<vmem>>, %arg6: memref<10000xf32, #tpu.memory_space<vmem>>, %arg7: memref<10000xf32, #tpu.memory_space<vmem>>, %arg8: memref<10000xf32, #tpu.memory_space<vmem>>, %arg9: memref<10000xf32, #tpu.memory_space<vmem>>, %arg10: memref<10000xf32, #tpu.memory_space<vmem>>, %arg11: memref<16000xi32, #tpu.memory_space<vmem>>, %arg12: memref<16000xi32, #tpu.memory_space<vmem>>, %arg13: memref<!tpu.dma_semaphore, #tpu.memory_space<semaphore_mem>>, %arg14: memref<!tpu.dma_semaphore, #tpu.memory_space<semaphore_mem>>) attributes {dimension_semantics = [#tpu.dimension_semantics<core_parallel>, #tpu.dimension_semantics<subcore_parallel>], iteration_bounds = array<i64: 2, 16>, scalar_prefetch = 0 : i64, scratch_operands = 10 : i64, tpu.core_type = #tpu.core_type<sc_vector_subcore>, window_params = [{transform_indices = #map}, {transform_indices = #map1}, {transform_indices = #map}]} {
    %mul3A = arith.constant 2 : i32
    %mul3A_0 = arith.muli %arg1, %mul3A : i32
    %add3A = arith.addi %mul3A_0, %arg0 : i32
    %mul3A_1 = arith.constant 2 : i32
    %mul3A_2 = arith.muli %add3A, %mul3A_1 : i32
    %dma_start3A = arith.constant 0 : i32
    %dma_start3A_3 = tpu.memref_slice %arg3[%dma_start3A] : memref<320000xi32, #tpu.memory_space<hbm>> -> memref<16000xi32, #tpu.memory_space<hbm>>
    %dma_start3A_4 = arith.constant 0 : i32
    %dma_start3A_5 = tpu.memref_slice %arg3[%dma_start3A_4] : memref<320000xi32, #tpu.memory_space<hbm>> -> memref<16000xi32, #tpu.memory_space<hbm>>
    tpu.enqueue_dma source(%dma_start3A_5 : memref<16000xi32, #tpu.memory_space<hbm>>) target(%arg11 : memref<16000xi32, #tpu.memory_space<vmem>>) target_semaphore(%arg13 : memref<!tpu.dma_semaphore, #tpu.memory_space<semaphore_mem>>)
    %add3A_6 = arith.constant 0 : i32
    %add3A_7 = arith.addi %mul3A_2, %add3A_6 : i32
    "tpu.region"() ({
      %run_scoped3A = tpu.sem_alloc : memref<!tpu.dma_semaphore, #tpu.memory_space<semaphore_mem>>
      %dma_start3A_31 = arith.constant 0 : i32
      %dma_start3A_32 = tpu.memref_slice %arg2[%add3A_7, %dma_start3A_31] : memref<64x10000xf32, #tpu.memory_space<hbm>> -> memref<1x10000xf32, #tpu.memory_space<hbm>>
      %dma_start3A_33 = tpu.memref_squeeze %dma_start3A_32 : memref<1x10000xf32, #tpu.memory_space<hbm>> -> memref<10000xf32, #tpu.memory_space<hbm>>
      %dma_start3A_34 = arith.constant 0 : i32
      %dma_start3A_35 = tpu.memref_slice %arg2[%add3A_7, %dma_start3A_34] : memref<64x10000xf32, #tpu.memory_space<hbm>> -> memref<1x10000xf32, #tpu.memory_space<hbm>>
      %dma_start3A_36 = tpu.memref_squeeze %dma_start3A_35 : memref<1x10000xf32, #tpu.memory_space<hbm>> -> memref<10000xf32, #tpu.memory_space<hbm>>
      tpu.enqueue_dma source(%dma_start3A_36 : memref<10000xf32, #tpu.memory_space<hbm>>) target(%arg5 : memref<10000xf32, #tpu.memory_space<vmem>>) target_semaphore(%run_scoped3A : memref<!tpu.dma_semaphore, #tpu.memory_space<semaphore_mem>>)
      %dma_wait3A = arith.constant 0 : i32
      %dma_wait3A_37 = tpu.memref_slice %arg2[%add3A_7, %dma_wait3A] : memref<64x10000xf32, #tpu.memory_space<hbm>> -> memref<1x10000xf32, #tpu.memory_space<hbm>>
      %dma_wait3A_38 = tpu.memref_squeeze %dma_wait3A_37 : memref<1x10000xf32, #tpu.memory_space<hbm>> -> memref<10000xf32, #tpu.memory_space<hbm>>
      %dma_wait3A_39 = arith.constant 0 : i32
      %dma_wait3A_40 = tpu.memref_slice %arg2[%add3A_7, %dma_wait3A_39] : memref<64x10000xf32, #tpu.memory_space<hbm>> -> memref<1x10000xf32, #tpu.memory_space<hbm>>
      %dma_wait3A_41 = tpu.memref_squeeze %dma_wait3A_40 : memref<1x10000xf32, #tpu.memory_space<hbm>> -> memref<10000xf32, #tpu.memory_space<hbm>>
      tpu.wait_dma2 semaphore(%run_scoped3A : memref<!tpu.dma_semaphore, #tpu.memory_space<semaphore_mem>>) src(%dma_wait3A_41 : memref<10000xf32, #tpu.memory_space<hbm>>) dst(%arg5 : memref<10000xf32, #tpu.memory_space<vmem>>)
      tpu.yield
    }) : () -> ()
    %add3A_8 = arith.constant 1 : i32
    %add3A_9 = arith.addi %mul3A_2, %add3A_8 : i32
    "tpu.region"() ({
      %run_scoped3A = tpu.sem_alloc : memref<!tpu.dma_semaphore, #tpu.memory_space<semaphore_mem>>
      %dma_start3A_31 = arith.constant 0 : i32
      %dma_start3A_32 = tpu.memref_slice %arg2[%add3A_9, %dma_start3A_31] : memref<64x10000xf32, #tpu.memory_space<hbm>> -> memref<1x10000xf32, #tpu.memory_space<hbm>>
      %dma_start3A_33 = tpu.memref_squeeze %dma_start3A_32 : memref<1x10000xf32, #tpu.memory_space<hbm>> -> memref<10000xf32, #tpu.memory_space<hbm>>
      %dma_start3A_34 = arith.constant 0 : i32
      %dma_start3A_35 = tpu.memref_slice %arg2[%add3A_9, %dma_start3A_34] : memref<64x10000xf32, #tpu.memory_space<hbm>> -> memref<1x10000xf32, #tpu.memory_space<hbm>>
      %dma_start3A_36 = tpu.memref_squeeze %dma_start3A_35 : memref<1x10000xf32, #tpu.memory_space<hbm>> -> memref<10000xf32, #tpu.memory_space<hbm>>
      tpu.enqueue_dma source(%dma_start3A_36 : memref<10000xf32, #tpu.memory_space<hbm>>) target(%arg6 : memref<10000xf32, #tpu.memory_space<vmem>>) target_semaphore(%run_scoped3A : memref<!tpu.dma_semaphore, #tpu.memory_space<semaphore_mem>>)
      %dma_wait3A = arith.constant 0 : i32
      %dma_wait3A_37 = tpu.memref_slice %arg2[%add3A_9, %dma_wait3A] : memref<64x10000xf32, #tpu.memory_space<hbm>> -> memref<1x10000xf32, #tpu.memory_space<hbm>>
      %dma_wait3A_38 = tpu.memref_squeeze %dma_wait3A_37 : memref<1x10000xf32, #tpu.memory_space<hbm>> -> memref<10000xf32, #tpu.memory_space<hbm>>
      %dma_wait3A_39 = arith.constant 0 : i32
      %dma_wait3A_40 = tpu.memref_slice %arg2[%add3A_9, %dma_wait3A_39] : memref<64x10000xf32, #tpu.memory_space<hbm>> -> memref<1x10000xf32, #tpu.memory_space<hbm>>
      %dma_wait3A_41 = tpu.memref_squeeze %dma_wait3A_40 : memref<1x10000xf32, #tpu.memory_space<hbm>> -> memref<10000xf32, #tpu.memory_space<hbm>>
      tpu.wait_dma2 semaphore(%run_scoped3A : memref<!tpu.dma_semaphore, #tpu.memory_space<semaphore_mem>>) src(%dma_wait3A_41 : memref<10000xf32, #tpu.memory_space<hbm>>) dst(%arg6 : memref<10000xf32, #tpu.memory_space<vmem>>)
      tpu.yield
    }) : () -> ()
    %scan3A = arith.constant 0 : i32
    %scan3A_10 = arith.constant 0 : i32
    %scan3A_11 = arith.constant 625 : i32
    %scan3A_12 = arith.addi %scan3A_10, %scan3A_11 : i32
    %scan3A_13 = arith.constant 1 : i32
    %scan3A_14 = scf.for %scan3A_31 = %scan3A_10 to %scan3A_12 step %scan3A_13 iter_args(%scan3A_32 = %scan3A) -> (i32)  : i32 {
      %broadcast_in_dim3A = arith.constant 0.000000e+00 : f32
      %broadcast_in_dim3A_33 = vector.broadcast %broadcast_in_dim3A : f32 to vector<16xf32>
      %mul3A_34 = arith.constant 16 : i32
      %mul3A_35 = arith.muli %scan3A_31, %mul3A_34 : i32
      %swap3A = arith.index_cast %mul3A_35 : i32 to index
      %swap3A_36 = tpu.vector_load %arg7[%swap3A] {strides = array<i32>} : memref<10000xf32, #tpu.memory_space<vmem>>, vector<16xf32>,
      tpu.vector_store %arg7[%swap3A], %broadcast_in_dim3A_33 {strides = array<i32>} : memref<10000xf32, #tpu.memory_space<vmem>>, vector<16xf32>,
      %mul3A_37 = arith.constant 16 : i32
      %mul3A_38 = arith.muli %scan3A_31, %mul3A_37 : i32
      %swap3A_39 = arith.index_cast %mul3A_38 : i32 to index
      %swap3A_40 = tpu.vector_load %arg8[%swap3A_39] {strides = array<i32>} : memref<10000xf32, #tpu.memory_space<vmem>>, vector<16xf32>,
      tpu.vector_store %arg8[%swap3A_39], %broadcast_in_dim3A_33 {strides = array<i32>} : memref<10000xf32, #tpu.memory_space<vmem>>, vector<16xf32>,
      %mul3A_41 = arith.constant 16 : i32
      %mul3A_42 = arith.muli %scan3A_31, %mul3A_41 : i32
      %swap3A_43 = arith.index_cast %mul3A_42 : i32 to index
      %swap3A_44 = tpu.vector_load %arg9[%swap3A_43] {strides = array<i32>} : memref<10000xf32, #tpu.memory_space<vmem>>, vector<16xf32>,
      tpu.vector_store %arg9[%swap3A_43], %broadcast_in_dim3A_33 {strides = array<i32>} : memref<10000xf32, #tpu.memory_space<vmem>>, vector<16xf32>,
      %mul3A_45 = arith.constant 16 : i32
      %mul3A_46 = arith.muli %scan3A_31, %mul3A_45 : i32
      %swap3A_47 = arith.index_cast %mul3A_46 : i32 to index
      %swap3A_48 = tpu.vector_load %arg10[%swap3A_47] {strides = array<i32>} : memref<10000xf32, #tpu.memory_space<vmem>>, vector<16xf32>,
      tpu.vector_store %arg10[%swap3A_47], %broadcast_in_dim3A_33 {strides = array<i32>} : memref<10000xf32, #tpu.memory_space<vmem>>, vector<16xf32>,
      %scan3A_49 = arith.constant 0 : i32
      scf.yield %scan3A_49 : i32
    }
    %scan3A_15 = arith.constant 625 : i32
    %scan3A_16 = arith.constant 0 : i32
    %scan3A_17 = arith.constant 0 : i32
    %scan3A_18 = arith.constant 10 : i32
    %scan3A_19 = arith.addi %scan3A_17, %scan3A_18 : i32
    %scan3A_20 = arith.constant 1 : i32
    %scan3A_21 = scf.for %scan3A_31 = %scan3A_17 to %scan3A_19 step %scan3A_20 iter_args(%scan3A_32 = %scan3A_16) -> (i32)  : i32 {
      %mul3A_33 = arith.constant 2 : i32
      %mul3A_34 = arith.muli %mul3A_33, %scan3A_31 : i32
      %add3A_35 = arith.constant 1 : i32
      %add3A_36 = arith.addi %mul3A_34, %add3A_35 : i32
      %mul3A_37 = arith.constant 16000 : i32
      %mul3A_38 = arith.muli %add3A_36, %mul3A_37 : i32
      %dma_start3A_39 = tpu.memref_slice %arg3[%mul3A_38] : memref<320000xi32, #tpu.memory_space<hbm>> -> memref<16000xi32, #tpu.memory_space<hbm>>
      %dma_start3A_40 = tpu.memref_slice %arg3[%mul3A_38] : memref<320000xi32, #tpu.memory_space<hbm>> -> memref<16000xi32, #tpu.memory_space<hbm>>
      tpu.enqueue_dma source(%dma_start3A_40 : memref<16000xi32, #tpu.memory_space<hbm>>) target(%arg12 : memref<16000xi32, #tpu.memory_space<vmem>>) target_semaphore(%arg14 : memref<!tpu.dma_semaphore, #tpu.memory_space<semaphore_mem>>)
      %dma_wait3A = arith.constant 0 : i32
      %dma_wait3A_41 = tpu.memref_slice %arg3[%dma_wait3A] : memref<320000xi32, #tpu.memory_space<hbm>> -> memref<16000xi32, #tpu.memory_space<hbm>>
      %dma_wait3A_42 = arith.constant 0 : i32
      %dma_wait3A_43 = tpu.memref_slice %arg3[%dma_wait3A_42] : memref<320000xi32, #tpu.memory_space<hbm>> -> memref<16000xi32, #tpu.memory_space<hbm>>
      tpu.wait_dma2 semaphore(%arg13 : memref<!tpu.dma_semaphore, #tpu.memory_space<semaphore_mem>>) src(%dma_wait3A_43 : memref<16000xi32, #tpu.memory_space<hbm>>) dst(%arg11 : memref<16000xi32, #tpu.memory_space<vmem>>)
      %scan3A_44 = arith.constant 0 : i32
      %scan3A_45 = arith.constant 0 : i32
      %scan3A_46 = arith.constant 250 : i32
      %scan3A_47 = arith.addi %scan3A_45, %scan3A_46 : i32
      %scan3A_48 = arith.constant 1 : i32
      %scan3A_49 = scf.for %scan3A_63 = %scan3A_45 to %scan3A_47 step %scan3A_48 iter_args(%scan3A_64 = %scan3A_44) -> (i32)  : i32 {
        %mul3A_65 = arith.constant 64 : i32
        %mul3A_66 = arith.muli %scan3A_63, %mul3A_65 : i32
        %add3A_67 = arith.constant 0 : i32
        %add3A_68 = arith.addi %mul3A_66, %add3A_67 : i32
        %get3A = arith.index_cast %add3A_68 : i32 to index
        %get3A_69 = tpu.vector_load %arg11[%get3A] {strides = array<i32>} : memref<16000xi32, #tpu.memory_space<vmem>>, vector<16xi32>,
        %add3A_70 = arith.constant 16 : i32
        %add3A_71 = arith.addi %mul3A_66, %add3A_70 : i32
        %get3A_72 = arith.index_cast %add3A_71 : i32 to index
        %get3A_73 = tpu.vector_load %arg11[%get3A_72] {strides = array<i32>} : memref<16000xi32, #tpu.memory_space<vmem>>, vector<16xi32>,
        %add3A_74 = arith.constant 32 : i32
        %add3A_75 = arith.addi %mul3A_66, %add3A_74 : i32
        %get3A_76 = arith.index_cast %add3A_75 : i32 to index
        %get3A_77 = tpu.vector_load %arg11[%get3A_76] {strides = array<i32>} : memref<16000xi32, #tpu.memory_space<vmem>>, vector<16xi32>,
        %add3A_78 = arith.constant 48 : i32
        %add3A_79 = arith.addi %mul3A_66, %add3A_78 : i32
        %get3A_80 = arith.index_cast %add3A_79 : i32 to index
        %get3A_81 = tpu.vector_load %arg11[%get3A_80] {strides = array<i32>} : memref<16000xi32, #tpu.memory_space<vmem>>, vector<16xi32>,
        %and3A = arith.constant 65535 : i32
        %and3A_82 = vector.broadcast %and3A : i32 to vector<16xi32>
        %and3A_83 = arith.andi %get3A_69, %and3A_82 : vector<16xi32>
        %and3A_84 = arith.constant 65535 : i32
        %and3A_85 = vector.broadcast %and3A_84 : i32 to vector<16xi32>
        %and3A_86 = arith.andi %get3A_73, %and3A_85 : vector<16xi32>
        %and3A_87 = arith.constant 65535 : i32
        %and3A_88 = vector.broadcast %and3A_87 : i32 to vector<16xi32>
        %and3A_89 = arith.andi %get3A_77, %and3A_88 : vector<16xi32>
        %and3A_90 = arith.constant 65535 : i32
        %and3A_91 = vector.broadcast %and3A_90 : i32 to vector<16xi32>
        %and3A_92 = arith.andi %get3A_81, %and3A_91 : vector<16xi32>
        %shift_right_logical3A = arith.constant 16 : i32
        %shift_right_logical3A_93 = vector.broadcast %shift_right_logical3A : i32 to vector<16xi32>
        %shift_right_logical3A_94 = arith.shrui %get3A_69, %shift_right_logical3A_93 : vector<16xi32>
        %shift_right_logical3A_95 = arith.constant 16 : i32
        %shift_right_logical3A_96 = vector.broadcast %shift_right_logical3A_95 : i32 to vector<16xi32>
        %shift_right_logical3A_97 = arith.shrui %get3A_73, %shift_right_logical3A_96 : vector<16xi32>
        %shift_right_logical3A_98 = arith.constant 16 : i32
        %shift_right_logical3A_99 = vector.broadcast %shift_right_logical3A_98 : i32 to vector<16xi32>
        %shift_right_logical3A_100 = arith.shrui %get3A_77, %shift_right_logical3A_99 : vector<16xi32>
        %shift_right_logical3A_101 = arith.constant 16 : i32
        %shift_right_logical3A_102 = vector.broadcast %shift_right_logical3A_101 : i32 to vector<16xi32>
        %shift_right_logical3A_103 = arith.shrui %get3A_81, %shift_right_logical3A_102 : vector<16xi32>
        %gather3A = tpu.vector_load_idx %arg5[%and3A_83] : memref<10000xf32, #tpu.memory_space<vmem>>[vector<16xi32>], vector<16xf32>,
        %gather3A_104 = tpu.vector_load_idx %arg6[%and3A_83] : memref<10000xf32, #tpu.memory_space<vmem>>[vector<16xi32>], vector<16xf32>,
        %gather3A_105 = tpu.vector_load_idx %arg5[%and3A_86] : memref<10000xf32, #tpu.memory_space<vmem>>[vector<16xi32>], vector<16xf32>,
        %gather3A_106 = tpu.vector_load_idx %arg6[%and3A_86] : memref<10000xf32, #tpu.memory_space<vmem>>[vector<16xi32>], vector<16xf32>,
        %gather3A_107 = tpu.vector_load_idx %arg5[%and3A_89] : memref<10000xf32, #tpu.memory_space<vmem>>[vector<16xi32>], vector<16xf32>,
        %gather3A_108 = tpu.vector_load_idx %arg6[%and3A_89] : memref<10000xf32, #tpu.memory_space<vmem>>[vector<16xi32>], vector<16xf32>,
        %gather3A_109 = tpu.vector_load_idx %arg5[%and3A_92] : memref<10000xf32, #tpu.memory_space<vmem>>[vector<16xi32>], vector<16xf32>,
        %gather3A_110 = tpu.vector_load_idx %arg6[%and3A_92] : memref<10000xf32, #tpu.memory_space<vmem>>[vector<16xi32>], vector<16xf32>,
        %bitcast3A = vector.bitcast %gather3A : vector<16xf32> to vector<32xbf16>
        %unpack3A = tpu.unpack_subelements %bitcast3A, 0 {pack_format = #tpu.pack_format<interleaved>} : vector<32xbf16> -> vector<16xf32>
        %unpack3A_111 = tpu.unpack_subelements %bitcast3A, 1 {pack_format = #tpu.pack_format<interleaved>} : vector<32xbf16> -> vector<16xf32>
        %bitcast3A_112 = vector.bitcast %gather3A_104 : vector<16xf32> to vector<32xbf16>
        %unpack3A_113 = tpu.unpack_subelements %bitcast3A_112, 0 {pack_format = #tpu.pack_format<interleaved>} : vector<32xbf16> -> vector<16xf32>
        %unpack3A_114 = tpu.unpack_subelements %bitcast3A_112, 1 {pack_format = #tpu.pack_format<interleaved>} : vector<32xbf16> -> vector<16xf32>
        tpu.vector_store_idx %arg7[%shift_right_logical3A_94], %unpack3A {add = true} : memref<10000xf32, #tpu.memory_space<vmem>>[vector<16xi32>], vector<16xf32>,
        tpu.vector_store_idx %arg8[%shift_right_logical3A_94], %unpack3A_113 {add = true} : memref<10000xf32, #tpu.memory_space<vmem>>[vector<16xi32>], vector<16xf32>,
        tpu.vector_store_idx %arg9[%shift_right_logical3A_94], %unpack3A_111 {add = true} : memref<10000xf32, #tpu.memory_space<vmem>>[vector<16xi32>], vector<16xf32>,
        tpu.vector_store_idx %arg10[%shift_right_logical3A_94], %unpack3A_114 {add = true} : memref<10000xf32, #tpu.memory_space<vmem>>[vector<16xi32>], vector<16xf32>,
        %bitcast3A_115 = vector.bitcast %gather3A_105 : vector<16xf32> to vector<32xbf16>
        %unpack3A_116 = tpu.unpack_subelements %bitcast3A_115, 0 {pack_format = #tpu.pack_format<interleaved>} : vector<32xbf16> -> vector<16xf32>
        %unpack3A_117 = tpu.unpack_subelements %bitcast3A_115, 1 {pack_format = #tpu.pack_format<interleaved>} : vector<32xbf16> -> vector<16xf32>
        %bitcast3A_118 = vector.bitcast %gather3A_106 : vector<16xf32> to vector<32xbf16>
        %unpack3A_119 = tpu.unpack_subelements %bitcast3A_118, 0 {pack_format = #tpu.pack_format<interleaved>} : vector<32xbf16> -> vector<16xf32>
        %unpack3A_120 = tpu.unpack_subelements %bitcast3A_118, 1 {pack_format = #tpu.pack_format<interleaved>} : vector<32xbf16> -> vector<16xf32>
        tpu.vector_store_idx %arg7[%shift_right_logical3A_97], %unpack3A_116 {add = true} : memref<10000xf32, #tpu.memory_space<vmem>>[vector<16xi32>], vector<16xf32>,
        tpu.vector_store_idx %arg8[%shift_right_logical3A_97], %unpack3A_119 {add = true} : memref<10000xf32, #tpu.memory_space<vmem>>[vector<16xi32>], vector<16xf32>,
        tpu.vector_store_idx %arg9[%shift_right_logical3A_97], %unpack3A_117 {add = true} : memref<10000xf32, #tpu.memory_space<vmem>>[vector<16xi32>], vector<16xf32>,
        tpu.vector_store_idx %arg10[%shift_right_logical3A_97], %unpack3A_120 {add = true} : memref<10000xf32, #tpu.memory_space<vmem>>[vector<16xi32>], vector<16xf32>,
        %bitcast3A_121 = vector.bitcast %gather3A_107 : vector<16xf32> to vector<32xbf16>
        %unpack3A_122 = tpu.unpack_subelements %bitcast3A_121, 0 {pack_format = #tpu.pack_format<interleaved>} : vector<32xbf16> -> vector<16xf32>
        %unpack3A_123 = tpu.unpack_subelements %bitcast3A_121, 1 {pack_format = #tpu.pack_format<interleaved>} : vector<32xbf16> -> vector<16xf32>
        %bitcast3A_124 = vector.bitcast %gather3A_108 : vector<16xf32> to vector<32xbf16>
        %unpack3A_125 = tpu.unpack_subelements %bitcast3A_124, 0 {pack_format = #tpu.pack_format<interleaved>} : vector<32xbf16> -> vector<16xf32>
        %unpack3A_126 = tpu.unpack_subelements %bitcast3A_124, 1 {pack_format = #tpu.pack_format<interleaved>} : vector<32xbf16> -> vector<16xf32>
        tpu.vector_store_idx %arg7[%shift_right_logical3A_100], %unpack3A_122 {add = true} : memref<10000xf32, #tpu.memory_space<vmem>>[vector<16xi32>], vector<16xf32>,
        tpu.vector_store_idx %arg8[%shift_right_logical3A_100], %unpack3A_125 {add = true} : memref<10000xf32, #tpu.memory_space<vmem>>[vector<16xi32>], vector<16xf32>,
        tpu.vector_store_idx %arg9[%shift_right_logical3A_100], %unpack3A_123 {add = true} : memref<10000xf32, #tpu.memory_space<vmem>>[vector<16xi32>], vector<16xf32>,
        tpu.vector_store_idx %arg10[%shift_right_logical3A_100], %unpack3A_126 {add = true} : memref<10000xf32, #tpu.memory_space<vmem>>[vector<16xi32>], vector<16xf32>,
        %bitcast3A_127 = vector.bitcast %gather3A_109 : vector<16xf32> to vector<32xbf16>
        %unpack3A_128 = tpu.unpack_subelements %bitcast3A_127, 0 {pack_format = #tpu.pack_format<interleaved>} : vector<32xbf16> -> vector<16xf32>
        %unpack3A_129 = tpu.unpack_subelements %bitcast3A_127, 1 {pack_format = #tpu.pack_format<interleaved>} : vector<32xbf16> -> vector<16xf32>
        %bitcast3A_130 = vector.bitcast %gather3A_110 : vector<16xf32> to vector<32xbf16>
        %unpack3A_131 = tpu.unpack_subelements %bitcast3A_130, 0 {pack_format = #tpu.pack_format<interleaved>} : vector<32xbf16> -> vector<16xf32>
        %unpack3A_132 = tpu.unpack_subelements %bitcast3A_130, 1 {pack_format = #tpu.pack_format<interleaved>} : vector<32xbf16> -> vector<16xf32>
        tpu.vector_store_idx %arg7[%shift_right_logical3A_103], %unpack3A_128 {add = true} : memref<10000xf32, #tpu.memory_space<vmem>>[vector<16xi32>], vector<16xf32>,
        tpu.vector_store_idx %arg8[%shift_right_logical3A_103], %unpack3A_131 {add = true} : memref<10000xf32, #tpu.memory_space<vmem>>[vector<16xi32>], vector<16xf32>,
        tpu.vector_store_idx %arg9[%shift_right_logical3A_103], %unpack3A_129 {add = true} : memref<10000xf32, #tpu.memory_space<vmem>>[vector<16xi32>], vector<16xf32>,
        tpu.vector_store_idx %arg10[%shift_right_logical3A_103], %unpack3A_132 {add = true} : memref<10000xf32, #tpu.memory_space<vmem>>[vector<16xi32>], vector<16xf32>,
        %scan3A_133 = arith.constant 0 : i32
        scf.yield %scan3A_133 : i32
      }
      %scan3A_50 = arith.constant 250 : i32
      %lt3A = arith.constant 9 : i32
      %lt3A_51 = arith.cmpi slt, %scan3A_31, %lt3A : i32
      %convert_element_type3A = arith.extui %lt3A_51 : i1 to i32
      %cond3A = arith.constant 0 : i32
      %cond3A_52 = arith.cmpi ne, %convert_element_type3A, %cond3A : i32
      scf.if %cond3A_52 {
        %mul3A_63 = arith.constant 2 : i32
        %mul3A_64 = arith.muli %mul3A_63, %scan3A_31 : i32
        %add3A_65 = arith.constant 2 : i32
        %add3A_66 = arith.addi %mul3A_64, %add3A_65 : i32
        %mul3A_67 = arith.constant 16000 : i32
        %mul3A_68 = arith.muli %add3A_66, %mul3A_67 : i32
        %dma_start3A_69 = tpu.memref_slice %arg3[%mul3A_68] : memref<320000xi32, #tpu.memory_space<hbm>> -> memref<16000xi32, #tpu.memory_space<hbm>>
        %dma_start3A_70 = tpu.memref_slice %arg3[%mul3A_68] : memref<320000xi32, #tpu.memory_space<hbm>> -> memref<16000xi32, #tpu.memory_space<hbm>>
        tpu.enqueue_dma source(%dma_start3A_70 : memref<16000xi32, #tpu.memory_space<hbm>>) target(%arg11 : memref<16000xi32, #tpu.memory_space<vmem>>) target_semaphore(%arg13 : memref<!tpu.dma_semaphore, #tpu.memory_space<semaphore_mem>>)
      } else {
      }
      %dma_wait3A_53 = tpu.memref_slice %arg3[%mul3A_38] : memref<320000xi32, #tpu.memory_space<hbm>> -> memref<16000xi32, #tpu.memory_space<hbm>>
      %dma_wait3A_54 = tpu.memref_slice %arg3[%mul3A_38] : memref<320000xi32, #tpu.memory_space<hbm>> -> memref<16000xi32, #tpu.memory_space<hbm>>
      tpu.wait_dma2 semaphore(%arg14 : memref<!tpu.dma_semaphore, #tpu.memory_space<semaphore_mem>>) src(%dma_wait3A_54 : memref<16000xi32, #tpu.memory_space<hbm>>) dst(%arg12 : memref<16000xi32, #tpu.memory_space<vmem>>)
      %scan3A_55 = arith.constant 0 : i32
      %scan3A_56 = arith.constant 0 : i32
      %scan3A_57 = arith.constant 250 : i32
      %scan3A_58 = arith.addi %scan3A_56, %scan3A_57 : i32
      %scan3A_59 = arith.constant 1 : i32
      %scan3A_60 = scf.for %scan3A_63 = %scan3A_56 to %scan3A_58 step %scan3A_59 iter_args(%scan3A_64 = %scan3A_55) -> (i32)  : i32 {
        %mul3A_65 = arith.constant 64 : i32
        %mul3A_66 = arith.muli %scan3A_63, %mul3A_65 : i32
        %add3A_67 = arith.constant 0 : i32
        %add3A_68 = arith.addi %mul3A_66, %add3A_67 : i32
        %get3A = arith.index_cast %add3A_68 : i32 to index
        %get3A_69 = tpu.vector_load %arg12[%get3A] {strides = array<i32>} : memref<16000xi32, #tpu.memory_space<vmem>>, vector<16xi32>,
        %add3A_70 = arith.constant 16 : i32
        %add3A_71 = arith.addi %mul3A_66, %add3A_70 : i32
        %get3A_72 = arith.index_cast %add3A_71 : i32 to index
        %get3A_73 = tpu.vector_load %arg12[%get3A_72] {strides = array<i32>} : memref<16000xi32, #tpu.memory_space<vmem>>, vector<16xi32>,
        %add3A_74 = arith.constant 32 : i32
        %add3A_75 = arith.addi %mul3A_66, %add3A_74 : i32
        %get3A_76 = arith.index_cast %add3A_75 : i32 to index
        %get3A_77 = tpu.vector_load %arg12[%get3A_76] {strides = array<i32>} : memref<16000xi32, #tpu.memory_space<vmem>>, vector<16xi32>,
        %add3A_78 = arith.constant 48 : i32
        %add3A_79 = arith.addi %mul3A_66, %add3A_78 : i32
        %get3A_80 = arith.index_cast %add3A_79 : i32 to index
        %get3A_81 = tpu.vector_load %arg12[%get3A_80] {strides = array<i32>} : memref<16000xi32, #tpu.memory_space<vmem>>, vector<16xi32>,
        %and3A = arith.constant 65535 : i32
        %and3A_82 = vector.broadcast %and3A : i32 to vector<16xi32>
        %and3A_83 = arith.andi %get3A_69, %and3A_82 : vector<16xi32>
        %and3A_84 = arith.constant 65535 : i32
        %and3A_85 = vector.broadcast %and3A_84 : i32 to vector<16xi32>
        %and3A_86 = arith.andi %get3A_73, %and3A_85 : vector<16xi32>
        %and3A_87 = arith.constant 65535 : i32
        %and3A_88 = vector.broadcast %and3A_87 : i32 to vector<16xi32>
        %and3A_89 = arith.andi %get3A_77, %and3A_88 : vector<16xi32>
        %and3A_90 = arith.constant 65535 : i32
        %and3A_91 = vector.broadcast %and3A_90 : i32 to vector<16xi32>
        %and3A_92 = arith.andi %get3A_81, %and3A_91 : vector<16xi32>
        %shift_right_logical3A = arith.constant 16 : i32
        %shift_right_logical3A_93 = vector.broadcast %shift_right_logical3A : i32 to vector<16xi32>
        %shift_right_logical3A_94 = arith.shrui %get3A_69, %shift_right_logical3A_93 : vector<16xi32>
        %shift_right_logical3A_95 = arith.constant 16 : i32
        %shift_right_logical3A_96 = vector.broadcast %shift_right_logical3A_95 : i32 to vector<16xi32>
        %shift_right_logical3A_97 = arith.shrui %get3A_73, %shift_right_logical3A_96 : vector<16xi32>
        %shift_right_logical3A_98 = arith.constant 16 : i32
        %shift_right_logical3A_99 = vector.broadcast %shift_right_logical3A_98 : i32 to vector<16xi32>
        %shift_right_logical3A_100 = arith.shrui %get3A_77, %shift_right_logical3A_99 : vector<16xi32>
        %shift_right_logical3A_101 = arith.constant 16 : i32
        %shift_right_logical3A_102 = vector.broadcast %shift_right_logical3A_101 : i32 to vector<16xi32>
        %shift_right_logical3A_103 = arith.shrui %get3A_81, %shift_right_logical3A_102 : vector<16xi32>
        %gather3A = tpu.vector_load_idx %arg5[%and3A_83] : memref<10000xf32, #tpu.memory_space<vmem>>[vector<16xi32>], vector<16xf32>,
        %gather3A_104 = tpu.vector_load_idx %arg6[%and3A_83] : memref<10000xf32, #tpu.memory_space<vmem>>[vector<16xi32>], vector<16xf32>,
        %gather3A_105 = tpu.vector_load_idx %arg5[%and3A_86] : memref<10000xf32, #tpu.memory_space<vmem>>[vector<16xi32>], vector<16xf32>,
        %gather3A_106 = tpu.vector_load_idx %arg6[%and3A_86] : memref<10000xf32, #tpu.memory_space<vmem>>[vector<16xi32>], vector<16xf32>,
        %gather3A_107 = tpu.vector_load_idx %arg5[%and3A_89] : memref<10000xf32, #tpu.memory_space<vmem>>[vector<16xi32>], vector<16xf32>,
        %gather3A_108 = tpu.vector_load_idx %arg6[%and3A_89] : memref<10000xf32, #tpu.memory_space<vmem>>[vector<16xi32>], vector<16xf32>,
        %gather3A_109 = tpu.vector_load_idx %arg5[%and3A_92] : memref<10000xf32, #tpu.memory_space<vmem>>[vector<16xi32>], vector<16xf32>,
        %gather3A_110 = tpu.vector_load_idx %arg6[%and3A_92] : memref<10000xf32, #tpu.memory_space<vmem>>[vector<16xi32>], vector<16xf32>,
        %bitcast3A = vector.bitcast %gather3A : vector<16xf32> to vector<32xbf16>
        %unpack3A = tpu.unpack_subelements %bitcast3A, 0 {pack_format = #tpu.pack_format<interleaved>} : vector<32xbf16> -> vector<16xf32>
        %unpack3A_111 = tpu.unpack_subelements %bitcast3A, 1 {pack_format = #tpu.pack_format<interleaved>} : vector<32xbf16> -> vector<16xf32>
        %bitcast3A_112 = vector.bitcast %gather3A_104 : vector<16xf32> to vector<32xbf16>
        %unpack3A_113 = tpu.unpack_subelements %bitcast3A_112, 0 {pack_format = #tpu.pack_format<interleaved>} : vector<32xbf16> -> vector<16xf32>
        %unpack3A_114 = tpu.unpack_subelements %bitcast3A_112, 1 {pack_format = #tpu.pack_format<interleaved>} : vector<32xbf16> -> vector<16xf32>
        tpu.vector_store_idx %arg7[%shift_right_logical3A_94], %unpack3A {add = true} : memref<10000xf32, #tpu.memory_space<vmem>>[vector<16xi32>], vector<16xf32>,
        tpu.vector_store_idx %arg8[%shift_right_logical3A_94], %unpack3A_113 {add = true} : memref<10000xf32, #tpu.memory_space<vmem>>[vector<16xi32>], vector<16xf32>,
        tpu.vector_store_idx %arg9[%shift_right_logical3A_94], %unpack3A_111 {add = true} : memref<10000xf32, #tpu.memory_space<vmem>>[vector<16xi32>], vector<16xf32>,
        tpu.vector_store_idx %arg10[%shift_right_logical3A_94], %unpack3A_114 {add = true} : memref<10000xf32, #tpu.memory_space<vmem>>[vector<16xi32>], vector<16xf32>,
        %bitcast3A_115 = vector.bitcast %gather3A_105 : vector<16xf32> to vector<32xbf16>
        %unpack3A_116 = tpu.unpack_subelements %bitcast3A_115, 0 {pack_format = #tpu.pack_format<interleaved>} : vector<32xbf16> -> vector<16xf32>
        %unpack3A_117 = tpu.unpack_subelements %bitcast3A_115, 1 {pack_format = #tpu.pack_format<interleaved>} : vector<32xbf16> -> vector<16xf32>
        %bitcast3A_118 = vector.bitcast %gather3A_106 : vector<16xf32> to vector<32xbf16>
        %unpack3A_119 = tpu.unpack_subelements %bitcast3A_118, 0 {pack_format = #tpu.pack_format<interleaved>} : vector<32xbf16> -> vector<16xf32>
        %unpack3A_120 = tpu.unpack_subelements %bitcast3A_118, 1 {pack_format = #tpu.pack_format<interleaved>} : vector<32xbf16> -> vector<16xf32>
        tpu.vector_store_idx %arg7[%shift_right_logical3A_97], %unpack3A_116 {add = true} : memref<10000xf32, #tpu.memory_space<vmem>>[vector<16xi32>], vector<16xf32>,
        tpu.vector_store_idx %arg8[%shift_right_logical3A_97], %unpack3A_119 {add = true} : memref<10000xf32, #tpu.memory_space<vmem>>[vector<16xi32>], vector<16xf32>,
        tpu.vector_store_idx %arg9[%shift_right_logical3A_97], %unpack3A_117 {add = true} : memref<10000xf32, #tpu.memory_space<vmem>>[vector<16xi32>], vector<16xf32>,
        tpu.vector_store_idx %arg10[%shift_right_logical3A_97], %unpack3A_120 {add = true} : memref<10000xf32, #tpu.memory_space<vmem>>[vector<16xi32>], vector<16xf32>,
        %bitcast3A_121 = vector.bitcast %gather3A_107 : vector<16xf32> to vector<32xbf16>
        %unpack3A_122 = tpu.unpack_subelements %bitcast3A_121, 0 {pack_format = #tpu.pack_format<interleaved>} : vector<32xbf16> -> vector<16xf32>
        %unpack3A_123 = tpu.unpack_subelements %bitcast3A_121, 1 {pack_format = #tpu.pack_format<interleaved>} : vector<32xbf16> -> vector<16xf32>
        %bitcast3A_124 = vector.bitcast %gather3A_108 : vector<16xf32> to vector<32xbf16>
        %unpack3A_125 = tpu.unpack_subelements %bitcast3A_124, 0 {pack_format = #tpu.pack_format<interleaved>} : vector<32xbf16> -> vector<16xf32>
        %unpack3A_126 = tpu.unpack_subelements %bitcast3A_124, 1 {pack_format = #tpu.pack_format<interleaved>} : vector<32xbf16> -> vector<16xf32>
        tpu.vector_store_idx %arg7[%shift_right_logical3A_100], %unpack3A_122 {add = true} : memref<10000xf32, #tpu.memory_space<vmem>>[vector<16xi32>], vector<16xf32>,
        tpu.vector_store_idx %arg8[%shift_right_logical3A_100], %unpack3A_125 {add = true} : memref<10000xf32, #tpu.memory_space<vmem>>[vector<16xi32>], vector<16xf32>,
        tpu.vector_store_idx %arg9[%shift_right_logical3A_100], %unpack3A_123 {add = true} : memref<10000xf32, #tpu.memory_space<vmem>>[vector<16xi32>], vector<16xf32>,
        tpu.vector_store_idx %arg10[%shift_right_logical3A_100], %unpack3A_126 {add = true} : memref<10000xf32, #tpu.memory_space<vmem>>[vector<16xi32>], vector<16xf32>,
        %bitcast3A_127 = vector.bitcast %gather3A_109 : vector<16xf32> to vector<32xbf16>
        %unpack3A_128 = tpu.unpack_subelements %bitcast3A_127, 0 {pack_format = #tpu.pack_format<interleaved>} : vector<32xbf16> -> vector<16xf32>
        %unpack3A_129 = tpu.unpack_subelements %bitcast3A_127, 1 {pack_format = #tpu.pack_format<interleaved>} : vector<32xbf16> -> vector<16xf32>
        %bitcast3A_130 = vector.bitcast %gather3A_110 : vector<16xf32> to vector<32xbf16>
        %unpack3A_131 = tpu.unpack_subelements %bitcast3A_130, 0 {pack_format = #tpu.pack_format<interleaved>} : vector<32xbf16> -> vector<16xf32>
        %unpack3A_132 = tpu.unpack_subelements %bitcast3A_130, 1 {pack_format = #tpu.pack_format<interleaved>} : vector<32xbf16> -> vector<16xf32>
        tpu.vector_store_idx %arg7[%shift_right_logical3A_103], %unpack3A_128 {add = true} : memref<10000xf32, #tpu.memory_space<vmem>>[vector<16xi32>], vector<16xf32>,
        tpu.vector_store_idx %arg8[%shift_right_logical3A_103], %unpack3A_131 {add = true} : memref<10000xf32, #tpu.memory_space<vmem>>[vector<16xi32>], vector<16xf32>,
        tpu.vector_store_idx %arg9[%shift_right_logical3A_103], %unpack3A_129 {add = true} : memref<10000xf32, #tpu.memory_space<vmem>>[vector<16xi32>], vector<16xf32>,
        tpu.vector_store_idx %arg10[%shift_right_logical3A_103], %unpack3A_132 {add = true} : memref<10000xf32, #tpu.memory_space<vmem>>[vector<16xi32>], vector<16xf32>,
        %scan3A_133 = arith.constant 0 : i32
        scf.yield %scan3A_133 : i32
      }
      %scan3A_61 = arith.constant 250 : i32
      %scan3A_62 = arith.constant 0 : i32
      scf.yield %scan3A_62 : i32
    }
    %scan3A_22 = arith.constant 10 : i32
    "tpu.region"() ({
      %run_scoped3A = tpu.sem_alloc : memref<!tpu.dma_semaphore, #tpu.memory_space<semaphore_mem>>
      %dma_start3A_31 = arith.constant 0 : i32
      %dma_start3A_32 = tpu.memref_slice %arg4[%mul3A_2, %dma_start3A_31] : memref<128x10000xf32, #tpu.memory_space<hbm>> -> memref<1x10000xf32, #tpu.memory_space<hbm>>
      %dma_start3A_33 = tpu.memref_squeeze %dma_start3A_32 : memref<1x10000xf32, #tpu.memory_space<hbm>> -> memref<10000xf32, #tpu.memory_space<hbm>>
      %dma_start3A_34 = arith.constant 0 : i32
      %dma_start3A_35 = tpu.memref_slice %arg4[%mul3A_2, %dma_start3A_34] : memref<128x10000xf32, #tpu.memory_space<hbm>> -> memref<1x10000xf32, #tpu.memory_space<hbm>>
      %dma_start3A_36 = tpu.memref_squeeze %dma_start3A_35 : memref<1x10000xf32, #tpu.memory_space<hbm>> -> memref<10000xf32, #tpu.memory_space<hbm>>
      tpu.enqueue_dma source(%arg7 : memref<10000xf32, #tpu.memory_space<vmem>>) target(%dma_start3A_36 : memref<10000xf32, #tpu.memory_space<hbm>>) target_semaphore(%run_scoped3A : memref<!tpu.dma_semaphore, #tpu.memory_space<semaphore_mem>>)
      %dma_wait3A = arith.constant 0 : i32
      %dma_wait3A_37 = tpu.memref_slice %arg4[%mul3A_2, %dma_wait3A] : memref<128x10000xf32, #tpu.memory_space<hbm>> -> memref<1x10000xf32, #tpu.memory_space<hbm>>
      %dma_wait3A_38 = tpu.memref_squeeze %dma_wait3A_37 : memref<1x10000xf32, #tpu.memory_space<hbm>> -> memref<10000xf32, #tpu.memory_space<hbm>>
      %dma_wait3A_39 = arith.constant 0 : i32
      %dma_wait3A_40 = tpu.memref_slice %arg4[%mul3A_2, %dma_wait3A_39] : memref<128x10000xf32, #tpu.memory_space<hbm>> -> memref<1x10000xf32, #tpu.memory_space<hbm>>
      %dma_wait3A_41 = tpu.memref_squeeze %dma_wait3A_40 : memref<1x10000xf32, #tpu.memory_space<hbm>> -> memref<10000xf32, #tpu.memory_space<hbm>>
      tpu.wait_dma2 semaphore(%run_scoped3A : memref<!tpu.dma_semaphore, #tpu.memory_space<semaphore_mem>>) src(%arg7 : memref<10000xf32, #tpu.memory_space<vmem>>) dst(%dma_wait3A_41 : memref<10000xf32, #tpu.memory_space<hbm>>)
      tpu.yield
    }) : () -> ()
    %add3A_23 = arith.constant 1 : i32
    %add3A_24 = arith.addi %mul3A_2, %add3A_23 : i32
    "tpu.region"() ({
      %run_scoped3A = tpu.sem_alloc : memref<!tpu.dma_semaphore, #tpu.memory_space<semaphore_mem>>
      %dma_start3A_31 = arith.constant 0 : i32
      %dma_start3A_32 = tpu.memref_slice %arg4[%add3A_24, %dma_start3A_31] : memref<128x10000xf32, #tpu.memory_space<hbm>> -> memref<1x10000xf32, #tpu.memory_space<hbm>>
      %dma_start3A_33 = tpu.memref_squeeze %dma_start3A_32 : memref<1x10000xf32, #tpu.memory_space<hbm>> -> memref<10000xf32, #tpu.memory_space<hbm>>
      %dma_start3A_34 = arith.constant 0 : i32
      %dma_start3A_35 = tpu.memref_slice %arg4[%add3A_24, %dma_start3A_34] : memref<128x10000xf32, #tpu.memory_space<hbm>> -> memref<1x10000xf32, #tpu.memory_space<hbm>>
      %dma_start3A_36 = tpu.memref_squeeze %dma_start3A_35 : memref<1x10000xf32, #tpu.memory_space<hbm>> -> memref<10000xf32, #tpu.memory_space<hbm>>
      tpu.enqueue_dma source(%arg8 : memref<10000xf32, #tpu.memory_space<vmem>>) target(%dma_start3A_36 : memref<10000xf32, #tpu.memory_space<hbm>>) target_semaphore(%run_scoped3A : memref<!tpu.dma_semaphore, #tpu.memory_space<semaphore_mem>>)
      %dma_wait3A = arith.constant 0 : i32
      %dma_wait3A_37 = tpu.memref_slice %arg4[%add3A_24, %dma_wait3A] : memref<128x10000xf32, #tpu.memory_space<hbm>> -> memref<1x10000xf32, #tpu.memory_space<hbm>>
      %dma_wait3A_38 = tpu.memref_squeeze %dma_wait3A_37 : memref<1x10000xf32, #tpu.memory_space<hbm>> -> memref<10000xf32, #tpu.memory_space<hbm>>
      %dma_wait3A_39 = arith.constant 0 : i32
      %dma_wait3A_40 = tpu.memref_slice %arg4[%add3A_24, %dma_wait3A_39] : memref<128x10000xf32, #tpu.memory_space<hbm>> -> memref<1x10000xf32, #tpu.memory_space<hbm>>
      %dma_wait3A_41 = tpu.memref_squeeze %dma_wait3A_40 : memref<1x10000xf32, #tpu.memory_space<hbm>> -> memref<10000xf32, #tpu.memory_space<hbm>>
      tpu.wait_dma2 semaphore(%run_scoped3A : memref<!tpu.dma_semaphore, #tpu.memory_space<semaphore_mem>>) src(%arg8 : memref<10000xf32, #tpu.memory_space<vmem>>) dst(%dma_wait3A_41 : memref<10000xf32, #tpu.memory_space<hbm>>)
      tpu.yield
    }) : () -> ()
    %add3A_25 = arith.constant 64 : i32
    %add3A_26 = arith.addi %add3A_25, %mul3A_2 : i32
    "tpu.region"() ({
      %run_scoped3A = tpu.sem_alloc : memref<!tpu.dma_semaphore, #tpu.memory_space<semaphore_mem>>
      %dma_start3A_31 = arith.constant 0 : i32
      %dma_start3A_32 = tpu.memref_slice %arg4[%add3A_26, %dma_start3A_31] : memref<128x10000xf32, #tpu.memory_space<hbm>> -> memref<1x10000xf32, #tpu.memory_space<hbm>>
      %dma_start3A_33 = tpu.memref_squeeze %dma_start3A_32 : memref<1x10000xf32, #tpu.memory_space<hbm>> -> memref<10000xf32, #tpu.memory_space<hbm>>
      %dma_start3A_34 = arith.constant 0 : i32
      %dma_start3A_35 = tpu.memref_slice %arg4[%add3A_26, %dma_start3A_34] : memref<128x10000xf32, #tpu.memory_space<hbm>> -> memref<1x10000xf32, #tpu.memory_space<hbm>>
      %dma_start3A_36 = tpu.memref_squeeze %dma_start3A_35 : memref<1x10000xf32, #tpu.memory_space<hbm>> -> memref<10000xf32, #tpu.memory_space<hbm>>
      tpu.enqueue_dma source(%arg9 : memref<10000xf32, #tpu.memory_space<vmem>>) target(%dma_start3A_36 : memref<10000xf32, #tpu.memory_space<hbm>>) target_semaphore(%run_scoped3A : memref<!tpu.dma_semaphore, #tpu.memory_space<semaphore_mem>>)
      %dma_wait3A = arith.constant 0 : i32
      %dma_wait3A_37 = tpu.memref_slice %arg4[%add3A_26, %dma_wait3A] : memref<128x10000xf32, #tpu.memory_space<hbm>> -> memref<1x10000xf32, #tpu.memory_space<hbm>>
      %dma_wait3A_38 = tpu.memref_squeeze %dma_wait3A_37 : memref<1x10000xf32, #tpu.memory_space<hbm>> -> memref<10000xf32, #tpu.memory_space<hbm>>
      %dma_wait3A_39 = arith.constant 0 : i32
      %dma_wait3A_40 = tpu.memref_slice %arg4[%add3A_26, %dma_wait3A_39] : memref<128x10000xf32, #tpu.memory_space<hbm>> -> memref<1x10000xf32, #tpu.memory_space<hbm>>
      %dma_wait3A_41 = tpu.memref_squeeze %dma_wait3A_40 : memref<1x10000xf32, #tpu.memory_space<hbm>> -> memref<10000xf32, #tpu.memory_space<hbm>>
      tpu.wait_dma2 semaphore(%run_scoped3A : memref<!tpu.dma_semaphore, #tpu.memory_space<semaphore_mem>>) src(%arg9 : memref<10000xf32, #tpu.memory_space<vmem>>) dst(%dma_wait3A_41 : memref<10000xf32, #tpu.memory_space<hbm>>)
      tpu.yield
    }) : () -> ()
    %add3A_27 = arith.constant 64 : i32
    %add3A_28 = arith.addi %add3A_27, %mul3A_2 : i32
    %add3A_29 = arith.constant 1 : i32
    %add3A_30 = arith.addi %add3A_28, %add3A_29 : i32
    "tpu.region"() ({
      %run_scoped3A = tpu.sem_alloc : memref<!tpu.dma_semaphore, #tpu.memory_space<semaphore_mem>>
      %dma_start3A_31 = arith.constant 0 : i32
      %dma_start3A_32 = tpu.memref_slice %arg4[%add3A_30, %dma_start3A_31] : memref<128x10000xf32, #tpu.memory_space<hbm>> -> memref<1x10000xf32, #tpu.memory_space<hbm>>
      %dma_start3A_33 = tpu.memref_squeeze %dma_start3A_32 : memref<1x10000xf32, #tpu.memory_space<hbm>> -> memref<10000xf32, #tpu.memory_space<hbm>>
      %dma_start3A_34 = arith.constant 0 : i32
      %dma_start3A_35 = tpu.memref_slice %arg4[%add3A_30, %dma_start3A_34] : memref<128x10000xf32, #tpu.memory_space<hbm>> -> memref<1x10000xf32, #tpu.memory_space<hbm>>
      %dma_start3A_36 = tpu.memref_squeeze %dma_start3A_35 : memref<1x10000xf32, #tpu.memory_space<hbm>> -> memref<10000xf32, #tpu.memory_space<hbm>>
      tpu.enqueue_dma source(%arg10 : memref<10000xf32, #tpu.memory_space<vmem>>) target(%dma_start3A_36 : memref<10000xf32, #tpu.memory_space<hbm>>) target_semaphore(%run_scoped3A : memref<!tpu.dma_semaphore, #tpu.memory_space<semaphore_mem>>)
      %dma_wait3A = arith.constant 0 : i32
      %dma_wait3A_37 = tpu.memref_slice %arg4[%add3A_30, %dma_wait3A] : memref<128x10000xf32, #tpu.memory_space<hbm>> -> memref<1x10000xf32, #tpu.memory_space<hbm>>
      %dma_wait3A_38 = tpu.memref_squeeze %dma_wait3A_37 : memref<1x10000xf32, #tpu.memory_space<hbm>> -> memref<10000xf32, #tpu.memory_space<hbm>>
      %dma_wait3A_39 = arith.constant 0 : i32
      %dma_wait3A_40 = tpu.memref_slice %arg4[%add3A_30, %dma_wait3A_39] : memref<128x10000xf32, #tpu.memory_space<hbm>> -> memref<1x10000xf32, #tpu.memory_space<hbm>>
      %dma_wait3A_41 = tpu.memref_squeeze %dma_wait3A_40 : memref<1x10000xf32, #tpu.memory_space<hbm>> -> memref<10000xf32, #tpu.memory_space<hbm>>
      tpu.wait_dma2 semaphore(%run_scoped3A : memref<!tpu.dma_semaphore, #tpu.memory_space<semaphore_mem>>) src(%arg10 : memref<10000xf32, #tpu.memory_space<vmem>>) dst(%dma_wait3A_41 : memref<10000xf32, #tpu.memory_space<hbm>>)
      tpu.yield
    }) : () -> ()
    return
  }
}

#map = affine_map<(d0, d1) -> (0, 0)>
#map1 = affine_map<(d0, d1) -> (0)>
module attributes {stable_mosaic.version = 14 : i64} {
  func.func @_segsum_body(%arg0: i32, %arg1: i32, %arg2: memref<64x10000xf32, #tpu.memory_space<hbm>>, %arg3: memref<320000xi32, #tpu.memory_space<hbm>>, %arg4: memref<128x10000xf32, #tpu.memory_space<hbm>>, %arg5: memref<10000xf32, #tpu.memory_space<vmem>>, %arg6: memref<10000xf32, #tpu.memory_space<vmem>>, %arg7: memref<10000xf32, #tpu.memory_space<vmem>>, %arg8: memref<10000xf32, #tpu.memory_space<vmem>>, %arg9: memref<10000xf32, #tpu.memory_space<vmem>>, %arg10: memref<10000xf32, #tpu.memory_space<vmem>>, %arg11: memref<16000xi32, #tpu.memory_space<vmem>>, %arg12: memref<16000xi32, #tpu.memory_space<vmem>>, %arg13: memref<!tpu.dma_semaphore, #tpu.memory_space<semaphore_mem>>, %arg14: memref<!tpu.dma_semaphore, #tpu.memory_space<semaphore_mem>>) attributes {dimension_semantics = [#tpu.dimension_semantics<core_parallel>, #tpu.dimension_semantics<subcore_parallel>], iteration_bounds = array<i64: 2, 16>, scalar_prefetch = 0 : i64, scratch_operands = 10 : i64, tpu.core_type = #tpu.core_type<sc_vector_subcore>, window_params = [{transform_indices = #map}, {transform_indices = #map1}, {transform_indices = #map}]} {
    %mul3A = arith.constant 2 : i32
    %mul3A_0 = arith.muli %arg1, %mul3A : i32
    %add3A = arith.addi %mul3A_0, %arg0 : i32
    %mul3A_1 = arith.constant 2 : i32
    %mul3A_2 = arith.muli %add3A, %mul3A_1 : i32
    %dma_start3A = arith.constant 0 : i32
    %dma_start3A_3 = tpu.memref_slice %arg3[%dma_start3A] : memref<320000xi32, #tpu.memory_space<hbm>> -> memref<16000xi32, #tpu.memory_space<hbm>>
    %dma_start3A_4 = arith.constant 0 : i32
    %dma_start3A_5 = tpu.memref_slice %arg3[%dma_start3A_4] : memref<320000xi32, #tpu.memory_space<hbm>> -> memref<16000xi32, #tpu.memory_space<hbm>>
    tpu.enqueue_dma source(%dma_start3A_5 : memref<16000xi32, #tpu.memory_space<hbm>>) target(%arg11 : memref<16000xi32, #tpu.memory_space<vmem>>) target_semaphore(%arg13 : memref<!tpu.dma_semaphore, #tpu.memory_space<semaphore_mem>>)
    %add3A_6 = arith.constant 0 : i32
    %add3A_7 = arith.addi %mul3A_2, %add3A_6 : i32
    "tpu.region"() ({
      %run_scoped3A = tpu.sem_alloc : memref<!tpu.dma_semaphore, #tpu.memory_space<semaphore_mem>>
      %dma_start3A_31 = arith.constant 0 : i32
      %dma_start3A_32 = tpu.memref_slice %arg2[%add3A_7, %dma_start3A_31] : memref<64x10000xf32, #tpu.memory_space<hbm>> -> memref<1x10000xf32, #tpu.memory_space<hbm>>
      %dma_start3A_33 = tpu.memref_squeeze %dma_start3A_32 : memref<1x10000xf32, #tpu.memory_space<hbm>> -> memref<10000xf32, #tpu.memory_space<hbm>>
      %dma_start3A_34 = arith.constant 0 : i32
      %dma_start3A_35 = tpu.memref_slice %arg2[%add3A_7, %dma_start3A_34] : memref<64x10000xf32, #tpu.memory_space<hbm>> -> memref<1x10000xf32, #tpu.memory_space<hbm>>
      %dma_start3A_36 = tpu.memref_squeeze %dma_start3A_35 : memref<1x10000xf32, #tpu.memory_space<hbm>> -> memref<10000xf32, #tpu.memory_space<hbm>>
      tpu.enqueue_dma source(%dma_start3A_36 : memref<10000xf32, #tpu.memory_space<hbm>>) target(%arg5 : memref<10000xf32, #tpu.memory_space<vmem>>) target_semaphore(%run_scoped3A : memref<!tpu.dma_semaphore, #tpu.memory_space<semaphore_mem>>)
      %dma_wait3A = arith.constant 0 : i32
      %dma_wait3A_37 = tpu.memref_slice %arg2[%add3A_7, %dma_wait3A] : memref<64x10000xf32, #tpu.memory_space<hbm>> -> memref<1x10000xf32, #tpu.memory_space<hbm>>
      %dma_wait3A_38 = tpu.memref_squeeze %dma_wait3A_37 : memref<1x10000xf32, #tpu.memory_space<hbm>> -> memref<10000xf32, #tpu.memory_space<hbm>>
      %dma_wait3A_39 = arith.constant 0 : i32
      %dma_wait3A_40 = tpu.memref_slice %arg2[%add3A_7, %dma_wait3A_39] : memref<64x10000xf32, #tpu.memory_space<hbm>> -> memref<1x10000xf32, #tpu.memory_space<hbm>>
      %dma_wait3A_41 = tpu.memref_squeeze %dma_wait3A_40 : memref<1x10000xf32, #tpu.memory_space<hbm>> -> memref<10000xf32, #tpu.memory_space<hbm>>
      tpu.wait_dma2 semaphore(%run_scoped3A : memref<!tpu.dma_semaphore, #tpu.memory_space<semaphore_mem>>) src(%dma_wait3A_41 : memref<10000xf32, #tpu.memory_space<hbm>>) dst(%arg5 : memref<10000xf32, #tpu.memory_space<vmem>>)
      tpu.yield
    }) : () -> ()
    %add3A_8 = arith.constant 1 : i32
    %add3A_9 = arith.addi %mul3A_2, %add3A_8 : i32
    "tpu.region"() ({
      %run_scoped3A = tpu.sem_alloc : memref<!tpu.dma_semaphore, #tpu.memory_space<semaphore_mem>>
      %dma_start3A_31 = arith.constant 0 : i32
      %dma_start3A_32 = tpu.memref_slice %arg2[%add3A_9, %dma_start3A_31] : memref<64x10000xf32, #tpu.memory_space<hbm>> -> memref<1x10000xf32, #tpu.memory_space<hbm>>
      %dma_start3A_33 = tpu.memref_squeeze %dma_start3A_32 : memref<1x10000xf32, #tpu.memory_space<hbm>> -> memref<10000xf32, #tpu.memory_space<hbm>>
      %dma_start3A_34 = arith.constant 0 : i32
      %dma_start3A_35 = tpu.memref_slice %arg2[%add3A_9, %dma_start3A_34] : memref<64x10000xf32, #tpu.memory_space<hbm>> -> memref<1x10000xf32, #tpu.memory_space<hbm>>
      %dma_start3A_36 = tpu.memref_squeeze %dma_start3A_35 : memref<1x10000xf32, #tpu.memory_space<hbm>> -> memref<10000xf32, #tpu.memory_space<hbm>>
      tpu.enqueue_dma source(%dma_start3A_36 : memref<10000xf32, #tpu.memory_space<hbm>>) target(%arg6 : memref<10000xf32, #tpu.memory_space<vmem>>) target_semaphore(%run_scoped3A : memref<!tpu.dma_semaphore, #tpu.memory_space<semaphore_mem>>)
      %dma_wait3A = arith.constant 0 : i32
      %dma_wait3A_37 = tpu.memref_slice %arg2[%add3A_9, %dma_wait3A] : memref<64x10000xf32, #tpu.memory_space<hbm>> -> memref<1x10000xf32, #tpu.memory_space<hbm>>
      %dma_wait3A_38 = tpu.memref_squeeze %dma_wait3A_37 : memref<1x10000xf32, #tpu.memory_space<hbm>> -> memref<10000xf32, #tpu.memory_space<hbm>>
      %dma_wait3A_39 = arith.constant 0 : i32
      %dma_wait3A_40 = tpu.memref_slice %arg2[%add3A_9, %dma_wait3A_39] : memref<64x10000xf32, #tpu.memory_space<hbm>> -> memref<1x10000xf32, #tpu.memory_space<hbm>>
      %dma_wait3A_41 = tpu.memref_squeeze %dma_wait3A_40 : memref<1x10000xf32, #tpu.memory_space<hbm>> -> memref<10000xf32, #tpu.memory_space<hbm>>
      tpu.wait_dma2 semaphore(%run_scoped3A : memref<!tpu.dma_semaphore, #tpu.memory_space<semaphore_mem>>) src(%dma_wait3A_41 : memref<10000xf32, #tpu.memory_space<hbm>>) dst(%arg6 : memref<10000xf32, #tpu.memory_space<vmem>>)
      tpu.yield
    }) : () -> ()
    %scan3A = arith.constant 0 : i32
    %scan3A_10 = arith.constant 0 : i32
    %scan3A_11 = arith.constant 625 : i32
    %scan3A_12 = arith.addi %scan3A_10, %scan3A_11 : i32
    %scan3A_13 = arith.constant 1 : i32
    %scan3A_14 = scf.for %scan3A_31 = %scan3A_10 to %scan3A_12 step %scan3A_13 iter_args(%scan3A_32 = %scan3A) -> (i32)  : i32 {
      %broadcast_in_dim3A = arith.constant 0.000000e+00 : f32
      %broadcast_in_dim3A_33 = vector.broadcast %broadcast_in_dim3A : f32 to vector<16xf32>
      %mul3A_34 = arith.constant 16 : i32
      %mul3A_35 = arith.muli %scan3A_31, %mul3A_34 : i32
      %swap3A = arith.index_cast %mul3A_35 : i32 to index
      %swap3A_36 = tpu.vector_load %arg7[%swap3A] {strides = array<i32>} : memref<10000xf32, #tpu.memory_space<vmem>>, vector<16xf32>,
      tpu.vector_store %arg7[%swap3A], %broadcast_in_dim3A_33 {strides = array<i32>} : memref<10000xf32, #tpu.memory_space<vmem>>, vector<16xf32>,
      %mul3A_37 = arith.constant 16 : i32
      %mul3A_38 = arith.muli %scan3A_31, %mul3A_37 : i32
      %swap3A_39 = arith.index_cast %mul3A_38 : i32 to index
      %swap3A_40 = tpu.vector_load %arg8[%swap3A_39] {strides = array<i32>} : memref<10000xf32, #tpu.memory_space<vmem>>, vector<16xf32>,
      tpu.vector_store %arg8[%swap3A_39], %broadcast_in_dim3A_33 {strides = array<i32>} : memref<10000xf32, #tpu.memory_space<vmem>>, vector<16xf32>,
      %mul3A_41 = arith.constant 16 : i32
      %mul3A_42 = arith.muli %scan3A_31, %mul3A_41 : i32
      %swap3A_43 = arith.index_cast %mul3A_42 : i32 to index
      %swap3A_44 = tpu.vector_load %arg9[%swap3A_43] {strides = array<i32>} : memref<10000xf32, #tpu.memory_space<vmem>>, vector<16xf32>,
      tpu.vector_store %arg9[%swap3A_43], %broadcast_in_dim3A_33 {strides = array<i32>} : memref<10000xf32, #tpu.memory_space<vmem>>, vector<16xf32>,
      %mul3A_45 = arith.constant 16 : i32
      %mul3A_46 = arith.muli %scan3A_31, %mul3A_45 : i32
      %swap3A_47 = arith.index_cast %mul3A_46 : i32 to index
      %swap3A_48 = tpu.vector_load %arg10[%swap3A_47] {strides = array<i32>} : memref<10000xf32, #tpu.memory_space<vmem>>, vector<16xf32>,
      tpu.vector_store %arg10[%swap3A_47], %broadcast_in_dim3A_33 {strides = array<i32>} : memref<10000xf32, #tpu.memory_space<vmem>>, vector<16xf32>,
      %scan3A_49 = arith.constant 0 : i32
      scf.yield %scan3A_49 : i32
    }
    %scan3A_15 = arith.constant 625 : i32
    %scan3A_16 = arith.constant 0 : i32
    %scan3A_17 = arith.constant 0 : i32
    %scan3A_18 = arith.constant 10 : i32
    %scan3A_19 = arith.addi %scan3A_17, %scan3A_18 : i32
    %scan3A_20 = arith.constant 1 : i32
    %scan3A_21 = scf.for %scan3A_31 = %scan3A_17 to %scan3A_19 step %scan3A_20 iter_args(%scan3A_32 = %scan3A_16) -> (i32)  : i32 {
      %mul3A_33 = arith.constant 2 : i32
      %mul3A_34 = arith.muli %mul3A_33, %scan3A_31 : i32
      %add3A_35 = arith.constant 1 : i32
      %add3A_36 = arith.addi %mul3A_34, %add3A_35 : i32
      %mul3A_37 = arith.constant 16000 : i32
      %mul3A_38 = arith.muli %add3A_36, %mul3A_37 : i32
      %dma_start3A_39 = tpu.memref_slice %arg3[%mul3A_38] : memref<320000xi32, #tpu.memory_space<hbm>> -> memref<16000xi32, #tpu.memory_space<hbm>>
      %dma_start3A_40 = tpu.memref_slice %arg3[%mul3A_38] : memref<320000xi32, #tpu.memory_space<hbm>> -> memref<16000xi32, #tpu.memory_space<hbm>>
      tpu.enqueue_dma source(%dma_start3A_40 : memref<16000xi32, #tpu.memory_space<hbm>>) target(%arg12 : memref<16000xi32, #tpu.memory_space<vmem>>) target_semaphore(%arg14 : memref<!tpu.dma_semaphore, #tpu.memory_space<semaphore_mem>>)
      %dma_wait3A = arith.constant 0 : i32
      %dma_wait3A_41 = tpu.memref_slice %arg3[%dma_wait3A] : memref<320000xi32, #tpu.memory_space<hbm>> -> memref<16000xi32, #tpu.memory_space<hbm>>
      %dma_wait3A_42 = arith.constant 0 : i32
      %dma_wait3A_43 = tpu.memref_slice %arg3[%dma_wait3A_42] : memref<320000xi32, #tpu.memory_space<hbm>> -> memref<16000xi32, #tpu.memory_space<hbm>>
      tpu.wait_dma2 semaphore(%arg13 : memref<!tpu.dma_semaphore, #tpu.memory_space<semaphore_mem>>) src(%dma_wait3A_43 : memref<16000xi32, #tpu.memory_space<hbm>>) dst(%arg11 : memref<16000xi32, #tpu.memory_space<vmem>>)
      %scan3A_44 = arith.constant 0 : i32
      %scan3A_45 = arith.constant 0 : i32
      %scan3A_46 = arith.constant 250 : i32
      %scan3A_47 = arith.addi %scan3A_45, %scan3A_46 : i32
      %scan3A_48 = arith.constant 1 : i32
      %scan3A_49 = scf.for %scan3A_63 = %scan3A_45 to %scan3A_47 step %scan3A_48 iter_args(%scan3A_64 = %scan3A_44) -> (i32)  : i32 {
        %mul3A_65 = arith.constant 64 : i32
        %mul3A_66 = arith.muli %scan3A_63, %mul3A_65 : i32
        %add3A_67 = arith.constant 0 : i32
        %add3A_68 = arith.addi %mul3A_66, %add3A_67 : i32
        %get3A = arith.index_cast %add3A_68 : i32 to index
        %get3A_69 = tpu.vector_load %arg11[%get3A] {strides = array<i32>} : memref<16000xi32, #tpu.memory_space<vmem>>, vector<16xi32>,
        %add3A_70 = arith.constant 16 : i32
        %add3A_71 = arith.addi %mul3A_66, %add3A_70 : i32
        %get3A_72 = arith.index_cast %add3A_71 : i32 to index
        %get3A_73 = tpu.vector_load %arg11[%get3A_72] {strides = array<i32>} : memref<16000xi32, #tpu.memory_space<vmem>>, vector<16xi32>,
        %add3A_74 = arith.constant 32 : i32
        %add3A_75 = arith.addi %mul3A_66, %add3A_74 : i32
        %get3A_76 = arith.index_cast %add3A_75 : i32 to index
        %get3A_77 = tpu.vector_load %arg11[%get3A_76] {strides = array<i32>} : memref<16000xi32, #tpu.memory_space<vmem>>, vector<16xi32>,
        %add3A_78 = arith.constant 48 : i32
        %add3A_79 = arith.addi %mul3A_66, %add3A_78 : i32
        %get3A_80 = arith.index_cast %add3A_79 : i32 to index
        %get3A_81 = tpu.vector_load %arg11[%get3A_80] {strides = array<i32>} : memref<16000xi32, #tpu.memory_space<vmem>>, vector<16xi32>,
        %and3A = arith.constant 65535 : i32
        %and3A_82 = vector.broadcast %and3A : i32 to vector<16xi32>
        %and3A_83 = arith.andi %get3A_69, %and3A_82 : vector<16xi32>
        %and3A_84 = arith.constant 65535 : i32
        %and3A_85 = vector.broadcast %and3A_84 : i32 to vector<16xi32>
        %and3A_86 = arith.andi %get3A_73, %and3A_85 : vector<16xi32>
        %and3A_87 = arith.constant 65535 : i32
        %and3A_88 = vector.broadcast %and3A_87 : i32 to vector<16xi32>
        %and3A_89 = arith.andi %get3A_77, %and3A_88 : vector<16xi32>
        %and3A_90 = arith.constant 65535 : i32
        %and3A_91 = vector.broadcast %and3A_90 : i32 to vector<16xi32>
        %and3A_92 = arith.andi %get3A_81, %and3A_91 : vector<16xi32>
        %shift_right_logical3A = arith.constant 16 : i32
        %shift_right_logical3A_93 = vector.broadcast %shift_right_logical3A : i32 to vector<16xi32>
        %shift_right_logical3A_94 = arith.shrui %get3A_69, %shift_right_logical3A_93 : vector<16xi32>
        %shift_right_logical3A_95 = arith.constant 16 : i32
        %shift_right_logical3A_96 = vector.broadcast %shift_right_logical3A_95 : i32 to vector<16xi32>
        %shift_right_logical3A_97 = arith.shrui %get3A_73, %shift_right_logical3A_96 : vector<16xi32>
        %shift_right_logical3A_98 = arith.constant 16 : i32
        %shift_right_logical3A_99 = vector.broadcast %shift_right_logical3A_98 : i32 to vector<16xi32>
        %shift_right_logical3A_100 = arith.shrui %get3A_77, %shift_right_logical3A_99 : vector<16xi32>
        %shift_right_logical3A_101 = arith.constant 16 : i32
        %shift_right_logical3A_102 = vector.broadcast %shift_right_logical3A_101 : i32 to vector<16xi32>
        %shift_right_logical3A_103 = arith.shrui %get3A_81, %shift_right_logical3A_102 : vector<16xi32>
        %gather3A = tpu.vector_load_idx %arg5[%and3A_83] : memref<10000xf32, #tpu.memory_space<vmem>>[vector<16xi32>], vector<16xf32>,
        %gather3A_104 = tpu.vector_load_idx %arg6[%and3A_83] : memref<10000xf32, #tpu.memory_space<vmem>>[vector<16xi32>], vector<16xf32>,
        %gather3A_105 = tpu.vector_load_idx %arg5[%and3A_86] : memref<10000xf32, #tpu.memory_space<vmem>>[vector<16xi32>], vector<16xf32>,
        %gather3A_106 = tpu.vector_load_idx %arg6[%and3A_86] : memref<10000xf32, #tpu.memory_space<vmem>>[vector<16xi32>], vector<16xf32>,
        %gather3A_107 = tpu.vector_load_idx %arg5[%and3A_89] : memref<10000xf32, #tpu.memory_space<vmem>>[vector<16xi32>], vector<16xf32>,
        %gather3A_108 = tpu.vector_load_idx %arg6[%and3A_89] : memref<10000xf32, #tpu.memory_space<vmem>>[vector<16xi32>], vector<16xf32>,
        %gather3A_109 = tpu.vector_load_idx %arg5[%and3A_92] : memref<10000xf32, #tpu.memory_space<vmem>>[vector<16xi32>], vector<16xf32>,
        %gather3A_110 = tpu.vector_load_idx %arg6[%and3A_92] : memref<10000xf32, #tpu.memory_space<vmem>>[vector<16xi32>], vector<16xf32>,
        %bitcast3A = vector.bitcast %gather3A : vector<16xf32> to vector<32xbf16>
        %unpack3A = tpu.unpack_subelements %bitcast3A, 0 {pack_format = #tpu.pack_format<interleaved>} : vector<32xbf16> -> vector<16xf32>
        %unpack3A_111 = tpu.unpack_subelements %bitcast3A, 1 {pack_format = #tpu.pack_format<interleaved>} : vector<32xbf16> -> vector<16xf32>
        %bitcast3A_112 = vector.bitcast %gather3A_104 : vector<16xf32> to vector<32xbf16>
        %unpack3A_113 = tpu.unpack_subelements %bitcast3A_112, 0 {pack_format = #tpu.pack_format<interleaved>} : vector<32xbf16> -> vector<16xf32>
        %unpack3A_114 = tpu.unpack_subelements %bitcast3A_112, 1 {pack_format = #tpu.pack_format<interleaved>} : vector<32xbf16> -> vector<16xf32>
        tpu.vector_store_idx %arg7[%shift_right_logical3A_94], %unpack3A {add = true} : memref<10000xf32, #tpu.memory_space<vmem>>[vector<16xi32>], vector<16xf32>,
        tpu.vector_store_idx %arg8[%shift_right_logical3A_94], %unpack3A_113 {add = true} : memref<10000xf32, #tpu.memory_space<vmem>>[vector<16xi32>], vector<16xf32>,
        tpu.vector_store_idx %arg9[%shift_right_logical3A_94], %unpack3A_111 {add = true} : memref<10000xf32, #tpu.memory_space<vmem>>[vector<16xi32>], vector<16xf32>,
        tpu.vector_store_idx %arg10[%shift_right_logical3A_94], %unpack3A_114 {add = true} : memref<10000xf32, #tpu.memory_space<vmem>>[vector<16xi32>], vector<16xf32>,
        %bitcast3A_115 = vector.bitcast %gather3A_105 : vector<16xf32> to vector<32xbf16>
        %unpack3A_116 = tpu.unpack_subelements %bitcast3A_115, 0 {pack_format = #tpu.pack_format<interleaved>} : vector<32xbf16> -> vector<16xf32>
        %unpack3A_117 = tpu.unpack_subelements %bitcast3A_115, 1 {pack_format = #tpu.pack_format<interleaved>} : vector<32xbf16> -> vector<16xf32>
        %bitcast3A_118 = vector.bitcast %gather3A_106 : vector<16xf32> to vector<32xbf16>
        %unpack3A_119 = tpu.unpack_subelements %bitcast3A_118, 0 {pack_format = #tpu.pack_format<interleaved>} : vector<32xbf16> -> vector<16xf32>
        %unpack3A_120 = tpu.unpack_subelements %bitcast3A_118, 1 {pack_format = #tpu.pack_format<interleaved>} : vector<32xbf16> -> vector<16xf32>
        tpu.vector_store_idx %arg7[%shift_right_logical3A_97], %unpack3A_116 {add = true} : memref<10000xf32, #tpu.memory_space<vmem>>[vector<16xi32>], vector<16xf32>,
        tpu.vector_store_idx %arg8[%shift_right_logical3A_97], %unpack3A_119 {add = true} : memref<10000xf32, #tpu.memory_space<vmem>>[vector<16xi32>], vector<16xf32>,
        tpu.vector_store_idx %arg9[%shift_right_logical3A_97], %unpack3A_117 {add = true} : memref<10000xf32, #tpu.memory_space<vmem>>[vector<16xi32>], vector<16xf32>,
        tpu.vector_store_idx %arg10[%shift_right_logical3A_97], %unpack3A_120 {add = true} : memref<10000xf32, #tpu.memory_space<vmem>>[vector<16xi32>], vector<16xf32>,
        %bitcast3A_121 = vector.bitcast %gather3A_107 : vector<16xf32> to vector<32xbf16>
        %unpack3A_122 = tpu.unpack_subelements %bitcast3A_121, 0 {pack_format = #tpu.pack_format<interleaved>} : vector<32xbf16> -> vector<16xf32>
        %unpack3A_123 = tpu.unpack_subelements %bitcast3A_121, 1 {pack_format = #tpu.pack_format<interleaved>} : vector<32xbf16> -> vector<16xf32>
        %bitcast3A_124 = vector.bitcast %gather3A_108 : vector<16xf32> to vector<32xbf16>
        %unpack3A_125 = tpu.unpack_subelements %bitcast3A_124, 0 {pack_format = #tpu.pack_format<interleaved>} : vector<32xbf16> -> vector<16xf32>
        %unpack3A_126 = tpu.unpack_subelements %bitcast3A_124, 1 {pack_format = #tpu.pack_format<interleaved>} : vector<32xbf16> -> vector<16xf32>
        tpu.vector_store_idx %arg7[%shift_right_logical3A_100], %unpack3A_122 {add = true} : memref<10000xf32, #tpu.memory_space<vmem>>[vector<16xi32>], vector<16xf32>,
        tpu.vector_store_idx %arg8[%shift_right_logical3A_100], %unpack3A_125 {add = true} : memref<10000xf32, #tpu.memory_space<vmem>>[vector<16xi32>], vector<16xf32>,
        tpu.vector_store_idx %arg9[%shift_right_logical3A_100], %unpack3A_123 {add = true} : memref<10000xf32, #tpu.memory_space<vmem>>[vector<16xi32>], vector<16xf32>,
        tpu.vector_store_idx %arg10[%shift_right_logical3A_100], %unpack3A_126 {add = true} : memref<10000xf32, #tpu.memory_space<vmem>>[vector<16xi32>], vector<16xf32>,
        %bitcast3A_127 = vector.bitcast %gather3A_109 : vector<16xf32> to vector<32xbf16>
        %unpack3A_128 = tpu.unpack_subelements %bitcast3A_127, 0 {pack_format = #tpu.pack_format<interleaved>} : vector<32xbf16> -> vector<16xf32>
        %unpack3A_129 = tpu.unpack_subelements %bitcast3A_127, 1 {pack_format = #tpu.pack_format<interleaved>} : vector<32xbf16> -> vector<16xf32>
        %bitcast3A_130 = vector.bitcast %gather3A_110 : vector<16xf32> to vector<32xbf16>
        %unpack3A_131 = tpu.unpack_subelements %bitcast3A_130, 0 {pack_format = #tpu.pack_format<interleaved>} : vector<32xbf16> -> vector<16xf32>
        %unpack3A_132 = tpu.unpack_subelements %bitcast3A_130, 1 {pack_format = #tpu.pack_format<interleaved>} : vector<32xbf16> -> vector<16xf32>
        tpu.vector_store_idx %arg7[%shift_right_logical3A_103], %unpack3A_128 {add = true} : memref<10000xf32, #tpu.memory_space<vmem>>[vector<16xi32>], vector<16xf32>,
        tpu.vector_store_idx %arg8[%shift_right_logical3A_103], %unpack3A_131 {add = true} : memref<10000xf32, #tpu.memory_space<vmem>>[vector<16xi32>], vector<16xf32>,
        tpu.vector_store_idx %arg9[%shift_right_logical3A_103], %unpack3A_129 {add = true} : memref<10000xf32, #tpu.memory_space<vmem>>[vector<16xi32>], vector<16xf32>,
        tpu.vector_store_idx %arg10[%shift_right_logical3A_103], %unpack3A_132 {add = true} : memref<10000xf32, #tpu.memory_space<vmem>>[vector<16xi32>], vector<16xf32>,
        %scan3A_133 = arith.constant 0 : i32
        scf.yield %scan3A_133 : i32
      }
      %scan3A_50 = arith.constant 250 : i32
      %lt3A = arith.constant 9 : i32
      %lt3A_51 = arith.cmpi slt, %scan3A_31, %lt3A : i32
      %convert_element_type3A = arith.extui %lt3A_51 : i1 to i32
      %cond3A = arith.constant 0 : i32
      %cond3A_52 = arith.cmpi ne, %convert_element_type3A, %cond3A : i32
      scf.if %cond3A_52 {
        %mul3A_63 = arith.constant 2 : i32
        %mul3A_64 = arith.muli %mul3A_63, %scan3A_31 : i32
        %add3A_65 = arith.constant 2 : i32
        %add3A_66 = arith.addi %mul3A_64, %add3A_65 : i32
        %mul3A_67 = arith.constant 16000 : i32
        %mul3A_68 = arith.muli %add3A_66, %mul3A_67 : i32
        %dma_start3A_69 = tpu.memref_slice %arg3[%mul3A_68] : memref<320000xi32, #tpu.memory_space<hbm>> -> memref<16000xi32, #tpu.memory_space<hbm>>
        %dma_start3A_70 = tpu.memref_slice %arg3[%mul3A_68] : memref<320000xi32, #tpu.memory_space<hbm>> -> memref<16000xi32, #tpu.memory_space<hbm>>
        tpu.enqueue_dma source(%dma_start3A_70 : memref<16000xi32, #tpu.memory_space<hbm>>) target(%arg11 : memref<16000xi32, #tpu.memory_space<vmem>>) target_semaphore(%arg13 : memref<!tpu.dma_semaphore, #tpu.memory_space<semaphore_mem>>)
      } else {
      }
      %dma_wait3A_53 = tpu.memref_slice %arg3[%mul3A_38] : memref<320000xi32, #tpu.memory_space<hbm>> -> memref<16000xi32, #tpu.memory_space<hbm>>
      %dma_wait3A_54 = tpu.memref_slice %arg3[%mul3A_38] : memref<320000xi32, #tpu.memory_space<hbm>> -> memref<16000xi32, #tpu.memory_space<hbm>>
      tpu.wait_dma2 semaphore(%arg14 : memref<!tpu.dma_semaphore, #tpu.memory_space<semaphore_mem>>) src(%dma_wait3A_54 : memref<16000xi32, #tpu.memory_space<hbm>>) dst(%arg12 : memref<16000xi32, #tpu.memory_space<vmem>>)
      %scan3A_55 = arith.constant 0 : i32
      %scan3A_56 = arith.constant 0 : i32
      %scan3A_57 = arith.constant 250 : i32
      %scan3A_58 = arith.addi %scan3A_56, %scan3A_57 : i32
      %scan3A_59 = arith.constant 1 : i32
      %scan3A_60 = scf.for %scan3A_63 = %scan3A_56 to %scan3A_58 step %scan3A_59 iter_args(%scan3A_64 = %scan3A_55) -> (i32)  : i32 {
        %mul3A_65 = arith.constant 64 : i32
        %mul3A_66 = arith.muli %scan3A_63, %mul3A_65 : i32
        %add3A_67 = arith.constant 0 : i32
        %add3A_68 = arith.addi %mul3A_66, %add3A_67 : i32
        %get3A = arith.index_cast %add3A_68 : i32 to index
        %get3A_69 = tpu.vector_load %arg12[%get3A] {strides = array<i32>} : memref<16000xi32, #tpu.memory_space<vmem>>, vector<16xi32>,
        %add3A_70 = arith.constant 16 : i32
        %add3A_71 = arith.addi %mul3A_66, %add3A_70 : i32
        %get3A_72 = arith.index_cast %add3A_71 : i32 to index
        %get3A_73 = tpu.vector_load %arg12[%get3A_72] {strides = array<i32>} : memref<16000xi32, #tpu.memory_space<vmem>>, vector<16xi32>,
        %add3A_74 = arith.constant 32 : i32
        %add3A_75 = arith.addi %mul3A_66, %add3A_74 : i32
        %get3A_76 = arith.index_cast %add3A_75 : i32 to index
        %get3A_77 = tpu.vector_load %arg12[%get3A_76] {strides = array<i32>} : memref<16000xi32, #tpu.memory_space<vmem>>, vector<16xi32>,
        %add3A_78 = arith.constant 48 : i32
        %add3A_79 = arith.addi %mul3A_66, %add3A_78 : i32
        %get3A_80 = arith.index_cast %add3A_79 : i32 to index
        %get3A_81 = tpu.vector_load %arg12[%get3A_80] {strides = array<i32>} : memref<16000xi32, #tpu.memory_space<vmem>>, vector<16xi32>,
        %and3A = arith.constant 65535 : i32
        %and3A_82 = vector.broadcast %and3A : i32 to vector<16xi32>
        %and3A_83 = arith.andi %get3A_69, %and3A_82 : vector<16xi32>
        %and3A_84 = arith.constant 65535 : i32
        %and3A_85 = vector.broadcast %and3A_84 : i32 to vector<16xi32>
        %and3A_86 = arith.andi %get3A_73, %and3A_85 : vector<16xi32>
        %and3A_87 = arith.constant 65535 : i32
        %and3A_88 = vector.broadcast %and3A_87 : i32 to vector<16xi32>
        %and3A_89 = arith.andi %get3A_77, %and3A_88 : vector<16xi32>
        %and3A_90 = arith.constant 65535 : i32
        %and3A_91 = vector.broadcast %and3A_90 : i32 to vector<16xi32>
        %and3A_92 = arith.andi %get3A_81, %and3A_91 : vector<16xi32>
        %shift_right_logical3A = arith.constant 16 : i32
        %shift_right_logical3A_93 = vector.broadcast %shift_right_logical3A : i32 to vector<16xi32>
        %shift_right_logical3A_94 = arith.shrui %get3A_69, %shift_right_logical3A_93 : vector<16xi32>
        %shift_right_logical3A_95 = arith.constant 16 : i32
        %shift_right_logical3A_96 = vector.broadcast %shift_right_logical3A_95 : i32 to vector<16xi32>
        %shift_right_logical3A_97 = arith.shrui %get3A_73, %shift_right_logical3A_96 : vector<16xi32>
        %shift_right_logical3A_98 = arith.constant 16 : i32
        %shift_right_logical3A_99 = vector.broadcast %shift_right_logical3A_98 : i32 to vector<16xi32>
        %shift_right_logical3A_100 = arith.shrui %get3A_77, %shift_right_logical3A_99 : vector<16xi32>
        %shift_right_logical3A_101 = arith.constant 16 : i32
        %shift_right_logical3A_102 = vector.broadcast %shift_right_logical3A_101 : i32 to vector<16xi32>
        %shift_right_logical3A_103 = arith.shrui %get3A_81, %shift_right_logical3A_102 : vector<16xi32>
        %gather3A = tpu.vector_load_idx %arg5[%and3A_83] : memref<10000xf32, #tpu.memory_space<vmem>>[vector<16xi32>], vector<16xf32>,
        %gather3A_104 = tpu.vector_load_idx %arg6[%and3A_83] : memref<10000xf32, #tpu.memory_space<vmem>>[vector<16xi32>], vector<16xf32>,
        %gather3A_105 = tpu.vector_load_idx %arg5[%and3A_86] : memref<10000xf32, #tpu.memory_space<vmem>>[vector<16xi32>], vector<16xf32>,
        %gather3A_106 = tpu.vector_load_idx %arg6[%and3A_86] : memref<10000xf32, #tpu.memory_space<vmem>>[vector<16xi32>], vector<16xf32>,
        %gather3A_107 = tpu.vector_load_idx %arg5[%and3A_89] : memref<10000xf32, #tpu.memory_space<vmem>>[vector<16xi32>], vector<16xf32>,
        %gather3A_108 = tpu.vector_load_idx %arg6[%and3A_89] : memref<10000xf32, #tpu.memory_space<vmem>>[vector<16xi32>], vector<16xf32>,
        %gather3A_109 = tpu.vector_load_idx %arg5[%and3A_92] : memref<10000xf32, #tpu.memory_space<vmem>>[vector<16xi32>], vector<16xf32>,
        %gather3A_110 = tpu.vector_load_idx %arg6[%and3A_92] : memref<10000xf32, #tpu.memory_space<vmem>>[vector<16xi32>], vector<16xf32>,
        %bitcast3A = vector.bitcast %gather3A : vector<16xf32> to vector<32xbf16>
        %unpack3A = tpu.unpack_subelements %bitcast3A, 0 {pack_format = #tpu.pack_format<interleaved>} : vector<32xbf16> -> vector<16xf32>
        %unpack3A_111 = tpu.unpack_subelements %bitcast3A, 1 {pack_format = #tpu.pack_format<interleaved>} : vector<32xbf16> -> vector<16xf32>
        %bitcast3A_112 = vector.bitcast %gather3A_104 : vector<16xf32> to vector<32xbf16>
        %unpack3A_113 = tpu.unpack_subelements %bitcast3A_112, 0 {pack_format = #tpu.pack_format<interleaved>} : vector<32xbf16> -> vector<16xf32>
        %unpack3A_114 = tpu.unpack_subelements %bitcast3A_112, 1 {pack_format = #tpu.pack_format<interleaved>} : vector<32xbf16> -> vector<16xf32>
        tpu.vector_store_idx %arg7[%shift_right_logical3A_94], %unpack3A {add = true} : memref<10000xf32, #tpu.memory_space<vmem>>[vector<16xi32>], vector<16xf32>,
        tpu.vector_store_idx %arg8[%shift_right_logical3A_94], %unpack3A_113 {add = true} : memref<10000xf32, #tpu.memory_space<vmem>>[vector<16xi32>], vector<16xf32>,
        tpu.vector_store_idx %arg9[%shift_right_logical3A_94], %unpack3A_111 {add = true} : memref<10000xf32, #tpu.memory_space<vmem>>[vector<16xi32>], vector<16xf32>,
        tpu.vector_store_idx %arg10[%shift_right_logical3A_94], %unpack3A_114 {add = true} : memref<10000xf32, #tpu.memory_space<vmem>>[vector<16xi32>], vector<16xf32>,
        %bitcast3A_115 = vector.bitcast %gather3A_105 : vector<16xf32> to vector<32xbf16>
        %unpack3A_116 = tpu.unpack_subelements %bitcast3A_115, 0 {pack_format = #tpu.pack_format<interleaved>} : vector<32xbf16> -> vector<16xf32>
        %unpack3A_117 = tpu.unpack_subelements %bitcast3A_115, 1 {pack_format = #tpu.pack_format<interleaved>} : vector<32xbf16> -> vector<16xf32>
        %bitcast3A_118 = vector.bitcast %gather3A_106 : vector<16xf32> to vector<32xbf16>
        %unpack3A_119 = tpu.unpack_subelements %bitcast3A_118, 0 {pack_format = #tpu.pack_format<interleaved>} : vector<32xbf16> -> vector<16xf32>
        %unpack3A_120 = tpu.unpack_subelements %bitcast3A_118, 1 {pack_format = #tpu.pack_format<interleaved>} : vector<32xbf16> -> vector<16xf32>
        tpu.vector_store_idx %arg7[%shift_right_logical3A_97], %unpack3A_116 {add = true} : memref<10000xf32, #tpu.memory_space<vmem>>[vector<16xi32>], vector<16xf32>,
        tpu.vector_store_idx %arg8[%shift_right_logical3A_97], %unpack3A_119 {add = true} : memref<10000xf32, #tpu.memory_space<vmem>>[vector<16xi32>], vector<16xf32>,
        tpu.vector_store_idx %arg9[%shift_right_logical3A_97], %unpack3A_117 {add = true} : memref<10000xf32, #tpu.memory_space<vmem>>[vector<16xi32>], vector<16xf32>,
        tpu.vector_store_idx %arg10[%shift_right_logical3A_97], %unpack3A_120 {add = true} : memref<10000xf32, #tpu.memory_space<vmem>>[vector<16xi32>], vector<16xf32>,
        %bitcast3A_121 = vector.bitcast %gather3A_107 : vector<16xf32> to vector<32xbf16>
        %unpack3A_122 = tpu.unpack_subelements %bitcast3A_121, 0 {pack_format = #tpu.pack_format<interleaved>} : vector<32xbf16> -> vector<16xf32>
        %unpack3A_123 = tpu.unpack_subelements %bitcast3A_121, 1 {pack_format = #tpu.pack_format<interleaved>} : vector<32xbf16> -> vector<16xf32>
        %bitcast3A_124 = vector.bitcast %gather3A_108 : vector<16xf32> to vector<32xbf16>
        %unpack3A_125 = tpu.unpack_subelements %bitcast3A_124, 0 {pack_format = #tpu.pack_format<interleaved>} : vector<32xbf16> -> vector<16xf32>
        %unpack3A_126 = tpu.unpack_subelements %bitcast3A_124, 1 {pack_format = #tpu.pack_format<interleaved>} : vector<32xbf16> -> vector<16xf32>
        tpu.vector_store_idx %arg7[%shift_right_logical3A_100], %unpack3A_122 {add = true} : memref<10000xf32, #tpu.memory_space<vmem>>[vector<16xi32>], vector<16xf32>,
        tpu.vector_store_idx %arg8[%shift_right_logical3A_100], %unpack3A_125 {add = true} : memref<10000xf32, #tpu.memory_space<vmem>>[vector<16xi32>], vector<16xf32>,
        tpu.vector_store_idx %arg9[%shift_right_logical3A_100], %unpack3A_123 {add = true} : memref<10000xf32, #tpu.memory_space<vmem>>[vector<16xi32>], vector<16xf32>,
        tpu.vector_store_idx %arg10[%shift_right_logical3A_100], %unpack3A_126 {add = true} : memref<10000xf32, #tpu.memory_space<vmem>>[vector<16xi32>], vector<16xf32>,
        %bitcast3A_127 = vector.bitcast %gather3A_109 : vector<16xf32> to vector<32xbf16>
        %unpack3A_128 = tpu.unpack_subelements %bitcast3A_127, 0 {pack_format = #tpu.pack_format<interleaved>} : vector<32xbf16> -> vector<16xf32>
        %unpack3A_129 = tpu.unpack_subelements %bitcast3A_127, 1 {pack_format = #tpu.pack_format<interleaved>} : vector<32xbf16> -> vector<16xf32>
        %bitcast3A_130 = vector.bitcast %gather3A_110 : vector<16xf32> to vector<32xbf16>
        %unpack3A_131 = tpu.unpack_subelements %bitcast3A_130, 0 {pack_format = #tpu.pack_format<interleaved>} : vector<32xbf16> -> vector<16xf32>
        %unpack3A_132 = tpu.unpack_subelements %bitcast3A_130, 1 {pack_format = #tpu.pack_format<interleaved>} : vector<32xbf16> -> vector<16xf32>
        tpu.vector_store_idx %arg7[%shift_right_logical3A_103], %unpack3A_128 {add = true} : memref<10000xf32, #tpu.memory_space<vmem>>[vector<16xi32>], vector<16xf32>,
        tpu.vector_store_idx %arg8[%shift_right_logical3A_103], %unpack3A_131 {add = true} : memref<10000xf32, #tpu.memory_space<vmem>>[vector<16xi32>], vector<16xf32>,
        tpu.vector_store_idx %arg9[%shift_right_logical3A_103], %unpack3A_129 {add = true} : memref<10000xf32, #tpu.memory_space<vmem>>[vector<16xi32>], vector<16xf32>,
        tpu.vector_store_idx %arg10[%shift_right_logical3A_103], %unpack3A_132 {add = true} : memref<10000xf32, #tpu.memory_space<vmem>>[vector<16xi32>], vector<16xf32>,
        %scan3A_133 = arith.constant 0 : i32
        scf.yield %scan3A_133 : i32
      }
      %scan3A_61 = arith.constant 250 : i32
      %scan3A_62 = arith.constant 0 : i32
      scf.yield %scan3A_62 : i32
    }
    %scan3A_22 = arith.constant 10 : i32
    "tpu.region"() ({
      %run_scoped3A = tpu.sem_alloc : memref<!tpu.dma_semaphore, #tpu.memory_space<semaphore_mem>>
      %dma_start3A_31 = arith.constant 0 : i32
      %dma_start3A_32 = tpu.memref_slice %arg4[%mul3A_2, %dma_start3A_31] : memref<128x10000xf32, #tpu.memory_space<hbm>> -> memref<1x10000xf32, #tpu.memory_space<hbm>>
      %dma_start3A_33 = tpu.memref_squeeze %dma_start3A_32 : memref<1x10000xf32, #tpu.memory_space<hbm>> -> memref<10000xf32, #tpu.memory_space<hbm>>
      %dma_start3A_34 = arith.constant 0 : i32
      %dma_start3A_35 = tpu.memref_slice %arg4[%mul3A_2, %dma_start3A_34] : memref<128x10000xf32, #tpu.memory_space<hbm>> -> memref<1x10000xf32, #tpu.memory_space<hbm>>
      %dma_start3A_36 = tpu.memref_squeeze %dma_start3A_35 : memref<1x10000xf32, #tpu.memory_space<hbm>> -> memref<10000xf32, #tpu.memory_space<hbm>>
      tpu.enqueue_dma source(%arg7 : memref<10000xf32, #tpu.memory_space<vmem>>) target(%dma_start3A_36 : memref<10000xf32, #tpu.memory_space<hbm>>) target_semaphore(%run_scoped3A : memref<!tpu.dma_semaphore, #tpu.memory_space<semaphore_mem>>)
      %dma_wait3A = arith.constant 0 : i32
      %dma_wait3A_37 = tpu.memref_slice %arg4[%mul3A_2, %dma_wait3A] : memref<128x10000xf32, #tpu.memory_space<hbm>> -> memref<1x10000xf32, #tpu.memory_space<hbm>>
      %dma_wait3A_38 = tpu.memref_squeeze %dma_wait3A_37 : memref<1x10000xf32, #tpu.memory_space<hbm>> -> memref<10000xf32, #tpu.memory_space<hbm>>
      %dma_wait3A_39 = arith.constant 0 : i32
      %dma_wait3A_40 = tpu.memref_slice %arg4[%mul3A_2, %dma_wait3A_39] : memref<128x10000xf32, #tpu.memory_space<hbm>> -> memref<1x10000xf32, #tpu.memory_space<hbm>>
      %dma_wait3A_41 = tpu.memref_squeeze %dma_wait3A_40 : memref<1x10000xf32, #tpu.memory_space<hbm>> -> memref<10000xf32, #tpu.memory_space<hbm>>
      tpu.wait_dma2 semaphore(%run_scoped3A : memref<!tpu.dma_semaphore, #tpu.memory_space<semaphore_mem>>) src(%arg7 : memref<10000xf32, #tpu.memory_space<vmem>>) dst(%dma_wait3A_41 : memref<10000xf32, #tpu.memory_space<hbm>>)
      tpu.yield
    }) : () -> ()
    %add3A_23 = arith.constant 1 : i32
    %add3A_24 = arith.addi %mul3A_2, %add3A_23 : i32
    "tpu.region"() ({
      %run_scoped3A = tpu.sem_alloc : memref<!tpu.dma_semaphore, #tpu.memory_space<semaphore_mem>>
      %dma_start3A_31 = arith.constant 0 : i32
      %dma_start3A_32 = tpu.memref_slice %arg4[%add3A_24, %dma_start3A_31] : memref<128x10000xf32, #tpu.memory_space<hbm>> -> memref<1x10000xf32, #tpu.memory_space<hbm>>
      %dma_start3A_33 = tpu.memref_squeeze %dma_start3A_32 : memref<1x10000xf32, #tpu.memory_space<hbm>> -> memref<10000xf32, #tpu.memory_space<hbm>>
      %dma_start3A_34 = arith.constant 0 : i32
      %dma_start3A_35 = tpu.memref_slice %arg4[%add3A_24, %dma_start3A_34] : memref<128x10000xf32, #tpu.memory_space<hbm>> -> memref<1x10000xf32, #tpu.memory_space<hbm>>
      %dma_start3A_36 = tpu.memref_squeeze %dma_start3A_35 : memref<1x10000xf32, #tpu.memory_space<hbm>> -> memref<10000xf32, #tpu.memory_space<hbm>>
      tpu.enqueue_dma source(%arg8 : memref<10000xf32, #tpu.memory_space<vmem>>) target(%dma_start3A_36 : memref<10000xf32, #tpu.memory_space<hbm>>) target_semaphore(%run_scoped3A : memref<!tpu.dma_semaphore, #tpu.memory_space<semaphore_mem>>)
      %dma_wait3A = arith.constant 0 : i32
      %dma_wait3A_37 = tpu.memref_slice %arg4[%add3A_24, %dma_wait3A] : memref<128x10000xf32, #tpu.memory_space<hbm>> -> memref<1x10000xf32, #tpu.memory_space<hbm>>
      %dma_wait3A_38 = tpu.memref_squeeze %dma_wait3A_37 : memref<1x10000xf32, #tpu.memory_space<hbm>> -> memref<10000xf32, #tpu.memory_space<hbm>>
      %dma_wait3A_39 = arith.constant 0 : i32
      %dma_wait3A_40 = tpu.memref_slice %arg4[%add3A_24, %dma_wait3A_39] : memref<128x10000xf32, #tpu.memory_space<hbm>> -> memref<1x10000xf32, #tpu.memory_space<hbm>>
      %dma_wait3A_41 = tpu.memref_squeeze %dma_wait3A_40 : memref<1x10000xf32, #tpu.memory_space<hbm>> -> memref<10000xf32, #tpu.memory_space<hbm>>
      tpu.wait_dma2 semaphore(%run_scoped3A : memref<!tpu.dma_semaphore, #tpu.memory_space<semaphore_mem>>) src(%arg8 : memref<10000xf32, #tpu.memory_space<vmem>>) dst(%dma_wait3A_41 : memref<10000xf32, #tpu.memory_space<hbm>>)
      tpu.yield
    }) : () -> ()
    %add3A_25 = arith.constant 64 : i32
    %add3A_26 = arith.addi %add3A_25, %mul3A_2 : i32
    "tpu.region"() ({
      %run_scoped3A = tpu.sem_alloc : memref<!tpu.dma_semaphore, #tpu.memory_space<semaphore_mem>>
      %dma_start3A_31 = arith.constant 0 : i32
      %dma_start3A_32 = tpu.memref_slice %arg4[%add3A_26, %dma_start3A_31] : memref<128x10000xf32, #tpu.memory_space<hbm>> -> memref<1x10000xf32, #tpu.memory_space<hbm>>
      %dma_start3A_33 = tpu.memref_squeeze %dma_start3A_32 : memref<1x10000xf32, #tpu.memory_space<hbm>> -> memref<10000xf32, #tpu.memory_space<hbm>>
      %dma_start3A_34 = arith.constant 0 : i32
      %dma_start3A_35 = tpu.memref_slice %arg4[%add3A_26, %dma_start3A_34] : memref<128x10000xf32, #tpu.memory_space<hbm>> -> memref<1x10000xf32, #tpu.memory_space<hbm>>
      %dma_start3A_36 = tpu.memref_squeeze %dma_start3A_35 : memref<1x10000xf32, #tpu.memory_space<hbm>> -> memref<10000xf32, #tpu.memory_space<hbm>>
      tpu.enqueue_dma source(%arg9 : memref<10000xf32, #tpu.memory_space<vmem>>) target(%dma_start3A_36 : memref<10000xf32, #tpu.memory_space<hbm>>) target_semaphore(%run_scoped3A : memref<!tpu.dma_semaphore, #tpu.memory_space<semaphore_mem>>)
      %dma_wait3A = arith.constant 0 : i32
      %dma_wait3A_37 = tpu.memref_slice %arg4[%add3A_26, %dma_wait3A] : memref<128x10000xf32, #tpu.memory_space<hbm>> -> memref<1x10000xf32, #tpu.memory_space<hbm>>
      %dma_wait3A_38 = tpu.memref_squeeze %dma_wait3A_37 : memref<1x10000xf32, #tpu.memory_space<hbm>> -> memref<10000xf32, #tpu.memory_space<hbm>>
      %dma_wait3A_39 = arith.constant 0 : i32
      %dma_wait3A_40 = tpu.memref_slice %arg4[%add3A_26, %dma_wait3A_39] : memref<128x10000xf32, #tpu.memory_space<hbm>> -> memref<1x10000xf32, #tpu.memory_space<hbm>>
      %dma_wait3A_41 = tpu.memref_squeeze %dma_wait3A_40 : memref<1x10000xf32, #tpu.memory_space<hbm>> -> memref<10000xf32, #tpu.memory_space<hbm>>
      tpu.wait_dma2 semaphore(%run_scoped3A : memref<!tpu.dma_semaphore, #tpu.memory_space<semaphore_mem>>) src(%arg9 : memref<10000xf32, #tpu.memory_space<vmem>>) dst(%dma_wait3A_41 : memref<10000xf32, #tpu.memory_space<hbm>>)
      tpu.yield
    }) : () -> ()
    %add3A_27 = arith.constant 64 : i32
    %add3A_28 = arith.addi %add3A_27, %mul3A_2 : i32
    %add3A_29 = arith.constant 1 : i32
    %add3A_30 = arith.addi %add3A_28, %add3A_29 : i32
    "tpu.region"() ({
      %run_scoped3A = tpu.sem_alloc : memref<!tpu.dma_semaphore, #tpu.memory_space<semaphore_mem>>
      %dma_start3A_31 = arith.constant 0 : i32
      %dma_start3A_32 = tpu.memref_slice %arg4[%add3A_30, %dma_start3A_31] : memref<128x10000xf32, #tpu.memory_space<hbm>> -> memref<1x10000xf32, #tpu.memory_space<hbm>>
      %dma_start3A_33 = tpu.memref_squeeze %dma_start3A_32 : memref<1x10000xf32, #tpu.memory_space<hbm>> -> memref<10000xf32, #tpu.memory_space<hbm>>
      %dma_start3A_34 = arith.constant 0 : i32
      %dma_start3A_35 = tpu.memref_slice %arg4[%add3A_30, %dma_start3A_34] : memref<128x10000xf32, #tpu.memory_space<hbm>> -> memref<1x10000xf32, #tpu.memory_space<hbm>>
      %dma_start3A_36 = tpu.memref_squeeze %dma_start3A_35 : memref<1x10000xf32, #tpu.memory_space<hbm>> -> memref<10000xf32, #tpu.memory_space<hbm>>
      tpu.enqueue_dma source(%arg10 : memref<10000xf32, #tpu.memory_space<vmem>>) target(%dma_start3A_36 : memref<10000xf32, #tpu.memory_space<hbm>>) target_semaphore(%run_scoped3A : memref<!tpu.dma_semaphore, #tpu.memory_space<semaphore_mem>>)
      %dma_wait3A = arith.constant 0 : i32
      %dma_wait3A_37 = tpu.memref_slice %arg4[%add3A_30, %dma_wait3A] : memref<128x10000xf32, #tpu.memory_space<hbm>> -> memref<1x10000xf32, #tpu.memory_space<hbm>>
      %dma_wait3A_38 = tpu.memref_squeeze %dma_wait3A_37 : memref<1x10000xf32, #tpu.memory_space<hbm>> -> memref<10000xf32, #tpu.memory_space<hbm>>
      %dma_wait3A_39 = arith.constant 0 : i32
      %dma_wait3A_40 = tpu.memref_slice %arg4[%add3A_30, %dma_wait3A_39] : memref<128x10000xf32, #tpu.memory_space<hbm>> -> memref<1x10000xf32, #tpu.memory_space<hbm>>
      %dma_wait3A_41 = tpu.memref_squeeze %dma_wait3A_40 : memref<1x10000xf32, #tpu.memory_space<hbm>> -> memref<10000xf32, #tpu.memory_space<hbm>>
      tpu.wait_dma2 semaphore(%run_scoped3A : memref<!tpu.dma_semaphore, #tpu.memory_space<semaphore_mem>>) src(%arg10 : memref<10000xf32, #tpu.memory_space<vmem>>) dst(%dma_wait3A_41 : memref<10000xf32, #tpu.memory_space<hbm>>)
      tpu.yield
    }) : () -> ()
    return
  }
}

#map = affine_map<(d0, d1) -> (0, 0)>
#map1 = affine_map<(d0, d1) -> (0)>
module attributes {stable_mosaic.version = 14 : i64} {
  func.func @_edge_d2_body(%arg0: i32, %arg1: i32, %arg2: memref<3x10000xf32, #tpu.memory_space<hbm>>, %arg3: memref<3x10000xf32, #tpu.memory_space<hbm>>, %arg4: memref<320000xi32, #tpu.memory_space<hbm>>, %arg5: memref<320000xf32, #tpu.memory_space<hbm>>, %arg6: memref<320000xf32, #tpu.memory_space<hbm>>, %arg7: memref<10000xf32, #tpu.memory_space<vmem>>, %arg8: memref<10000xf32, #tpu.memory_space<vmem>>, %arg9: memref<10000xf32, #tpu.memory_space<vmem>>, %arg10: memref<10000xf32, #tpu.memory_space<vmem>>, %arg11: memref<10000xf32, #tpu.memory_space<vmem>>, %arg12: memref<10000xf32, #tpu.memory_space<vmem>>, %arg13: memref<5000xi32, #tpu.memory_space<vmem>>, %arg14: memref<5000xf32, #tpu.memory_space<vmem>>, %arg15: memref<5000xf32, #tpu.memory_space<vmem>>) attributes {dimension_semantics = [#tpu.dimension_semantics<core_parallel>, #tpu.dimension_semantics<subcore_parallel>], iteration_bounds = array<i64: 2, 16>, scalar_prefetch = 0 : i64, scratch_operands = 9 : i64, tpu.core_type = #tpu.core_type<sc_vector_subcore>, window_params = [{transform_indices = #map}, {transform_indices = #map}, {transform_indices = #map1}, {transform_indices = #map1}, {transform_indices = #map1}]} {
    %mul3A = arith.constant 2 : i32
    %mul3A_0 = arith.muli %arg1, %mul3A : i32
    %add3A = arith.addi %mul3A_0, %arg0 : i32
    %run_scoped3A = arith.constant 0 : i32
    "tpu.region"() ({
      %run_scoped3A_14 = tpu.sem_alloc : memref<!tpu.dma_semaphore, #tpu.memory_space<semaphore_mem>>
      %dma_start3A = arith.constant 0 : i32
      %dma_start3A_15 = tpu.memref_slice %arg2[%run_scoped3A, %dma_start3A] : memref<3x10000xf32, #tpu.memory_space<hbm>> -> memref<1x10000xf32, #tpu.memory_space<hbm>>
      %dma_start3A_16 = tpu.memref_squeeze %dma_start3A_15 : memref<1x10000xf32, #tpu.memory_space<hbm>> -> memref<10000xf32, #tpu.memory_space<hbm>>
      %dma_start3A_17 = arith.constant 0 : i32
      %dma_start3A_18 = tpu.memref_slice %arg2[%run_scoped3A, %dma_start3A_17] : memref<3x10000xf32, #tpu.memory_space<hbm>> -> memref<1x10000xf32, #tpu.memory_space<hbm>>
      %dma_start3A_19 = tpu.memref_squeeze %dma_start3A_18 : memref<1x10000xf32, #tpu.memory_space<hbm>> -> memref<10000xf32, #tpu.memory_space<hbm>>
      tpu.enqueue_dma source(%dma_start3A_19 : memref<10000xf32, #tpu.memory_space<hbm>>) target(%arg7 : memref<10000xf32, #tpu.memory_space<vmem>>) target_semaphore(%run_scoped3A_14 : memref<!tpu.dma_semaphore, #tpu.memory_space<semaphore_mem>>)
      %dma_wait3A = arith.constant 0 : i32
      %dma_wait3A_20 = tpu.memref_slice %arg2[%run_scoped3A, %dma_wait3A] : memref<3x10000xf32, #tpu.memory_space<hbm>> -> memref<1x10000xf32, #tpu.memory_space<hbm>>
      %dma_wait3A_21 = tpu.memref_squeeze %dma_wait3A_20 : memref<1x10000xf32, #tpu.memory_space<hbm>> -> memref<10000xf32, #tpu.memory_space<hbm>>
      %dma_wait3A_22 = arith.constant 0 : i32
      %dma_wait3A_23 = tpu.memref_slice %arg2[%run_scoped3A, %dma_wait3A_22] : memref<3x10000xf32, #tpu.memory_space<hbm>> -> memref<1x10000xf32, #tpu.memory_space<hbm>>
      %dma_wait3A_24 = tpu.memref_squeeze %dma_wait3A_23 : memref<1x10000xf32, #tpu.memory_space<hbm>> -> memref<10000xf32, #tpu.memory_space<hbm>>
      tpu.wait_dma2 semaphore(%run_scoped3A_14 : memref<!tpu.dma_semaphore, #tpu.memory_space<semaphore_mem>>) src(%dma_wait3A_24 : memref<10000xf32, #tpu.memory_space<hbm>>) dst(%arg7 : memref<10000xf32, #tpu.memory_space<vmem>>)
      tpu.yield
    }) : () -> ()
    %run_scoped3A_1 = arith.constant 0 : i32
    "tpu.region"() ({
      %run_scoped3A_14 = tpu.sem_alloc : memref<!tpu.dma_semaphore, #tpu.memory_space<semaphore_mem>>
      %dma_start3A = arith.constant 0 : i32
      %dma_start3A_15 = tpu.memref_slice %arg3[%run_scoped3A_1, %dma_start3A] : memref<3x10000xf32, #tpu.memory_space<hbm>> -> memref<1x10000xf32, #tpu.memory_space<hbm>>
      %dma_start3A_16 = tpu.memref_squeeze %dma_start3A_15 : memref<1x10000xf32, #tpu.memory_space<hbm>> -> memref<10000xf32, #tpu.memory_space<hbm>>
      %dma_start3A_17 = arith.constant 0 : i32
      %dma_start3A_18 = tpu.memref_slice %arg3[%run_scoped3A_1, %dma_start3A_17] : memref<3x10000xf32, #tpu.memory_space<hbm>> -> memref<1x10000xf32, #tpu.memory_space<hbm>>
      %dma_start3A_19 = tpu.memref_squeeze %dma_start3A_18 : memref<1x10000xf32, #tpu.memory_space<hbm>> -> memref<10000xf32, #tpu.memory_space<hbm>>
      tpu.enqueue_dma source(%dma_start3A_19 : memref<10000xf32, #tpu.memory_space<hbm>>) target(%arg10 : memref<10000xf32, #tpu.memory_space<vmem>>) target_semaphore(%run_scoped3A_14 : memref<!tpu.dma_semaphore, #tpu.memory_space<semaphore_mem>>)
      %dma_wait3A = arith.constant 0 : i32
      %dma_wait3A_20 = tpu.memref_slice %arg3[%run_scoped3A_1, %dma_wait3A] : memref<3x10000xf32, #tpu.memory_space<hbm>> -> memref<1x10000xf32, #tpu.memory_space<hbm>>
      %dma_wait3A_21 = tpu.memref_squeeze %dma_wait3A_20 : memref<1x10000xf32, #tpu.memory_space<hbm>> -> memref<10000xf32, #tpu.memory_space<hbm>>
      %dma_wait3A_22 = arith.constant 0 : i32
      %dma_wait3A_23 = tpu.memref_slice %arg3[%run_scoped3A_1, %dma_wait3A_22] : memref<3x10000xf32, #tpu.memory_space<hbm>> -> memref<1x10000xf32, #tpu.memory_space<hbm>>
      %dma_wait3A_24 = tpu.memref_squeeze %dma_wait3A_23 : memref<1x10000xf32, #tpu.memory_space<hbm>> -> memref<10000xf32, #tpu.memory_space<hbm>>
      tpu.wait_dma2 semaphore(%run_scoped3A_14 : memref<!tpu.dma_semaphore, #tpu.memory_space<semaphore_mem>>) src(%dma_wait3A_24 : memref<10000xf32, #tpu.memory_space<hbm>>) dst(%arg10 : memref<10000xf32, #tpu.memory_space<vmem>>)
      tpu.yield
    }) : () -> ()
    %run_scoped3A_2 = arith.constant 1 : i32
    "tpu.region"() ({
      %run_scoped3A_14 = tpu.sem_alloc : memref<!tpu.dma_semaphore, #tpu.memory_space<semaphore_mem>>
      %dma_start3A = arith.constant 0 : i32
      %dma_start3A_15 = tpu.memref_slice %arg2[%run_scoped3A_2, %dma_start3A] : memref<3x10000xf32, #tpu.memory_space<hbm>> -> memref<1x10000xf32, #tpu.memory_space<hbm>>
      %dma_start3A_16 = tpu.memref_squeeze %dma_start3A_15 : memref<1x10000xf32, #tpu.memory_space<hbm>> -> memref<10000xf32, #tpu.memory_space<hbm>>
      %dma_start3A_17 = arith.constant 0 : i32
      %dma_start3A_18 = tpu.memref_slice %arg2[%run_scoped3A_2, %dma_start3A_17] : memref<3x10000xf32, #tpu.memory_space<hbm>> -> memref<1x10000xf32, #tpu.memory_space<hbm>>
      %dma_start3A_19 = tpu.memref_squeeze %dma_start3A_18 : memref<1x10000xf32, #tpu.memory_space<hbm>> -> memref<10000xf32, #tpu.memory_space<hbm>>
      tpu.enqueue_dma source(%dma_start3A_19 : memref<10000xf32, #tpu.memory_space<hbm>>) target(%arg8 : memref<10000xf32, #tpu.memory_space<vmem>>) target_semaphore(%run_scoped3A_14 : memref<!tpu.dma_semaphore, #tpu.memory_space<semaphore_mem>>)
      %dma_wait3A = arith.constant 0 : i32
      %dma_wait3A_20 = tpu.memref_slice %arg2[%run_scoped3A_2, %dma_wait3A] : memref<3x10000xf32, #tpu.memory_space<hbm>> -> memref<1x10000xf32, #tpu.memory_space<hbm>>
      %dma_wait3A_21 = tpu.memref_squeeze %dma_wait3A_20 : memref<1x10000xf32, #tpu.memory_space<hbm>> -> memref<10000xf32, #tpu.memory_space<hbm>>
      %dma_wait3A_22 = arith.constant 0 : i32
      %dma_wait3A_23 = tpu.memref_slice %arg2[%run_scoped3A_2, %dma_wait3A_22] : memref<3x10000xf32, #tpu.memory_space<hbm>> -> memref<1x10000xf32, #tpu.memory_space<hbm>>
      %dma_wait3A_24 = tpu.memref_squeeze %dma_wait3A_23 : memref<1x10000xf32, #tpu.memory_space<hbm>> -> memref<10000xf32, #tpu.memory_space<hbm>>
      tpu.wait_dma2 semaphore(%run_scoped3A_14 : memref<!tpu.dma_semaphore, #tpu.memory_space<semaphore_mem>>) src(%dma_wait3A_24 : memref<10000xf32, #tpu.memory_space<hbm>>) dst(%arg8 : memref<10000xf32, #tpu.memory_space<vmem>>)
      tpu.yield
    }) : () -> ()
    %run_scoped3A_3 = arith.constant 1 : i32
    "tpu.region"() ({
      %run_scoped3A_14 = tpu.sem_alloc : memref<!tpu.dma_semaphore, #tpu.memory_space<semaphore_mem>>
      %dma_start3A = arith.constant 0 : i32
      %dma_start3A_15 = tpu.memref_slice %arg3[%run_scoped3A_3, %dma_start3A] : memref<3x10000xf32, #tpu.memory_space<hbm>> -> memref<1x10000xf32, #tpu.memory_space<hbm>>
      %dma_start3A_16 = tpu.memref_squeeze %dma_start3A_15 : memref<1x10000xf32, #tpu.memory_space<hbm>> -> memref<10000xf32, #tpu.memory_space<hbm>>
      %dma_start3A_17 = arith.constant 0 : i32
      %dma_start3A_18 = tpu.memref_slice %arg3[%run_scoped3A_3, %dma_start3A_17] : memref<3x10000xf32, #tpu.memory_space<hbm>> -> memref<1x10000xf32, #tpu.memory_space<hbm>>
      %dma_start3A_19 = tpu.memref_squeeze %dma_start3A_18 : memref<1x10000xf32, #tpu.memory_space<hbm>> -> memref<10000xf32, #tpu.memory_space<hbm>>
      tpu.enqueue_dma source(%dma_start3A_19 : memref<10000xf32, #tpu.memory_space<hbm>>) target(%arg11 : memref<10000xf32, #tpu.memory_space<vmem>>) target_semaphore(%run_scoped3A_14 : memref<!tpu.dma_semaphore, #tpu.memory_space<semaphore_mem>>)
      %dma_wait3A = arith.constant 0 : i32
      %dma_wait3A_20 = tpu.memref_slice %arg3[%run_scoped3A_3, %dma_wait3A] : memref<3x10000xf32, #tpu.memory_space<hbm>> -> memref<1x10000xf32, #tpu.memory_space<hbm>>
      %dma_wait3A_21 = tpu.memref_squeeze %dma_wait3A_20 : memref<1x10000xf32, #tpu.memory_space<hbm>> -> memref<10000xf32, #tpu.memory_space<hbm>>
      %dma_wait3A_22 = arith.constant 0 : i32
      %dma_wait3A_23 = tpu.memref_slice %arg3[%run_scoped3A_3, %dma_wait3A_22] : memref<3x10000xf32, #tpu.memory_space<hbm>> -> memref<1x10000xf32, #tpu.memory_space<hbm>>
      %dma_wait3A_24 = tpu.memref_squeeze %dma_wait3A_23 : memref<1x10000xf32, #tpu.memory_space<hbm>> -> memref<10000xf32, #tpu.memory_space<hbm>>
      tpu.wait_dma2 semaphore(%run_scoped3A_14 : memref<!tpu.dma_semaphore, #tpu.memory_space<semaphore_mem>>) src(%dma_wait3A_24 : memref<10000xf32, #tpu.memory_space<hbm>>) dst(%arg11 : memref<10000xf32, #tpu.memory_space<vmem>>)
      tpu.yield
    }) : () -> ()
    %run_scoped3A_4 = arith.constant 2 : i32
    "tpu.region"() ({
      %run_scoped3A_14 = tpu.sem_alloc : memref<!tpu.dma_semaphore, #tpu.memory_space<semaphore_mem>>
      %dma_start3A = arith.constant 0 : i32
      %dma_start3A_15 = tpu.memref_slice %arg2[%run_scoped3A_4, %dma_start3A] : memref<3x10000xf32, #tpu.memory_space<hbm>> -> memref<1x10000xf32, #tpu.memory_space<hbm>>
      %dma_start3A_16 = tpu.memref_squeeze %dma_start3A_15 : memref<1x10000xf32, #tpu.memory_space<hbm>> -> memref<10000xf32, #tpu.memory_space<hbm>>
      %dma_start3A_17 = arith.constant 0 : i32
      %dma_start3A_18 = tpu.memref_slice %arg2[%run_scoped3A_4, %dma_start3A_17] : memref<3x10000xf32, #tpu.memory_space<hbm>> -> memref<1x10000xf32, #tpu.memory_space<hbm>>
      %dma_start3A_19 = tpu.memref_squeeze %dma_start3A_18 : memref<1x10000xf32, #tpu.memory_space<hbm>> -> memref<10000xf32, #tpu.memory_space<hbm>>
      tpu.enqueue_dma source(%dma_start3A_19 : memref<10000xf32, #tpu.memory_space<hbm>>) target(%arg9 : memref<10000xf32, #tpu.memory_space<vmem>>) target_semaphore(%run_scoped3A_14 : memref<!tpu.dma_semaphore, #tpu.memory_space<semaphore_mem>>)
      %dma_wait3A = arith.constant 0 : i32
      %dma_wait3A_20 = tpu.memref_slice %arg2[%run_scoped3A_4, %dma_wait3A] : memref<3x10000xf32, #tpu.memory_space<hbm>> -> memref<1x10000xf32, #tpu.memory_space<hbm>>
      %dma_wait3A_21 = tpu.memref_squeeze %dma_wait3A_20 : memref<1x10000xf32, #tpu.memory_space<hbm>> -> memref<10000xf32, #tpu.memory_space<hbm>>
      %dma_wait3A_22 = arith.constant 0 : i32
      %dma_wait3A_23 = tpu.memref_slice %arg2[%run_scoped3A_4, %dma_wait3A_22] : memref<3x10000xf32, #tpu.memory_space<hbm>> -> memref<1x10000xf32, #tpu.memory_space<hbm>>
      %dma_wait3A_24 = tpu.memref_squeeze %dma_wait3A_23 : memref<1x10000xf32, #tpu.memory_space<hbm>> -> memref<10000xf32, #tpu.memory_space<hbm>>
      tpu.wait_dma2 semaphore(%run_scoped3A_14 : memref<!tpu.dma_semaphore, #tpu.memory_space<semaphore_mem>>) src(%dma_wait3A_24 : memref<10000xf32, #tpu.memory_space<hbm>>) dst(%arg9 : memref<10000xf32, #tpu.memory_space<vmem>>)
      tpu.yield
    }) : () -> ()
    %run_scoped3A_5 = arith.constant 2 : i32
    "tpu.region"() ({
      %run_scoped3A_14 = tpu.sem_alloc : memref<!tpu.dma_semaphore, #tpu.memory_space<semaphore_mem>>
      %dma_start3A = arith.constant 0 : i32
      %dma_start3A_15 = tpu.memref_slice %arg3[%run_scoped3A_5, %dma_start3A] : memref<3x10000xf32, #tpu.memory_space<hbm>> -> memref<1x10000xf32, #tpu.memory_space<hbm>>
      %dma_start3A_16 = tpu.memref_squeeze %dma_start3A_15 : memref<1x10000xf32, #tpu.memory_space<hbm>> -> memref<10000xf32, #tpu.memory_space<hbm>>
      %dma_start3A_17 = arith.constant 0 : i32
      %dma_start3A_18 = tpu.memref_slice %arg3[%run_scoped3A_5, %dma_start3A_17] : memref<3x10000xf32, #tpu.memory_space<hbm>> -> memref<1x10000xf32, #tpu.memory_space<hbm>>
      %dma_start3A_19 = tpu.memref_squeeze %dma_start3A_18 : memref<1x10000xf32, #tpu.memory_space<hbm>> -> memref<10000xf32, #tpu.memory_space<hbm>>
      tpu.enqueue_dma source(%dma_start3A_19 : memref<10000xf32, #tpu.memory_space<hbm>>) target(%arg12 : memref<10000xf32, #tpu.memory_space<vmem>>) target_semaphore(%run_scoped3A_14 : memref<!tpu.dma_semaphore, #tpu.memory_space<semaphore_mem>>)
      %dma_wait3A = arith.constant 0 : i32
      %dma_wait3A_20 = tpu.memref_slice %arg3[%run_scoped3A_5, %dma_wait3A] : memref<3x10000xf32, #tpu.memory_space<hbm>> -> memref<1x10000xf32, #tpu.memory_space<hbm>>
      %dma_wait3A_21 = tpu.memref_squeeze %dma_wait3A_20 : memref<1x10000xf32, #tpu.memory_space<hbm>> -> memref<10000xf32, #tpu.memory_space<hbm>>
      %dma_wait3A_22 = arith.constant 0 : i32
      %dma_wait3A_23 = tpu.memref_slice %arg3[%run_scoped3A_5, %dma_wait3A_22] : memref<3x10000xf32, #tpu.memory_space<hbm>> -> memref<1x10000xf32, #tpu.memory_space<hbm>>
      %dma_wait3A_24 = tpu.memref_squeeze %dma_wait3A_23 : memref<1x10000xf32, #tpu.memory_space<hbm>> -> memref<10000xf32, #tpu.memory_space<hbm>>
      tpu.wait_dma2 semaphore(%run_scoped3A_14 : memref<!tpu.dma_semaphore, #tpu.memory_space<semaphore_mem>>) src(%dma_wait3A_24 : memref<10000xf32, #tpu.memory_space<hbm>>) dst(%arg12 : memref<10000xf32, #tpu.memory_space<vmem>>)
      tpu.yield
    }) : () -> ()
    %mul3A_6 = arith.constant 10000 : i32
    %mul3A_7 = arith.muli %add3A, %mul3A_6 : i32
    %scan3A = arith.constant 0 : i32
    %scan3A_8 = arith.constant 0 : i32
    %scan3A_9 = arith.constant 2 : i32
    %scan3A_10 = arith.addi %scan3A_8, %scan3A_9 : i32
    %scan3A_11 = arith.constant 1 : i32
    %scan3A_12 = scf.for %scan3A_14 = %scan3A_8 to %scan3A_10 step %scan3A_11 iter_args(%scan3A_15 = %scan3A) -> (i32)  : i32 {
      %mul3A_16 = arith.constant 5000 : i32
      %mul3A_17 = arith.muli %scan3A_14, %mul3A_16 : i32
      %add3A_18 = arith.addi %mul3A_7, %mul3A_17 : i32
      "tpu.region"() ({
        %run_scoped3A_27 = tpu.sem_alloc : memref<!tpu.dma_semaphore, #tpu.memory_space<semaphore_mem>>
        %dma_start3A = tpu.memref_slice %arg4[%add3A_18] : memref<320000xi32, #tpu.memory_space<hbm>> -> memref<5000xi32, #tpu.memory_space<hbm>>
        %dma_start3A_28 = tpu.memref_slice %arg4[%add3A_18] : memref<320000xi32, #tpu.memory_space<hbm>> -> memref<5000xi32, #tpu.memory_space<hbm>>
        tpu.enqueue_dma source(%dma_start3A_28 : memref<5000xi32, #tpu.memory_space<hbm>>) target(%arg13 : memref<5000xi32, #tpu.memory_space<vmem>>) target_semaphore(%run_scoped3A_27 : memref<!tpu.dma_semaphore, #tpu.memory_space<semaphore_mem>>)
        %dma_wait3A = tpu.memref_slice %arg4[%add3A_18] : memref<320000xi32, #tpu.memory_space<hbm>> -> memref<5000xi32, #tpu.memory_space<hbm>>
        %dma_wait3A_29 = tpu.memref_slice %arg4[%add3A_18] : memref<320000xi32, #tpu.memory_space<hbm>> -> memref<5000xi32, #tpu.memory_space<hbm>>
        tpu.wait_dma2 semaphore(%run_scoped3A_27 : memref<!tpu.dma_semaphore, #tpu.memory_space<semaphore_mem>>) src(%dma_wait3A_29 : memref<5000xi32, #tpu.memory_space<hbm>>) dst(%arg13 : memref<5000xi32, #tpu.memory_space<vmem>>)
        tpu.yield
      }) : () -> ()
      %scan3A_19 = arith.constant 0 : i32
      %scan3A_20 = arith.constant 0 : i32
      %scan3A_21 = arith.constant 156 : i32
      %scan3A_22 = arith.addi %scan3A_20, %scan3A_21 : i32
      %scan3A_23 = arith.constant 1 : i32
      %scan3A_24 = scf.for %scan3A_27 = %scan3A_20 to %scan3A_22 step %scan3A_23 iter_args(%scan3A_28 = %scan3A_19) -> (i32)  : i32 {
        %mul3A_29 = arith.constant 32 : i32
        %mul3A_30 = arith.muli %scan3A_27, %mul3A_29 : i32
        %add3A_31 = arith.constant 0 : i32
        %add3A_32 = arith.addi %mul3A_30, %add3A_31 : i32
        %get3A = arith.index_cast %add3A_32 : i32 to index
        %get3A_33 = tpu.vector_load %arg13[%get3A] {strides = array<i32>} : memref<5000xi32, #tpu.memory_space<vmem>>, vector<16xi32>,
        %and3A = arith.constant 65535 : i32
        %and3A_34 = vector.broadcast %and3A : i32 to vector<16xi32>
        %and3A_35 = arith.andi %get3A_33, %and3A_34 : vector<16xi32>
        %shift_right_logical3A = arith.constant 16 : i32
        %shift_right_logical3A_36 = vector.broadcast %shift_right_logical3A : i32 to vector<16xi32>
        %shift_right_logical3A_37 = arith.shrui %get3A_33, %shift_right_logical3A_36 : vector<16xi32>
        %gather3A = tpu.vector_load_idx %arg7[%and3A_35] : memref<10000xf32, #tpu.memory_space<vmem>>[vector<16xi32>], vector<16xf32>,
        %gather3A_38 = tpu.vector_load_idx %arg8[%and3A_35] : memref<10000xf32, #tpu.memory_space<vmem>>[vector<16xi32>], vector<16xf32>,
        %gather3A_39 = tpu.vector_load_idx %arg9[%and3A_35] : memref<10000xf32, #tpu.memory_space<vmem>>[vector<16xi32>], vector<16xf32>,
        %gather3A_40 = tpu.vector_load_idx %arg7[%shift_right_logical3A_37] : memref<10000xf32, #tpu.memory_space<vmem>>[vector<16xi32>], vector<16xf32>,
        %gather3A_41 = tpu.vector_load_idx %arg8[%shift_right_logical3A_37] : memref<10000xf32, #tpu.memory_space<vmem>>[vector<16xi32>], vector<16xf32>,
        %gather3A_42 = tpu.vector_load_idx %arg9[%shift_right_logical3A_37] : memref<10000xf32, #tpu.memory_space<vmem>>[vector<16xi32>], vector<16xf32>,
        %gather3A_43 = tpu.vector_load_idx %arg10[%and3A_35] : memref<10000xf32, #tpu.memory_space<vmem>>[vector<16xi32>], vector<16xf32>,
        %gather3A_44 = tpu.vector_load_idx %arg11[%and3A_35] : memref<10000xf32, #tpu.memory_space<vmem>>[vector<16xi32>], vector<16xf32>,
        %gather3A_45 = tpu.vector_load_idx %arg12[%and3A_35] : memref<10000xf32, #tpu.memory_space<vmem>>[vector<16xi32>], vector<16xf32>,
        %gather3A_46 = tpu.vector_load_idx %arg10[%shift_right_logical3A_37] : memref<10000xf32, #tpu.memory_space<vmem>>[vector<16xi32>], vector<16xf32>,
        %gather3A_47 = tpu.vector_load_idx %arg11[%shift_right_logical3A_37] : memref<10000xf32, #tpu.memory_space<vmem>>[vector<16xi32>], vector<16xf32>,
        %gather3A_48 = tpu.vector_load_idx %arg12[%shift_right_logical3A_37] : memref<10000xf32, #tpu.memory_space<vmem>>[vector<16xi32>], vector<16xf32>,
        %broadcast_in_dim3A = arith.constant 0.000000e+00 : f32
        %broadcast_in_dim3A_49 = vector.broadcast %broadcast_in_dim3A : f32 to vector<16xf32>
        %broadcast_in_dim3A_50 = arith.constant 0.000000e+00 : f32
        %broadcast_in_dim3A_51 = vector.broadcast %broadcast_in_dim3A_50 : f32 to vector<16xf32>
        %sub3A = arith.subf %gather3A, %gather3A_40 : vector<16xf32>
        %mul3A_52 = arith.mulf %sub3A, %sub3A : vector<16xf32>
        %add3A_53 = arith.addf %broadcast_in_dim3A_49, %mul3A_52 : vector<16xf32>
        %sub3A_54 = arith.subf %gather3A_43, %gather3A_46 : vector<16xf32>
        %mul3A_55 = arith.mulf %sub3A_54, %sub3A_54 : vector<16xf32>
        %add3A_56 = arith.addf %broadcast_in_dim3A_51, %mul3A_55 : vector<16xf32>
        %sub3A_57 = arith.subf %gather3A_38, %gather3A_41 : vector<16xf32>
        %mul3A_58 = arith.mulf %sub3A_57, %sub3A_57 : vector<16xf32>
        %add3A_59 = arith.addf %add3A_53, %mul3A_58 : vector<16xf32>
        %sub3A_60 = arith.subf %gather3A_44, %gather3A_47 : vector<16xf32>
        %mul3A_61 = arith.mulf %sub3A_60, %sub3A_60 : vector<16xf32>
        %add3A_62 = arith.addf %add3A_56, %mul3A_61 : vector<16xf32>
        %sub3A_63 = arith.subf %gather3A_39, %gather3A_42 : vector<16xf32>
        %mul3A_64 = arith.mulf %sub3A_63, %sub3A_63 : vector<16xf32>
        %add3A_65 = arith.addf %add3A_59, %mul3A_64 : vector<16xf32>
        %sub3A_66 = arith.subf %gather3A_45, %gather3A_48 : vector<16xf32>
        %mul3A_67 = arith.mulf %sub3A_66, %sub3A_66 : vector<16xf32>
        %add3A_68 = arith.addf %add3A_62, %mul3A_67 : vector<16xf32>
        %swap3A = arith.index_cast %add3A_32 : i32 to index
        %swap3A_69 = tpu.vector_load %arg14[%swap3A] {strides = array<i32>} : memref<5000xf32, #tpu.memory_space<vmem>>, vector<16xf32>,
        tpu.vector_store %arg14[%swap3A], %add3A_65 {strides = array<i32>} : memref<5000xf32, #tpu.memory_space<vmem>>, vector<16xf32>,
        %swap3A_70 = arith.index_cast %add3A_32 : i32 to index
        %swap3A_71 = tpu.vector_load %arg15[%swap3A_70] {strides = array<i32>} : memref<5000xf32, #tpu.memory_space<vmem>>, vector<16xf32>,
        tpu.vector_store %arg15[%swap3A_70], %add3A_68 {strides = array<i32>} : memref<5000xf32, #tpu.memory_space<vmem>>, vector<16xf32>,
        %mul3A_72 = arith.constant 32 : i32
        %mul3A_73 = arith.muli %scan3A_27, %mul3A_72 : i32
        %add3A_74 = arith.constant 16 : i32
        %add3A_75 = arith.addi %mul3A_73, %add3A_74 : i32
        %get3A_76 = arith.index_cast %add3A_75 : i32 to index
        %get3A_77 = tpu.vector_load %arg13[%get3A_76] {strides = array<i32>} : memref<5000xi32, #tpu.memory_space<vmem>>, vector<16xi32>,
        %and3A_78 = arith.constant 65535 : i32
        %and3A_79 = vector.broadcast %and3A_78 : i32 to vector<16xi32>
        %and3A_80 = arith.andi %get3A_77, %and3A_79 : vector<16xi32>
        %shift_right_logical3A_81 = arith.constant 16 : i32
        %shift_right_logical3A_82 = vector.broadcast %shift_right_logical3A_81 : i32 to vector<16xi32>
        %shift_right_logical3A_83 = arith.shrui %get3A_77, %shift_right_logical3A_82 : vector<16xi32>
        %gather3A_84 = tpu.vector_load_idx %arg7[%and3A_80] : memref<10000xf32, #tpu.memory_space<vmem>>[vector<16xi32>], vector<16xf32>,
        %gather3A_85 = tpu.vector_load_idx %arg8[%and3A_80] : memref<10000xf32, #tpu.memory_space<vmem>>[vector<16xi32>], vector<16xf32>,
        %gather3A_86 = tpu.vector_load_idx %arg9[%and3A_80] : memref<10000xf32, #tpu.memory_space<vmem>>[vector<16xi32>], vector<16xf32>,
        %gather3A_87 = tpu.vector_load_idx %arg7[%shift_right_logical3A_83] : memref<10000xf32, #tpu.memory_space<vmem>>[vector<16xi32>], vector<16xf32>,
        %gather3A_88 = tpu.vector_load_idx %arg8[%shift_right_logical3A_83] : memref<10000xf32, #tpu.memory_space<vmem>>[vector<16xi32>], vector<16xf32>,
        %gather3A_89 = tpu.vector_load_idx %arg9[%shift_right_logical3A_83] : memref<10000xf32, #tpu.memory_space<vmem>>[vector<16xi32>], vector<16xf32>,
        %gather3A_90 = tpu.vector_load_idx %arg10[%and3A_80] : memref<10000xf32, #tpu.memory_space<vmem>>[vector<16xi32>], vector<16xf32>,
        %gather3A_91 = tpu.vector_load_idx %arg11[%and3A_80] : memref<10000xf32, #tpu.memory_space<vmem>>[vector<16xi32>], vector<16xf32>,
        %gather3A_92 = tpu.vector_load_idx %arg12[%and3A_80] : memref<10000xf32, #tpu.memory_space<vmem>>[vector<16xi32>], vector<16xf32>,
        %gather3A_93 = tpu.vector_load_idx %arg10[%shift_right_logical3A_83] : memref<10000xf32, #tpu.memory_space<vmem>>[vector<16xi32>], vector<16xf32>,
        %gather3A_94 = tpu.vector_load_idx %arg11[%shift_right_logical3A_83] : memref<10000xf32, #tpu.memory_space<vmem>>[vector<16xi32>], vector<16xf32>,
        %gather3A_95 = tpu.vector_load_idx %arg12[%shift_right_logical3A_83] : memref<10000xf32, #tpu.memory_space<vmem>>[vector<16xi32>], vector<16xf32>,
        %broadcast_in_dim3A_96 = arith.constant 0.000000e+00 : f32
        %broadcast_in_dim3A_97 = vector.broadcast %broadcast_in_dim3A_96 : f32 to vector<16xf32>
        %broadcast_in_dim3A_98 = arith.constant 0.000000e+00 : f32
        %broadcast_in_dim3A_99 = vector.broadcast %broadcast_in_dim3A_98 : f32 to vector<16xf32>
        %sub3A_100 = arith.subf %gather3A_84, %gather3A_87 : vector<16xf32>
        %mul3A_101 = arith.mulf %sub3A_100, %sub3A_100 : vector<16xf32>
        %add3A_102 = arith.addf %broadcast_in_dim3A_97, %mul3A_101 : vector<16xf32>
        %sub3A_103 = arith.subf %gather3A_90, %gather3A_93 : vector<16xf32>
        %mul3A_104 = arith.mulf %sub3A_103, %sub3A_103 : vector<16xf32>
        %add3A_105 = arith.addf %broadcast_in_dim3A_99, %mul3A_104 : vector<16xf32>
        %sub3A_106 = arith.subf %gather3A_85, %gather3A_88 : vector<16xf32>
        %mul3A_107 = arith.mulf %sub3A_106, %sub3A_106 : vector<16xf32>
        %add3A_108 = arith.addf %add3A_102, %mul3A_107 : vector<16xf32>
        %sub3A_109 = arith.subf %gather3A_91, %gather3A_94 : vector<16xf32>
        %mul3A_110 = arith.mulf %sub3A_109, %sub3A_109 : vector<16xf32>
        %add3A_111 = arith.addf %add3A_105, %mul3A_110 : vector<16xf32>
        %sub3A_112 = arith.subf %gather3A_86, %gather3A_89 : vector<16xf32>
        %mul3A_113 = arith.mulf %sub3A_112, %sub3A_112 : vector<16xf32>
        %add3A_114 = arith.addf %add3A_108, %mul3A_113 : vector<16xf32>
        %sub3A_115 = arith.subf %gather3A_92, %gather3A_95 : vector<16xf32>
        %mul3A_116 = arith.mulf %sub3A_115, %sub3A_115 : vector<16xf32>
        %add3A_117 = arith.addf %add3A_111, %mul3A_116 : vector<16xf32>
        %swap3A_118 = arith.index_cast %add3A_75 : i32 to index
        %swap3A_119 = tpu.vector_load %arg14[%swap3A_118] {strides = array<i32>} : memref<5000xf32, #tpu.memory_space<vmem>>, vector<16xf32>,
        tpu.vector_store %arg14[%swap3A_118], %add3A_114 {strides = array<i32>} : memref<5000xf32, #tpu.memory_space<vmem>>, vector<16xf32>,
        %swap3A_120 = arith.index_cast %add3A_75 : i32 to index
        %swap3A_121 = tpu.vector_load %arg15[%swap3A_120] {strides = array<i32>} : memref<5000xf32, #tpu.memory_space<vmem>>, vector<16xf32>,
        tpu.vector_store %arg15[%swap3A_120], %add3A_117 {strides = array<i32>} : memref<5000xf32, #tpu.memory_space<vmem>>, vector<16xf32>,
        %scan3A_122 = arith.constant 0 : i32
        scf.yield %scan3A_122 : i32
      }
      %scan3A_25 = arith.constant 156 : i32
      "tpu.region"() ({
        %run_scoped3A_27 = tpu.sem_alloc : memref<!tpu.dma_semaphore, #tpu.memory_space<semaphore_mem>>
        %dma_start3A = tpu.memref_slice %arg5[%add3A_18] : memref<320000xf32, #tpu.memory_space<hbm>> -> memref<5000xf32, #tpu.memory_space<hbm>>
        %dma_start3A_28 = tpu.memref_slice %arg5[%add3A_18] : memref<320000xf32, #tpu.memory_space<hbm>> -> memref<5000xf32, #tpu.memory_space<hbm>>
        tpu.enqueue_dma source(%arg14 : memref<5000xf32, #tpu.memory_space<vmem>>) target(%dma_start3A_28 : memref<5000xf32, #tpu.memory_space<hbm>>) target_semaphore(%run_scoped3A_27 : memref<!tpu.dma_semaphore, #tpu.memory_space<semaphore_mem>>)
        %dma_wait3A = tpu.memref_slice %arg5[%add3A_18] : memref<320000xf32, #tpu.memory_space<hbm>> -> memref<5000xf32, #tpu.memory_space<hbm>>
        %dma_wait3A_29 = tpu.memref_slice %arg5[%add3A_18] : memref<320000xf32, #tpu.memory_space<hbm>> -> memref<5000xf32, #tpu.memory_space<hbm>>
        tpu.wait_dma2 semaphore(%run_scoped3A_27 : memref<!tpu.dma_semaphore, #tpu.memory_space<semaphore_mem>>) src(%arg14 : memref<5000xf32, #tpu.memory_space<vmem>>) dst(%dma_wait3A_29 : memref<5000xf32, #tpu.memory_space<hbm>>)
        tpu.yield
      }) : () -> ()
      "tpu.region"() ({
        %run_scoped3A_27 = tpu.sem_alloc : memref<!tpu.dma_semaphore, #tpu.memory_space<semaphore_mem>>
        %dma_start3A = tpu.memref_slice %arg6[%add3A_18] : memref<320000xf32, #tpu.memory_space<hbm>> -> memref<5000xf32, #tpu.memory_space<hbm>>
        %dma_start3A_28 = tpu.memref_slice %arg6[%add3A_18] : memref<320000xf32, #tpu.memory_space<hbm>> -> memref<5000xf32, #tpu.memory_space<hbm>>
        tpu.enqueue_dma source(%arg15 : memref<5000xf32, #tpu.memory_space<vmem>>) target(%dma_start3A_28 : memref<5000xf32, #tpu.memory_space<hbm>>) target_semaphore(%run_scoped3A_27 : memref<!tpu.dma_semaphore, #tpu.memory_space<semaphore_mem>>)
        %dma_wait3A = tpu.memref_slice %arg6[%add3A_18] : memref<320000xf32, #tpu.memory_space<hbm>> -> memref<5000xf32, #tpu.memory_space<hbm>>
        %dma_wait3A_29 = tpu.memref_slice %arg6[%add3A_18] : memref<320000xf32, #tpu.memory_space<hbm>> -> memref<5000xf32, #tpu.memory_space<hbm>>
        tpu.wait_dma2 semaphore(%run_scoped3A_27 : memref<!tpu.dma_semaphore, #tpu.memory_space<semaphore_mem>>) src(%arg15 : memref<5000xf32, #tpu.memory_space<vmem>>) dst(%dma_wait3A_29 : memref<5000xf32, #tpu.memory_space<hbm>>)
        tpu.yield
      }) : () -> ()
      %scan3A_26 = arith.constant 0 : i32
      scf.yield %scan3A_26 : i32
    }
    %scan3A_13 = arith.constant 2 : i32
    return
  }
}

#map = affine_map<(d0, d1) -> (0, 0)>
#map1 = affine_map<(d0, d1) -> (0)>
module attributes {stable_mosaic.version = 14 : i64} {
  func.func @_segsum_body(%arg0: i32, %arg1: i32, %arg2: memref<64x10000xf32, #tpu.memory_space<hbm>>, %arg3: memref<320000xi32, #tpu.memory_space<hbm>>, %arg4: memref<128x10000xf32, #tpu.memory_space<hbm>>, %arg5: memref<10000xf32, #tpu.memory_space<vmem>>, %arg6: memref<10000xf32, #tpu.memory_space<vmem>>, %arg7: memref<10000xf32, #tpu.memory_space<vmem>>, %arg8: memref<10000xf32, #tpu.memory_space<vmem>>, %arg9: memref<10000xf32, #tpu.memory_space<vmem>>, %arg10: memref<10000xf32, #tpu.memory_space<vmem>>, %arg11: memref<16000xi32, #tpu.memory_space<vmem>>, %arg12: memref<16000xi32, #tpu.memory_space<vmem>>, %arg13: memref<!tpu.dma_semaphore, #tpu.memory_space<semaphore_mem>>, %arg14: memref<!tpu.dma_semaphore, #tpu.memory_space<semaphore_mem>>) attributes {dimension_semantics = [#tpu.dimension_semantics<core_parallel>, #tpu.dimension_semantics<subcore_parallel>], iteration_bounds = array<i64: 2, 16>, scalar_prefetch = 0 : i64, scratch_operands = 10 : i64, tpu.core_type = #tpu.core_type<sc_vector_subcore>, window_params = [{transform_indices = #map}, {transform_indices = #map1}, {transform_indices = #map}]} {
    %mul3A = arith.constant 2 : i32
    %mul3A_0 = arith.muli %arg1, %mul3A : i32
    %add3A = arith.addi %mul3A_0, %arg0 : i32
    %mul3A_1 = arith.constant 2 : i32
    %mul3A_2 = arith.muli %add3A, %mul3A_1 : i32
    %dma_start3A = arith.constant 0 : i32
    %dma_start3A_3 = tpu.memref_slice %arg3[%dma_start3A] : memref<320000xi32, #tpu.memory_space<hbm>> -> memref<16000xi32, #tpu.memory_space<hbm>>
    %dma_start3A_4 = arith.constant 0 : i32
    %dma_start3A_5 = tpu.memref_slice %arg3[%dma_start3A_4] : memref<320000xi32, #tpu.memory_space<hbm>> -> memref<16000xi32, #tpu.memory_space<hbm>>
    tpu.enqueue_dma source(%dma_start3A_5 : memref<16000xi32, #tpu.memory_space<hbm>>) target(%arg11 : memref<16000xi32, #tpu.memory_space<vmem>>) target_semaphore(%arg13 : memref<!tpu.dma_semaphore, #tpu.memory_space<semaphore_mem>>)
    %add3A_6 = arith.constant 0 : i32
    %add3A_7 = arith.addi %mul3A_2, %add3A_6 : i32
    "tpu.region"() ({
      %run_scoped3A = tpu.sem_alloc : memref<!tpu.dma_semaphore, #tpu.memory_space<semaphore_mem>>
      %dma_start3A_31 = arith.constant 0 : i32
      %dma_start3A_32 = tpu.memref_slice %arg2[%add3A_7, %dma_start3A_31] : memref<64x10000xf32, #tpu.memory_space<hbm>> -> memref<1x10000xf32, #tpu.memory_space<hbm>>
      %dma_start3A_33 = tpu.memref_squeeze %dma_start3A_32 : memref<1x10000xf32, #tpu.memory_space<hbm>> -> memref<10000xf32, #tpu.memory_space<hbm>>
      %dma_start3A_34 = arith.constant 0 : i32
      %dma_start3A_35 = tpu.memref_slice %arg2[%add3A_7, %dma_start3A_34] : memref<64x10000xf32, #tpu.memory_space<hbm>> -> memref<1x10000xf32, #tpu.memory_space<hbm>>
      %dma_start3A_36 = tpu.memref_squeeze %dma_start3A_35 : memref<1x10000xf32, #tpu.memory_space<hbm>> -> memref<10000xf32, #tpu.memory_space<hbm>>
      tpu.enqueue_dma source(%dma_start3A_36 : memref<10000xf32, #tpu.memory_space<hbm>>) target(%arg5 : memref<10000xf32, #tpu.memory_space<vmem>>) target_semaphore(%run_scoped3A : memref<!tpu.dma_semaphore, #tpu.memory_space<semaphore_mem>>)
      %dma_wait3A = arith.constant 0 : i32
      %dma_wait3A_37 = tpu.memref_slice %arg2[%add3A_7, %dma_wait3A] : memref<64x10000xf32, #tpu.memory_space<hbm>> -> memref<1x10000xf32, #tpu.memory_space<hbm>>
      %dma_wait3A_38 = tpu.memref_squeeze %dma_wait3A_37 : memref<1x10000xf32, #tpu.memory_space<hbm>> -> memref<10000xf32, #tpu.memory_space<hbm>>
      %dma_wait3A_39 = arith.constant 0 : i32
      %dma_wait3A_40 = tpu.memref_slice %arg2[%add3A_7, %dma_wait3A_39] : memref<64x10000xf32, #tpu.memory_space<hbm>> -> memref<1x10000xf32, #tpu.memory_space<hbm>>
      %dma_wait3A_41 = tpu.memref_squeeze %dma_wait3A_40 : memref<1x10000xf32, #tpu.memory_space<hbm>> -> memref<10000xf32, #tpu.memory_space<hbm>>
      tpu.wait_dma2 semaphore(%run_scoped3A : memref<!tpu.dma_semaphore, #tpu.memory_space<semaphore_mem>>) src(%dma_wait3A_41 : memref<10000xf32, #tpu.memory_space<hbm>>) dst(%arg5 : memref<10000xf32, #tpu.memory_space<vmem>>)
      tpu.yield
    }) : () -> ()
    %add3A_8 = arith.constant 1 : i32
    %add3A_9 = arith.addi %mul3A_2, %add3A_8 : i32
    "tpu.region"() ({
      %run_scoped3A = tpu.sem_alloc : memref<!tpu.dma_semaphore, #tpu.memory_space<semaphore_mem>>
      %dma_start3A_31 = arith.constant 0 : i32
      %dma_start3A_32 = tpu.memref_slice %arg2[%add3A_9, %dma_start3A_31] : memref<64x10000xf32, #tpu.memory_space<hbm>> -> memref<1x10000xf32, #tpu.memory_space<hbm>>
      %dma_start3A_33 = tpu.memref_squeeze %dma_start3A_32 : memref<1x10000xf32, #tpu.memory_space<hbm>> -> memref<10000xf32, #tpu.memory_space<hbm>>
      %dma_start3A_34 = arith.constant 0 : i32
      %dma_start3A_35 = tpu.memref_slice %arg2[%add3A_9, %dma_start3A_34] : memref<64x10000xf32, #tpu.memory_space<hbm>> -> memref<1x10000xf32, #tpu.memory_space<hbm>>
      %dma_start3A_36 = tpu.memref_squeeze %dma_start3A_35 : memref<1x10000xf32, #tpu.memory_space<hbm>> -> memref<10000xf32, #tpu.memory_space<hbm>>
      tpu.enqueue_dma source(%dma_start3A_36 : memref<10000xf32, #tpu.memory_space<hbm>>) target(%arg6 : memref<10000xf32, #tpu.memory_space<vmem>>) target_semaphore(%run_scoped3A : memref<!tpu.dma_semaphore, #tpu.memory_space<semaphore_mem>>)
      %dma_wait3A = arith.constant 0 : i32
      %dma_wait3A_37 = tpu.memref_slice %arg2[%add3A_9, %dma_wait3A] : memref<64x10000xf32, #tpu.memory_space<hbm>> -> memref<1x10000xf32, #tpu.memory_space<hbm>>
      %dma_wait3A_38 = tpu.memref_squeeze %dma_wait3A_37 : memref<1x10000xf32, #tpu.memory_space<hbm>> -> memref<10000xf32, #tpu.memory_space<hbm>>
      %dma_wait3A_39 = arith.constant 0 : i32
      %dma_wait3A_40 = tpu.memref_slice %arg2[%add3A_9, %dma_wait3A_39] : memref<64x10000xf32, #tpu.memory_space<hbm>> -> memref<1x10000xf32, #tpu.memory_space<hbm>>
      %dma_wait3A_41 = tpu.memref_squeeze %dma_wait3A_40 : memref<1x10000xf32, #tpu.memory_space<hbm>> -> memref<10000xf32, #tpu.memory_space<hbm>>
      tpu.wait_dma2 semaphore(%run_scoped3A : memref<!tpu.dma_semaphore, #tpu.memory_space<semaphore_mem>>) src(%dma_wait3A_41 : memref<10000xf32, #tpu.memory_space<hbm>>) dst(%arg6 : memref<10000xf32, #tpu.memory_space<vmem>>)
      tpu.yield
    }) : () -> ()
    %scan3A = arith.constant 0 : i32
    %scan3A_10 = arith.constant 0 : i32
    %scan3A_11 = arith.constant 625 : i32
    %scan3A_12 = arith.addi %scan3A_10, %scan3A_11 : i32
    %scan3A_13 = arith.constant 1 : i32
    %scan3A_14 = scf.for %scan3A_31 = %scan3A_10 to %scan3A_12 step %scan3A_13 iter_args(%scan3A_32 = %scan3A) -> (i32)  : i32 {
      %broadcast_in_dim3A = arith.constant 0.000000e+00 : f32
      %broadcast_in_dim3A_33 = vector.broadcast %broadcast_in_dim3A : f32 to vector<16xf32>
      %mul3A_34 = arith.constant 16 : i32
      %mul3A_35 = arith.muli %scan3A_31, %mul3A_34 : i32
      %swap3A = arith.index_cast %mul3A_35 : i32 to index
      %swap3A_36 = tpu.vector_load %arg7[%swap3A] {strides = array<i32>} : memref<10000xf32, #tpu.memory_space<vmem>>, vector<16xf32>,
      tpu.vector_store %arg7[%swap3A], %broadcast_in_dim3A_33 {strides = array<i32>} : memref<10000xf32, #tpu.memory_space<vmem>>, vector<16xf32>,
      %mul3A_37 = arith.constant 16 : i32
      %mul3A_38 = arith.muli %scan3A_31, %mul3A_37 : i32
      %swap3A_39 = arith.index_cast %mul3A_38 : i32 to index
      %swap3A_40 = tpu.vector_load %arg8[%swap3A_39] {strides = array<i32>} : memref<10000xf32, #tpu.memory_space<vmem>>, vector<16xf32>,
      tpu.vector_store %arg8[%swap3A_39], %broadcast_in_dim3A_33 {strides = array<i32>} : memref<10000xf32, #tpu.memory_space<vmem>>, vector<16xf32>,
      %mul3A_41 = arith.constant 16 : i32
      %mul3A_42 = arith.muli %scan3A_31, %mul3A_41 : i32
      %swap3A_43 = arith.index_cast %mul3A_42 : i32 to index
      %swap3A_44 = tpu.vector_load %arg9[%swap3A_43] {strides = array<i32>} : memref<10000xf32, #tpu.memory_space<vmem>>, vector<16xf32>,
      tpu.vector_store %arg9[%swap3A_43], %broadcast_in_dim3A_33 {strides = array<i32>} : memref<10000xf32, #tpu.memory_space<vmem>>, vector<16xf32>,
      %mul3A_45 = arith.constant 16 : i32
      %mul3A_46 = arith.muli %scan3A_31, %mul3A_45 : i32
      %swap3A_47 = arith.index_cast %mul3A_46 : i32 to index
      %swap3A_48 = tpu.vector_load %arg10[%swap3A_47] {strides = array<i32>} : memref<10000xf32, #tpu.memory_space<vmem>>, vector<16xf32>,
      tpu.vector_store %arg10[%swap3A_47], %broadcast_in_dim3A_33 {strides = array<i32>} : memref<10000xf32, #tpu.memory_space<vmem>>, vector<16xf32>,
      %scan3A_49 = arith.constant 0 : i32
      scf.yield %scan3A_49 : i32
    }
    %scan3A_15 = arith.constant 625 : i32
    %scan3A_16 = arith.constant 0 : i32
    %scan3A_17 = arith.constant 0 : i32
    %scan3A_18 = arith.constant 10 : i32
    %scan3A_19 = arith.addi %scan3A_17, %scan3A_18 : i32
    %scan3A_20 = arith.constant 1 : i32
    %scan3A_21 = scf.for %scan3A_31 = %scan3A_17 to %scan3A_19 step %scan3A_20 iter_args(%scan3A_32 = %scan3A_16) -> (i32)  : i32 {
      %mul3A_33 = arith.constant 2 : i32
      %mul3A_34 = arith.muli %mul3A_33, %scan3A_31 : i32
      %add3A_35 = arith.constant 1 : i32
      %add3A_36 = arith.addi %mul3A_34, %add3A_35 : i32
      %mul3A_37 = arith.constant 16000 : i32
      %mul3A_38 = arith.muli %add3A_36, %mul3A_37 : i32
      %dma_start3A_39 = tpu.memref_slice %arg3[%mul3A_38] : memref<320000xi32, #tpu.memory_space<hbm>> -> memref<16000xi32, #tpu.memory_space<hbm>>
      %dma_start3A_40 = tpu.memref_slice %arg3[%mul3A_38] : memref<320000xi32, #tpu.memory_space<hbm>> -> memref<16000xi32, #tpu.memory_space<hbm>>
      tpu.enqueue_dma source(%dma_start3A_40 : memref<16000xi32, #tpu.memory_space<hbm>>) target(%arg12 : memref<16000xi32, #tpu.memory_space<vmem>>) target_semaphore(%arg14 : memref<!tpu.dma_semaphore, #tpu.memory_space<semaphore_mem>>)
      %dma_wait3A = arith.constant 0 : i32
      %dma_wait3A_41 = tpu.memref_slice %arg3[%dma_wait3A] : memref<320000xi32, #tpu.memory_space<hbm>> -> memref<16000xi32, #tpu.memory_space<hbm>>
      %dma_wait3A_42 = arith.constant 0 : i32
      %dma_wait3A_43 = tpu.memref_slice %arg3[%dma_wait3A_42] : memref<320000xi32, #tpu.memory_space<hbm>> -> memref<16000xi32, #tpu.memory_space<hbm>>
      tpu.wait_dma2 semaphore(%arg13 : memref<!tpu.dma_semaphore, #tpu.memory_space<semaphore_mem>>) src(%dma_wait3A_43 : memref<16000xi32, #tpu.memory_space<hbm>>) dst(%arg11 : memref<16000xi32, #tpu.memory_space<vmem>>)
      %scan3A_44 = arith.constant 0 : i32
      %scan3A_45 = arith.constant 0 : i32
      %scan3A_46 = arith.constant 250 : i32
      %scan3A_47 = arith.addi %scan3A_45, %scan3A_46 : i32
      %scan3A_48 = arith.constant 1 : i32
      %scan3A_49 = scf.for %scan3A_63 = %scan3A_45 to %scan3A_47 step %scan3A_48 iter_args(%scan3A_64 = %scan3A_44) -> (i32)  : i32 {
        %mul3A_65 = arith.constant 64 : i32
        %mul3A_66 = arith.muli %scan3A_63, %mul3A_65 : i32
        %add3A_67 = arith.constant 0 : i32
        %add3A_68 = arith.addi %mul3A_66, %add3A_67 : i32
        %get3A = arith.index_cast %add3A_68 : i32 to index
        %get3A_69 = tpu.vector_load %arg11[%get3A] {strides = array<i32>} : memref<16000xi32, #tpu.memory_space<vmem>>, vector<16xi32>,
        %add3A_70 = arith.constant 16 : i32
        %add3A_71 = arith.addi %mul3A_66, %add3A_70 : i32
        %get3A_72 = arith.index_cast %add3A_71 : i32 to index
        %get3A_73 = tpu.vector_load %arg11[%get3A_72] {strides = array<i32>} : memref<16000xi32, #tpu.memory_space<vmem>>, vector<16xi32>,
        %add3A_74 = arith.constant 32 : i32
        %add3A_75 = arith.addi %mul3A_66, %add3A_74 : i32
        %get3A_76 = arith.index_cast %add3A_75 : i32 to index
        %get3A_77 = tpu.vector_load %arg11[%get3A_76] {strides = array<i32>} : memref<16000xi32, #tpu.memory_space<vmem>>, vector<16xi32>,
        %add3A_78 = arith.constant 48 : i32
        %add3A_79 = arith.addi %mul3A_66, %add3A_78 : i32
        %get3A_80 = arith.index_cast %add3A_79 : i32 to index
        %get3A_81 = tpu.vector_load %arg11[%get3A_80] {strides = array<i32>} : memref<16000xi32, #tpu.memory_space<vmem>>, vector<16xi32>,
        %and3A = arith.constant 65535 : i32
        %and3A_82 = vector.broadcast %and3A : i32 to vector<16xi32>
        %and3A_83 = arith.andi %get3A_69, %and3A_82 : vector<16xi32>
        %and3A_84 = arith.constant 65535 : i32
        %and3A_85 = vector.broadcast %and3A_84 : i32 to vector<16xi32>
        %and3A_86 = arith.andi %get3A_73, %and3A_85 : vector<16xi32>
        %and3A_87 = arith.constant 65535 : i32
        %and3A_88 = vector.broadcast %and3A_87 : i32 to vector<16xi32>
        %and3A_89 = arith.andi %get3A_77, %and3A_88 : vector<16xi32>
        %and3A_90 = arith.constant 65535 : i32
        %and3A_91 = vector.broadcast %and3A_90 : i32 to vector<16xi32>
        %and3A_92 = arith.andi %get3A_81, %and3A_91 : vector<16xi32>
        %shift_right_logical3A = arith.constant 16 : i32
        %shift_right_logical3A_93 = vector.broadcast %shift_right_logical3A : i32 to vector<16xi32>
        %shift_right_logical3A_94 = arith.shrui %get3A_69, %shift_right_logical3A_93 : vector<16xi32>
        %shift_right_logical3A_95 = arith.constant 16 : i32
        %shift_right_logical3A_96 = vector.broadcast %shift_right_logical3A_95 : i32 to vector<16xi32>
        %shift_right_logical3A_97 = arith.shrui %get3A_73, %shift_right_logical3A_96 : vector<16xi32>
        %shift_right_logical3A_98 = arith.constant 16 : i32
        %shift_right_logical3A_99 = vector.broadcast %shift_right_logical3A_98 : i32 to vector<16xi32>
        %shift_right_logical3A_100 = arith.shrui %get3A_77, %shift_right_logical3A_99 : vector<16xi32>
        %shift_right_logical3A_101 = arith.constant 16 : i32
        %shift_right_logical3A_102 = vector.broadcast %shift_right_logical3A_101 : i32 to vector<16xi32>
        %shift_right_logical3A_103 = arith.shrui %get3A_81, %shift_right_logical3A_102 : vector<16xi32>
        %gather3A = tpu.vector_load_idx %arg5[%and3A_83] : memref<10000xf32, #tpu.memory_space<vmem>>[vector<16xi32>], vector<16xf32>,
        %gather3A_104 = tpu.vector_load_idx %arg6[%and3A_83] : memref<10000xf32, #tpu.memory_space<vmem>>[vector<16xi32>], vector<16xf32>,
        %gather3A_105 = tpu.vector_load_idx %arg5[%and3A_86] : memref<10000xf32, #tpu.memory_space<vmem>>[vector<16xi32>], vector<16xf32>,
        %gather3A_106 = tpu.vector_load_idx %arg6[%and3A_86] : memref<10000xf32, #tpu.memory_space<vmem>>[vector<16xi32>], vector<16xf32>,
        %gather3A_107 = tpu.vector_load_idx %arg5[%and3A_89] : memref<10000xf32, #tpu.memory_space<vmem>>[vector<16xi32>], vector<16xf32>,
        %gather3A_108 = tpu.vector_load_idx %arg6[%and3A_89] : memref<10000xf32, #tpu.memory_space<vmem>>[vector<16xi32>], vector<16xf32>,
        %gather3A_109 = tpu.vector_load_idx %arg5[%and3A_92] : memref<10000xf32, #tpu.memory_space<vmem>>[vector<16xi32>], vector<16xf32>,
        %gather3A_110 = tpu.vector_load_idx %arg6[%and3A_92] : memref<10000xf32, #tpu.memory_space<vmem>>[vector<16xi32>], vector<16xf32>,
        %bitcast3A = vector.bitcast %gather3A : vector<16xf32> to vector<32xbf16>
        %unpack3A = tpu.unpack_subelements %bitcast3A, 0 {pack_format = #tpu.pack_format<interleaved>} : vector<32xbf16> -> vector<16xf32>
        %unpack3A_111 = tpu.unpack_subelements %bitcast3A, 1 {pack_format = #tpu.pack_format<interleaved>} : vector<32xbf16> -> vector<16xf32>
        %bitcast3A_112 = vector.bitcast %gather3A_104 : vector<16xf32> to vector<32xbf16>
        %unpack3A_113 = tpu.unpack_subelements %bitcast3A_112, 0 {pack_format = #tpu.pack_format<interleaved>} : vector<32xbf16> -> vector<16xf32>
        %unpack3A_114 = tpu.unpack_subelements %bitcast3A_112, 1 {pack_format = #tpu.pack_format<interleaved>} : vector<32xbf16> -> vector<16xf32>
        tpu.vector_store_idx %arg7[%shift_right_logical3A_94], %unpack3A {add = true} : memref<10000xf32, #tpu.memory_space<vmem>>[vector<16xi32>], vector<16xf32>,
        tpu.vector_store_idx %arg8[%shift_right_logical3A_94], %unpack3A_113 {add = true} : memref<10000xf32, #tpu.memory_space<vmem>>[vector<16xi32>], vector<16xf32>,
        tpu.vector_store_idx %arg9[%shift_right_logical3A_94], %unpack3A_111 {add = true} : memref<10000xf32, #tpu.memory_space<vmem>>[vector<16xi32>], vector<16xf32>,
        tpu.vector_store_idx %arg10[%shift_right_logical3A_94], %unpack3A_114 {add = true} : memref<10000xf32, #tpu.memory_space<vmem>>[vector<16xi32>], vector<16xf32>,
        %bitcast3A_115 = vector.bitcast %gather3A_105 : vector<16xf32> to vector<32xbf16>
        %unpack3A_116 = tpu.unpack_subelements %bitcast3A_115, 0 {pack_format = #tpu.pack_format<interleaved>} : vector<32xbf16> -> vector<16xf32>
        %unpack3A_117 = tpu.unpack_subelements %bitcast3A_115, 1 {pack_format = #tpu.pack_format<interleaved>} : vector<32xbf16> -> vector<16xf32>
        %bitcast3A_118 = vector.bitcast %gather3A_106 : vector<16xf32> to vector<32xbf16>
        %unpack3A_119 = tpu.unpack_subelements %bitcast3A_118, 0 {pack_format = #tpu.pack_format<interleaved>} : vector<32xbf16> -> vector<16xf32>
        %unpack3A_120 = tpu.unpack_subelements %bitcast3A_118, 1 {pack_format = #tpu.pack_format<interleaved>} : vector<32xbf16> -> vector<16xf32>
        tpu.vector_store_idx %arg7[%shift_right_logical3A_97], %unpack3A_116 {add = true} : memref<10000xf32, #tpu.memory_space<vmem>>[vector<16xi32>], vector<16xf32>,
        tpu.vector_store_idx %arg8[%shift_right_logical3A_97], %unpack3A_119 {add = true} : memref<10000xf32, #tpu.memory_space<vmem>>[vector<16xi32>], vector<16xf32>,
        tpu.vector_store_idx %arg9[%shift_right_logical3A_97], %unpack3A_117 {add = true} : memref<10000xf32, #tpu.memory_space<vmem>>[vector<16xi32>], vector<16xf32>,
        tpu.vector_store_idx %arg10[%shift_right_logical3A_97], %unpack3A_120 {add = true} : memref<10000xf32, #tpu.memory_space<vmem>>[vector<16xi32>], vector<16xf32>,
        %bitcast3A_121 = vector.bitcast %gather3A_107 : vector<16xf32> to vector<32xbf16>
        %unpack3A_122 = tpu.unpack_subelements %bitcast3A_121, 0 {pack_format = #tpu.pack_format<interleaved>} : vector<32xbf16> -> vector<16xf32>
        %unpack3A_123 = tpu.unpack_subelements %bitcast3A_121, 1 {pack_format = #tpu.pack_format<interleaved>} : vector<32xbf16> -> vector<16xf32>
        %bitcast3A_124 = vector.bitcast %gather3A_108 : vector<16xf32> to vector<32xbf16>
        %unpack3A_125 = tpu.unpack_subelements %bitcast3A_124, 0 {pack_format = #tpu.pack_format<interleaved>} : vector<32xbf16> -> vector<16xf32>
        %unpack3A_126 = tpu.unpack_subelements %bitcast3A_124, 1 {pack_format = #tpu.pack_format<interleaved>} : vector<32xbf16> -> vector<16xf32>
        tpu.vector_store_idx %arg7[%shift_right_logical3A_100], %unpack3A_122 {add = true} : memref<10000xf32, #tpu.memory_space<vmem>>[vector<16xi32>], vector<16xf32>,
        tpu.vector_store_idx %arg8[%shift_right_logical3A_100], %unpack3A_125 {add = true} : memref<10000xf32, #tpu.memory_space<vmem>>[vector<16xi32>], vector<16xf32>,
        tpu.vector_store_idx %arg9[%shift_right_logical3A_100], %unpack3A_123 {add = true} : memref<10000xf32, #tpu.memory_space<vmem>>[vector<16xi32>], vector<16xf32>,
        tpu.vector_store_idx %arg10[%shift_right_logical3A_100], %unpack3A_126 {add = true} : memref<10000xf32, #tpu.memory_space<vmem>>[vector<16xi32>], vector<16xf32>,
        %bitcast3A_127 = vector.bitcast %gather3A_109 : vector<16xf32> to vector<32xbf16>
        %unpack3A_128 = tpu.unpack_subelements %bitcast3A_127, 0 {pack_format = #tpu.pack_format<interleaved>} : vector<32xbf16> -> vector<16xf32>
        %unpack3A_129 = tpu.unpack_subelements %bitcast3A_127, 1 {pack_format = #tpu.pack_format<interleaved>} : vector<32xbf16> -> vector<16xf32>
        %bitcast3A_130 = vector.bitcast %gather3A_110 : vector<16xf32> to vector<32xbf16>
        %unpack3A_131 = tpu.unpack_subelements %bitcast3A_130, 0 {pack_format = #tpu.pack_format<interleaved>} : vector<32xbf16> -> vector<16xf32>
        %unpack3A_132 = tpu.unpack_subelements %bitcast3A_130, 1 {pack_format = #tpu.pack_format<interleaved>} : vector<32xbf16> -> vector<16xf32>
        tpu.vector_store_idx %arg7[%shift_right_logical3A_103], %unpack3A_128 {add = true} : memref<10000xf32, #tpu.memory_space<vmem>>[vector<16xi32>], vector<16xf32>,
        tpu.vector_store_idx %arg8[%shift_right_logical3A_103], %unpack3A_131 {add = true} : memref<10000xf32, #tpu.memory_space<vmem>>[vector<16xi32>], vector<16xf32>,
        tpu.vector_store_idx %arg9[%shift_right_logical3A_103], %unpack3A_129 {add = true} : memref<10000xf32, #tpu.memory_space<vmem>>[vector<16xi32>], vector<16xf32>,
        tpu.vector_store_idx %arg10[%shift_right_logical3A_103], %unpack3A_132 {add = true} : memref<10000xf32, #tpu.memory_space<vmem>>[vector<16xi32>], vector<16xf32>,
        %scan3A_133 = arith.constant 0 : i32
        scf.yield %scan3A_133 : i32
      }
      %scan3A_50 = arith.constant 250 : i32
      %lt3A = arith.constant 9 : i32
      %lt3A_51 = arith.cmpi slt, %scan3A_31, %lt3A : i32
      %convert_element_type3A = arith.extui %lt3A_51 : i1 to i32
      %cond3A = arith.constant 0 : i32
      %cond3A_52 = arith.cmpi ne, %convert_element_type3A, %cond3A : i32
      scf.if %cond3A_52 {
        %mul3A_63 = arith.constant 2 : i32
        %mul3A_64 = arith.muli %mul3A_63, %scan3A_31 : i32
        %add3A_65 = arith.constant 2 : i32
        %add3A_66 = arith.addi %mul3A_64, %add3A_65 : i32
        %mul3A_67 = arith.constant 16000 : i32
        %mul3A_68 = arith.muli %add3A_66, %mul3A_67 : i32
        %dma_start3A_69 = tpu.memref_slice %arg3[%mul3A_68] : memref<320000xi32, #tpu.memory_space<hbm>> -> memref<16000xi32, #tpu.memory_space<hbm>>
        %dma_start3A_70 = tpu.memref_slice %arg3[%mul3A_68] : memref<320000xi32, #tpu.memory_space<hbm>> -> memref<16000xi32, #tpu.memory_space<hbm>>
        tpu.enqueue_dma source(%dma_start3A_70 : memref<16000xi32, #tpu.memory_space<hbm>>) target(%arg11 : memref<16000xi32, #tpu.memory_space<vmem>>) target_semaphore(%arg13 : memref<!tpu.dma_semaphore, #tpu.memory_space<semaphore_mem>>)
      } else {
      }
      %dma_wait3A_53 = tpu.memref_slice %arg3[%mul3A_38] : memref<320000xi32, #tpu.memory_space<hbm>> -> memref<16000xi32, #tpu.memory_space<hbm>>
      %dma_wait3A_54 = tpu.memref_slice %arg3[%mul3A_38] : memref<320000xi32, #tpu.memory_space<hbm>> -> memref<16000xi32, #tpu.memory_space<hbm>>
      tpu.wait_dma2 semaphore(%arg14 : memref<!tpu.dma_semaphore, #tpu.memory_space<semaphore_mem>>) src(%dma_wait3A_54 : memref<16000xi32, #tpu.memory_space<hbm>>) dst(%arg12 : memref<16000xi32, #tpu.memory_space<vmem>>)
      %scan3A_55 = arith.constant 0 : i32
      %scan3A_56 = arith.constant 0 : i32
      %scan3A_57 = arith.constant 250 : i32
      %scan3A_58 = arith.addi %scan3A_56, %scan3A_57 : i32
      %scan3A_59 = arith.constant 1 : i32
      %scan3A_60 = scf.for %scan3A_63 = %scan3A_56 to %scan3A_58 step %scan3A_59 iter_args(%scan3A_64 = %scan3A_55) -> (i32)  : i32 {
        %mul3A_65 = arith.constant 64 : i32
        %mul3A_66 = arith.muli %scan3A_63, %mul3A_65 : i32
        %add3A_67 = arith.constant 0 : i32
        %add3A_68 = arith.addi %mul3A_66, %add3A_67 : i32
        %get3A = arith.index_cast %add3A_68 : i32 to index
        %get3A_69 = tpu.vector_load %arg12[%get3A] {strides = array<i32>} : memref<16000xi32, #tpu.memory_space<vmem>>, vector<16xi32>,
        %add3A_70 = arith.constant 16 : i32
        %add3A_71 = arith.addi %mul3A_66, %add3A_70 : i32
        %get3A_72 = arith.index_cast %add3A_71 : i32 to index
        %get3A_73 = tpu.vector_load %arg12[%get3A_72] {strides = array<i32>} : memref<16000xi32, #tpu.memory_space<vmem>>, vector<16xi32>,
        %add3A_74 = arith.constant 32 : i32
        %add3A_75 = arith.addi %mul3A_66, %add3A_74 : i32
        %get3A_76 = arith.index_cast %add3A_75 : i32 to index
        %get3A_77 = tpu.vector_load %arg12[%get3A_76] {strides = array<i32>} : memref<16000xi32, #tpu.memory_space<vmem>>, vector<16xi32>,
        %add3A_78 = arith.constant 48 : i32
        %add3A_79 = arith.addi %mul3A_66, %add3A_78 : i32
        %get3A_80 = arith.index_cast %add3A_79 : i32 to index
        %get3A_81 = tpu.vector_load %arg12[%get3A_80] {strides = array<i32>} : memref<16000xi32, #tpu.memory_space<vmem>>, vector<16xi32>,
        %and3A = arith.constant 65535 : i32
        %and3A_82 = vector.broadcast %and3A : i32 to vector<16xi32>
        %and3A_83 = arith.andi %get3A_69, %and3A_82 : vector<16xi32>
        %and3A_84 = arith.constant 65535 : i32
        %and3A_85 = vector.broadcast %and3A_84 : i32 to vector<16xi32>
        %and3A_86 = arith.andi %get3A_73, %and3A_85 : vector<16xi32>
        %and3A_87 = arith.constant 65535 : i32
        %and3A_88 = vector.broadcast %and3A_87 : i32 to vector<16xi32>
        %and3A_89 = arith.andi %get3A_77, %and3A_88 : vector<16xi32>
        %and3A_90 = arith.constant 65535 : i32
        %and3A_91 = vector.broadcast %and3A_90 : i32 to vector<16xi32>
        %and3A_92 = arith.andi %get3A_81, %and3A_91 : vector<16xi32>
        %shift_right_logical3A = arith.constant 16 : i32
        %shift_right_logical3A_93 = vector.broadcast %shift_right_logical3A : i32 to vector<16xi32>
        %shift_right_logical3A_94 = arith.shrui %get3A_69, %shift_right_logical3A_93 : vector<16xi32>
        %shift_right_logical3A_95 = arith.constant 16 : i32
        %shift_right_logical3A_96 = vector.broadcast %shift_right_logical3A_95 : i32 to vector<16xi32>
        %shift_right_logical3A_97 = arith.shrui %get3A_73, %shift_right_logical3A_96 : vector<16xi32>
        %shift_right_logical3A_98 = arith.constant 16 : i32
        %shift_right_logical3A_99 = vector.broadcast %shift_right_logical3A_98 : i32 to vector<16xi32>
        %shift_right_logical3A_100 = arith.shrui %get3A_77, %shift_right_logical3A_99 : vector<16xi32>
        %shift_right_logical3A_101 = arith.constant 16 : i32
        %shift_right_logical3A_102 = vector.broadcast %shift_right_logical3A_101 : i32 to vector<16xi32>
        %shift_right_logical3A_103 = arith.shrui %get3A_81, %shift_right_logical3A_102 : vector<16xi32>
        %gather3A = tpu.vector_load_idx %arg5[%and3A_83] : memref<10000xf32, #tpu.memory_space<vmem>>[vector<16xi32>], vector<16xf32>,
        %gather3A_104 = tpu.vector_load_idx %arg6[%and3A_83] : memref<10000xf32, #tpu.memory_space<vmem>>[vector<16xi32>], vector<16xf32>,
        %gather3A_105 = tpu.vector_load_idx %arg5[%and3A_86] : memref<10000xf32, #tpu.memory_space<vmem>>[vector<16xi32>], vector<16xf32>,
        %gather3A_106 = tpu.vector_load_idx %arg6[%and3A_86] : memref<10000xf32, #tpu.memory_space<vmem>>[vector<16xi32>], vector<16xf32>,
        %gather3A_107 = tpu.vector_load_idx %arg5[%and3A_89] : memref<10000xf32, #tpu.memory_space<vmem>>[vector<16xi32>], vector<16xf32>,
        %gather3A_108 = tpu.vector_load_idx %arg6[%and3A_89] : memref<10000xf32, #tpu.memory_space<vmem>>[vector<16xi32>], vector<16xf32>,
        %gather3A_109 = tpu.vector_load_idx %arg5[%and3A_92] : memref<10000xf32, #tpu.memory_space<vmem>>[vector<16xi32>], vector<16xf32>,
        %gather3A_110 = tpu.vector_load_idx %arg6[%and3A_92] : memref<10000xf32, #tpu.memory_space<vmem>>[vector<16xi32>], vector<16xf32>,
        %bitcast3A = vector.bitcast %gather3A : vector<16xf32> to vector<32xbf16>
        %unpack3A = tpu.unpack_subelements %bitcast3A, 0 {pack_format = #tpu.pack_format<interleaved>} : vector<32xbf16> -> vector<16xf32>
        %unpack3A_111 = tpu.unpack_subelements %bitcast3A, 1 {pack_format = #tpu.pack_format<interleaved>} : vector<32xbf16> -> vector<16xf32>
        %bitcast3A_112 = vector.bitcast %gather3A_104 : vector<16xf32> to vector<32xbf16>
        %unpack3A_113 = tpu.unpack_subelements %bitcast3A_112, 0 {pack_format = #tpu.pack_format<interleaved>} : vector<32xbf16> -> vector<16xf32>
        %unpack3A_114 = tpu.unpack_subelements %bitcast3A_112, 1 {pack_format = #tpu.pack_format<interleaved>} : vector<32xbf16> -> vector<16xf32>
        tpu.vector_store_idx %arg7[%shift_right_logical3A_94], %unpack3A {add = true} : memref<10000xf32, #tpu.memory_space<vmem>>[vector<16xi32>], vector<16xf32>,
        tpu.vector_store_idx %arg8[%shift_right_logical3A_94], %unpack3A_113 {add = true} : memref<10000xf32, #tpu.memory_space<vmem>>[vector<16xi32>], vector<16xf32>,
        tpu.vector_store_idx %arg9[%shift_right_logical3A_94], %unpack3A_111 {add = true} : memref<10000xf32, #tpu.memory_space<vmem>>[vector<16xi32>], vector<16xf32>,
        tpu.vector_store_idx %arg10[%shift_right_logical3A_94], %unpack3A_114 {add = true} : memref<10000xf32, #tpu.memory_space<vmem>>[vector<16xi32>], vector<16xf32>,
        %bitcast3A_115 = vector.bitcast %gather3A_105 : vector<16xf32> to vector<32xbf16>
        %unpack3A_116 = tpu.unpack_subelements %bitcast3A_115, 0 {pack_format = #tpu.pack_format<interleaved>} : vector<32xbf16> -> vector<16xf32>
        %unpack3A_117 = tpu.unpack_subelements %bitcast3A_115, 1 {pack_format = #tpu.pack_format<interleaved>} : vector<32xbf16> -> vector<16xf32>
        %bitcast3A_118 = vector.bitcast %gather3A_106 : vector<16xf32> to vector<32xbf16>
        %unpack3A_119 = tpu.unpack_subelements %bitcast3A_118, 0 {pack_format = #tpu.pack_format<interleaved>} : vector<32xbf16> -> vector<16xf32>
        %unpack3A_120 = tpu.unpack_subelements %bitcast3A_118, 1 {pack_format = #tpu.pack_format<interleaved>} : vector<32xbf16> -> vector<16xf32>
        tpu.vector_store_idx %arg7[%shift_right_logical3A_97], %unpack3A_116 {add = true} : memref<10000xf32, #tpu.memory_space<vmem>>[vector<16xi32>], vector<16xf32>,
        tpu.vector_store_idx %arg8[%shift_right_logical3A_97], %unpack3A_119 {add = true} : memref<10000xf32, #tpu.memory_space<vmem>>[vector<16xi32>], vector<16xf32>,
        tpu.vector_store_idx %arg9[%shift_right_logical3A_97], %unpack3A_117 {add = true} : memref<10000xf32, #tpu.memory_space<vmem>>[vector<16xi32>], vector<16xf32>,
        tpu.vector_store_idx %arg10[%shift_right_logical3A_97], %unpack3A_120 {add = true} : memref<10000xf32, #tpu.memory_space<vmem>>[vector<16xi32>], vector<16xf32>,
        %bitcast3A_121 = vector.bitcast %gather3A_107 : vector<16xf32> to vector<32xbf16>
        %unpack3A_122 = tpu.unpack_subelements %bitcast3A_121, 0 {pack_format = #tpu.pack_format<interleaved>} : vector<32xbf16> -> vector<16xf32>
        %unpack3A_123 = tpu.unpack_subelements %bitcast3A_121, 1 {pack_format = #tpu.pack_format<interleaved>} : vector<32xbf16> -> vector<16xf32>
        %bitcast3A_124 = vector.bitcast %gather3A_108 : vector<16xf32> to vector<32xbf16>
        %unpack3A_125 = tpu.unpack_subelements %bitcast3A_124, 0 {pack_format = #tpu.pack_format<interleaved>} : vector<32xbf16> -> vector<16xf32>
        %unpack3A_126 = tpu.unpack_subelements %bitcast3A_124, 1 {pack_format = #tpu.pack_format<interleaved>} : vector<32xbf16> -> vector<16xf32>
        tpu.vector_store_idx %arg7[%shift_right_logical3A_100], %unpack3A_122 {add = true} : memref<10000xf32, #tpu.memory_space<vmem>>[vector<16xi32>], vector<16xf32>,
        tpu.vector_store_idx %arg8[%shift_right_logical3A_100], %unpack3A_125 {add = true} : memref<10000xf32, #tpu.memory_space<vmem>>[vector<16xi32>], vector<16xf32>,
        tpu.vector_store_idx %arg9[%shift_right_logical3A_100], %unpack3A_123 {add = true} : memref<10000xf32, #tpu.memory_space<vmem>>[vector<16xi32>], vector<16xf32>,
        tpu.vector_store_idx %arg10[%shift_right_logical3A_100], %unpack3A_126 {add = true} : memref<10000xf32, #tpu.memory_space<vmem>>[vector<16xi32>], vector<16xf32>,
        %bitcast3A_127 = vector.bitcast %gather3A_109 : vector<16xf32> to vector<32xbf16>
        %unpack3A_128 = tpu.unpack_subelements %bitcast3A_127, 0 {pack_format = #tpu.pack_format<interleaved>} : vector<32xbf16> -> vector<16xf32>
        %unpack3A_129 = tpu.unpack_subelements %bitcast3A_127, 1 {pack_format = #tpu.pack_format<interleaved>} : vector<32xbf16> -> vector<16xf32>
        %bitcast3A_130 = vector.bitcast %gather3A_110 : vector<16xf32> to vector<32xbf16>
        %unpack3A_131 = tpu.unpack_subelements %bitcast3A_130, 0 {pack_format = #tpu.pack_format<interleaved>} : vector<32xbf16> -> vector<16xf32>
        %unpack3A_132 = tpu.unpack_subelements %bitcast3A_130, 1 {pack_format = #tpu.pack_format<interleaved>} : vector<32xbf16> -> vector<16xf32>
        tpu.vector_store_idx %arg7[%shift_right_logical3A_103], %unpack3A_128 {add = true} : memref<10000xf32, #tpu.memory_space<vmem>>[vector<16xi32>], vector<16xf32>,
        tpu.vector_store_idx %arg8[%shift_right_logical3A_103], %unpack3A_131 {add = true} : memref<10000xf32, #tpu.memory_space<vmem>>[vector<16xi32>], vector<16xf32>,
        tpu.vector_store_idx %arg9[%shift_right_logical3A_103], %unpack3A_129 {add = true} : memref<10000xf32, #tpu.memory_space<vmem>>[vector<16xi32>], vector<16xf32>,
        tpu.vector_store_idx %arg10[%shift_right_logical3A_103], %unpack3A_132 {add = true} : memref<10000xf32, #tpu.memory_space<vmem>>[vector<16xi32>], vector<16xf32>,
        %scan3A_133 = arith.constant 0 : i32
        scf.yield %scan3A_133 : i32
      }
      %scan3A_61 = arith.constant 250 : i32
      %scan3A_62 = arith.constant 0 : i32
      scf.yield %scan3A_62 : i32
    }
    %scan3A_22 = arith.constant 10 : i32
    "tpu.region"() ({
      %run_scoped3A = tpu.sem_alloc : memref<!tpu.dma_semaphore, #tpu.memory_space<semaphore_mem>>
      %dma_start3A_31 = arith.constant 0 : i32
      %dma_start3A_32 = tpu.memref_slice %arg4[%mul3A_2, %dma_start3A_31] : memref<128x10000xf32, #tpu.memory_space<hbm>> -> memref<1x10000xf32, #tpu.memory_space<hbm>>
      %dma_start3A_33 = tpu.memref_squeeze %dma_start3A_32 : memref<1x10000xf32, #tpu.memory_space<hbm>> -> memref<10000xf32, #tpu.memory_space<hbm>>
      %dma_start3A_34 = arith.constant 0 : i32
      %dma_start3A_35 = tpu.memref_slice %arg4[%mul3A_2, %dma_start3A_34] : memref<128x10000xf32, #tpu.memory_space<hbm>> -> memref<1x10000xf32, #tpu.memory_space<hbm>>
      %dma_start3A_36 = tpu.memref_squeeze %dma_start3A_35 : memref<1x10000xf32, #tpu.memory_space<hbm>> -> memref<10000xf32, #tpu.memory_space<hbm>>
      tpu.enqueue_dma source(%arg7 : memref<10000xf32, #tpu.memory_space<vmem>>) target(%dma_start3A_36 : memref<10000xf32, #tpu.memory_space<hbm>>) target_semaphore(%run_scoped3A : memref<!tpu.dma_semaphore, #tpu.memory_space<semaphore_mem>>)
      %dma_wait3A = arith.constant 0 : i32
      %dma_wait3A_37 = tpu.memref_slice %arg4[%mul3A_2, %dma_wait3A] : memref<128x10000xf32, #tpu.memory_space<hbm>> -> memref<1x10000xf32, #tpu.memory_space<hbm>>
      %dma_wait3A_38 = tpu.memref_squeeze %dma_wait3A_37 : memref<1x10000xf32, #tpu.memory_space<hbm>> -> memref<10000xf32, #tpu.memory_space<hbm>>
      %dma_wait3A_39 = arith.constant 0 : i32
      %dma_wait3A_40 = tpu.memref_slice %arg4[%mul3A_2, %dma_wait3A_39] : memref<128x10000xf32, #tpu.memory_space<hbm>> -> memref<1x10000xf32, #tpu.memory_space<hbm>>
      %dma_wait3A_41 = tpu.memref_squeeze %dma_wait3A_40 : memref<1x10000xf32, #tpu.memory_space<hbm>> -> memref<10000xf32, #tpu.memory_space<hbm>>
      tpu.wait_dma2 semaphore(%run_scoped3A : memref<!tpu.dma_semaphore, #tpu.memory_space<semaphore_mem>>) src(%arg7 : memref<10000xf32, #tpu.memory_space<vmem>>) dst(%dma_wait3A_41 : memref<10000xf32, #tpu.memory_space<hbm>>)
      tpu.yield
    }) : () -> ()
    %add3A_23 = arith.constant 1 : i32
    %add3A_24 = arith.addi %mul3A_2, %add3A_23 : i32
    "tpu.region"() ({
      %run_scoped3A = tpu.sem_alloc : memref<!tpu.dma_semaphore, #tpu.memory_space<semaphore_mem>>
      %dma_start3A_31 = arith.constant 0 : i32
      %dma_start3A_32 = tpu.memref_slice %arg4[%add3A_24, %dma_start3A_31] : memref<128x10000xf32, #tpu.memory_space<hbm>> -> memref<1x10000xf32, #tpu.memory_space<hbm>>
      %dma_start3A_33 = tpu.memref_squeeze %dma_start3A_32 : memref<1x10000xf32, #tpu.memory_space<hbm>> -> memref<10000xf32, #tpu.memory_space<hbm>>
      %dma_start3A_34 = arith.constant 0 : i32
      %dma_start3A_35 = tpu.memref_slice %arg4[%add3A_24, %dma_start3A_34] : memref<128x10000xf32, #tpu.memory_space<hbm>> -> memref<1x10000xf32, #tpu.memory_space<hbm>>
      %dma_start3A_36 = tpu.memref_squeeze %dma_start3A_35 : memref<1x10000xf32, #tpu.memory_space<hbm>> -> memref<10000xf32, #tpu.memory_space<hbm>>
      tpu.enqueue_dma source(%arg8 : memref<10000xf32, #tpu.memory_space<vmem>>) target(%dma_start3A_36 : memref<10000xf32, #tpu.memory_space<hbm>>) target_semaphore(%run_scoped3A : memref<!tpu.dma_semaphore, #tpu.memory_space<semaphore_mem>>)
      %dma_wait3A = arith.constant 0 : i32
      %dma_wait3A_37 = tpu.memref_slice %arg4[%add3A_24, %dma_wait3A] : memref<128x10000xf32, #tpu.memory_space<hbm>> -> memref<1x10000xf32, #tpu.memory_space<hbm>>
      %dma_wait3A_38 = tpu.memref_squeeze %dma_wait3A_37 : memref<1x10000xf32, #tpu.memory_space<hbm>> -> memref<10000xf32, #tpu.memory_space<hbm>>
      %dma_wait3A_39 = arith.constant 0 : i32
      %dma_wait3A_40 = tpu.memref_slice %arg4[%add3A_24, %dma_wait3A_39] : memref<128x10000xf32, #tpu.memory_space<hbm>> -> memref<1x10000xf32, #tpu.memory_space<hbm>>
      %dma_wait3A_41 = tpu.memref_squeeze %dma_wait3A_40 : memref<1x10000xf32, #tpu.memory_space<hbm>> -> memref<10000xf32, #tpu.memory_space<hbm>>
      tpu.wait_dma2 semaphore(%run_scoped3A : memref<!tpu.dma_semaphore, #tpu.memory_space<semaphore_mem>>) src(%arg8 : memref<10000xf32, #tpu.memory_space<vmem>>) dst(%dma_wait3A_41 : memref<10000xf32, #tpu.memory_space<hbm>>)
      tpu.yield
    }) : () -> ()
    %add3A_25 = arith.constant 64 : i32
    %add3A_26 = arith.addi %add3A_25, %mul3A_2 : i32
    "tpu.region"() ({
      %run_scoped3A = tpu.sem_alloc : memref<!tpu.dma_semaphore, #tpu.memory_space<semaphore_mem>>
      %dma_start3A_31 = arith.constant 0 : i32
      %dma_start3A_32 = tpu.memref_slice %arg4[%add3A_26, %dma_start3A_31] : memref<128x10000xf32, #tpu.memory_space<hbm>> -> memref<1x10000xf32, #tpu.memory_space<hbm>>
      %dma_start3A_33 = tpu.memref_squeeze %dma_start3A_32 : memref<1x10000xf32, #tpu.memory_space<hbm>> -> memref<10000xf32, #tpu.memory_space<hbm>>
      %dma_start3A_34 = arith.constant 0 : i32
      %dma_start3A_35 = tpu.memref_slice %arg4[%add3A_26, %dma_start3A_34] : memref<128x10000xf32, #tpu.memory_space<hbm>> -> memref<1x10000xf32, #tpu.memory_space<hbm>>
      %dma_start3A_36 = tpu.memref_squeeze %dma_start3A_35 : memref<1x10000xf32, #tpu.memory_space<hbm>> -> memref<10000xf32, #tpu.memory_space<hbm>>
      tpu.enqueue_dma source(%arg9 : memref<10000xf32, #tpu.memory_space<vmem>>) target(%dma_start3A_36 : memref<10000xf32, #tpu.memory_space<hbm>>) target_semaphore(%run_scoped3A : memref<!tpu.dma_semaphore, #tpu.memory_space<semaphore_mem>>)
      %dma_wait3A = arith.constant 0 : i32
      %dma_wait3A_37 = tpu.memref_slice %arg4[%add3A_26, %dma_wait3A] : memref<128x10000xf32, #tpu.memory_space<hbm>> -> memref<1x10000xf32, #tpu.memory_space<hbm>>
      %dma_wait3A_38 = tpu.memref_squeeze %dma_wait3A_37 : memref<1x10000xf32, #tpu.memory_space<hbm>> -> memref<10000xf32, #tpu.memory_space<hbm>>
      %dma_wait3A_39 = arith.constant 0 : i32
      %dma_wait3A_40 = tpu.memref_slice %arg4[%add3A_26, %dma_wait3A_39] : memref<128x10000xf32, #tpu.memory_space<hbm>> -> memref<1x10000xf32, #tpu.memory_space<hbm>>
      %dma_wait3A_41 = tpu.memref_squeeze %dma_wait3A_40 : memref<1x10000xf32, #tpu.memory_space<hbm>> -> memref<10000xf32, #tpu.memory_space<hbm>>
      tpu.wait_dma2 semaphore(%run_scoped3A : memref<!tpu.dma_semaphore, #tpu.memory_space<semaphore_mem>>) src(%arg9 : memref<10000xf32, #tpu.memory_space<vmem>>) dst(%dma_wait3A_41 : memref<10000xf32, #tpu.memory_space<hbm>>)
      tpu.yield
    }) : () -> ()
    %add3A_27 = arith.constant 64 : i32
    %add3A_28 = arith.addi %add3A_27, %mul3A_2 : i32
    %add3A_29 = arith.constant 1 : i32
    %add3A_30 = arith.addi %add3A_28, %add3A_29 : i32
    "tpu.region"() ({
      %run_scoped3A = tpu.sem_alloc : memref<!tpu.dma_semaphore, #tpu.memory_space<semaphore_mem>>
      %dma_start3A_31 = arith.constant 0 : i32
      %dma_start3A_32 = tpu.memref_slice %arg4[%add3A_30, %dma_start3A_31] : memref<128x10000xf32, #tpu.memory_space<hbm>> -> memref<1x10000xf32, #tpu.memory_space<hbm>>
      %dma_start3A_33 = tpu.memref_squeeze %dma_start3A_32 : memref<1x10000xf32, #tpu.memory_space<hbm>> -> memref<10000xf32, #tpu.memory_space<hbm>>
      %dma_start3A_34 = arith.constant 0 : i32
      %dma_start3A_35 = tpu.memref_slice %arg4[%add3A_30, %dma_start3A_34] : memref<128x10000xf32, #tpu.memory_space<hbm>> -> memref<1x10000xf32, #tpu.memory_space<hbm>>
      %dma_start3A_36 = tpu.memref_squeeze %dma_start3A_35 : memref<1x10000xf32, #tpu.memory_space<hbm>> -> memref<10000xf32, #tpu.memory_space<hbm>>
      tpu.enqueue_dma source(%arg10 : memref<10000xf32, #tpu.memory_space<vmem>>) target(%dma_start3A_36 : memref<10000xf32, #tpu.memory_space<hbm>>) target_semaphore(%run_scoped3A : memref<!tpu.dma_semaphore, #tpu.memory_space<semaphore_mem>>)
      %dma_wait3A = arith.constant 0 : i32
      %dma_wait3A_37 = tpu.memref_slice %arg4[%add3A_30, %dma_wait3A] : memref<128x10000xf32, #tpu.memory_space<hbm>> -> memref<1x10000xf32, #tpu.memory_space<hbm>>
      %dma_wait3A_38 = tpu.memref_squeeze %dma_wait3A_37 : memref<1x10000xf32, #tpu.memory_space<hbm>> -> memref<10000xf32, #tpu.memory_space<hbm>>
      %dma_wait3A_39 = arith.constant 0 : i32
      %dma_wait3A_40 = tpu.memref_slice %arg4[%add3A_30, %dma_wait3A_39] : memref<128x10000xf32, #tpu.memory_space<hbm>> -> memref<1x10000xf32, #tpu.memory_space<hbm>>
      %dma_wait3A_41 = tpu.memref_squeeze %dma_wait3A_40 : memref<1x10000xf32, #tpu.memory_space<hbm>> -> memref<10000xf32, #tpu.memory_space<hbm>>
      tpu.wait_dma2 semaphore(%run_scoped3A : memref<!tpu.dma_semaphore, #tpu.memory_space<semaphore_mem>>) src(%arg10 : memref<10000xf32, #tpu.memory_space<vmem>>) dst(%dma_wait3A_41 : memref<10000xf32, #tpu.memory_space<hbm>>)
      tpu.yield
    }) : () -> ()
    return
  }
}

module attributes {stable_mosaic.version = 14 : i64} {
  func.func @_enc_body(%arg0: memref<10000x128xf32, #tpu.memory_space<vmem>>, %arg1: memref<128x128xf32, #tpu.memory_space<vmem>>, %arg2: memref<128x1xf32, #tpu.memory_space<vmem>>, %arg3: memref<2500x128xi32, #tpu.memory_space<vmem>>, %arg4: memref<2500x128xi32, #tpu.memory_space<vmem>>, %arg5: memref<128x10000xf32, #tpu.memory_space<vmem>>, %arg6: memref<64x10000xf32, #tpu.memory_space<vmem>>, %arg7: memref<2500x128xi32, #tpu.memory_space<vmem>>) attributes {dimension_semantics = [], scalar_prefetch = 0 : i64, scratch_operands = 0 : i64, tpu.core_type = #tpu.core_type<tc>} {
    %get3A = arith.constant 0 : index
    %get3A_0 = arith.constant 0 : index
    %get3A_1 = vector.load %arg1[%get3A, %get3A_0] : memref<128x128xf32, #tpu.memory_space<vmem>>, vector<128x128xf32>
    %get3A_2 = arith.constant 0 : index
    %get3A_3 = arith.constant 0 : index
    %get3A_4 = vector.load %arg0[%get3A_2, %get3A_3] : memref<10000x128xf32, #tpu.memory_space<vmem>>, vector<10000x128xf32>
    %dot_general3A = arith.constant dense<0.000000e+00> : vector<128x10000xf32>
    %dot_general3A_5 = tpu.matmul %get3A_1, %get3A_4, %dot_general3A {dimension_numbers = #tpu.dot_dimension_numbers<[0], [1], [1], [0], [0, 1, 1, 0], [], []>, transpose_lhs_hint = false} : vector<128x128xf32>, vector<10000x128xf32>, vector<128x10000xf32> -> vector<128x10000xf32>
    %get3A_6 = arith.constant 0 : index
    %get3A_7 = arith.constant 0 : index
    %get3A_8 = vector.load %arg2[%get3A_6, %get3A_7] : memref<128x1xf32, #tpu.memory_space<vmem>>, vector<128x1xf32>
    %add3A = vector.broadcast %get3A_8 : vector<128x1xf32> to vector<128x10000xf32>
    %add3A_9 = arith.addf %dot_general3A_5, %add3A : vector<128x10000xf32>
    %max3A = arith.constant 0.000000e+00 : f32
    %max3A_10 = vector.broadcast %max3A : f32 to vector<128x10000xf32>
    %max3A_11 = arith.maximumf %add3A_9, %max3A_10 : vector<128x10000xf32>
    %swap3A = arith.constant 0 : index
    %swap3A_12 = arith.constant 0 : index
    %swap3A_13 = vector.load %arg5[%swap3A, %swap3A_12] : memref<128x10000xf32, #tpu.memory_space<vmem>>, vector<128x10000xf32>
    tpu.vector_store %arg5[%swap3A, %swap3A_12], %max3A_11 {strides = array<i32>} : memref<128x10000xf32, #tpu.memory_space<vmem>>, vector<128x10000xf32>,
    %slice3A = vector.extract_strided_slice %max3A_11 {offsets = [0, 0], sizes = [64, 10000], strides = [1, 1]} : vector<128x10000xf32> to vector<64x10000xf32>
    %slice3A_14 = vector.extract_strided_slice %max3A_11 {offsets = [64, 0], sizes = [64, 10000], strides = [1, 1]} : vector<128x10000xf32> to vector<64x10000xf32>
    %convert_element_type3A = arith.truncf %slice3A : vector<64x10000xf32> to vector<64x10000xbf16>
    %bitcast_convert_type3A = tpu.bitcast %convert_element_type3A : vector<64x10000xbf16> -> vector<64x10000xi16>
    %convert_element_type3A_15 = arith.extui %bitcast_convert_type3A : vector<64x10000xi16> to vector<64x10000xi32>
    %convert_element_type3A_16 = arith.truncf %slice3A_14 : vector<64x10000xf32> to vector<64x10000xbf16>
    %bitcast_convert_type3A_17 = tpu.bitcast %convert_element_type3A_16 : vector<64x10000xbf16> -> vector<64x10000xi16>
    %convert_element_type3A_18 = arith.extui %bitcast_convert_type3A_17 : vector<64x10000xi16> to vector<64x10000xi32>
    %shift_left3A = arith.constant 16 : i32
    %shift_left3A_19 = vector.broadcast %shift_left3A : i32 to vector<64x10000xi32>
    %shift_left3A_20 = arith.shli %convert_element_type3A_18, %shift_left3A_19 : vector<64x10000xi32>
    %or3A = arith.ori %convert_element_type3A_15, %shift_left3A_20 : vector<64x10000xi32>
    %bitcast_convert_type3A_21 = tpu.bitcast %or3A : vector<64x10000xi32> -> vector<64x10000xf32>
    %swap3A_22 = arith.constant 0 : index
    %swap3A_23 = arith.constant 0 : index
    %swap3A_24 = vector.load %arg6[%swap3A_22, %swap3A_23] : memref<64x10000xf32, #tpu.memory_space<vmem>>, vector<64x10000xf32>
    tpu.vector_store %arg6[%swap3A_22, %swap3A_23], %bitcast_convert_type3A_21 {strides = array<i32>} : memref<64x10000xf32, #tpu.memory_space<vmem>>, vector<64x10000xf32>,
    %get3A_25 = arith.constant 0 : index
    %get3A_26 = arith.constant 0 : index
    %get3A_27 = vector.load %arg3[%get3A_25, %get3A_26] : memref<2500x128xi32, #tpu.memory_space<vmem>>, vector<2500x128xi32>
    %get3A_28 = arith.constant 0 : index
    %get3A_29 = arith.constant 0 : index
    %get3A_30 = vector.load %arg4[%get3A_28, %get3A_29] : memref<2500x128xi32, #tpu.memory_space<vmem>>, vector<2500x128xi32>
    %shift_left3A_31 = arith.constant 16 : i32
    %shift_left3A_32 = vector.broadcast %shift_left3A_31 : i32 to vector<2500x128xi32>
    %shift_left3A_33 = arith.shli %get3A_30, %shift_left3A_32 : vector<2500x128xi32>
    %or3A_34 = arith.ori %get3A_27, %shift_left3A_33 : vector<2500x128xi32>
    %swap3A_35 = arith.constant 0 : index
    %swap3A_36 = arith.constant 0 : index
    %swap3A_37 = vector.load %arg7[%swap3A_35, %swap3A_36] : memref<2500x128xi32, #tpu.memory_space<vmem>>, vector<2500x128xi32>
    tpu.vector_store %arg7[%swap3A_35, %swap3A_36], %or3A_34 {strides = array<i32>} : memref<2500x128xi32, #tpu.memory_space<vmem>>, vector<2500x128xi32>,
    return
  }
}

module attributes {stable_mosaic.version = 14 : i64} {
  func.func @_gin_body(%arg0: memref<128x10000xf32, #tpu.memory_space<vmem>>, %arg1: memref<128x10000xf32, #tpu.memory_space<vmem>>, %arg2: memref<128x128xf32, #tpu.memory_space<vmem>>, %arg3: memref<128x1xf32, #tpu.memory_space<vmem>>, %arg4: memref<1x1xf32, #tpu.memory_space<vmem>>, %arg5: memref<128x10000xf32, #tpu.memory_space<vmem>>, %arg6: memref<64x10000xf32, #tpu.memory_space<vmem>>) attributes {dimension_semantics = [], scalar_prefetch = 0 : i64, scratch_operands = 0 : i64, tpu.core_type = #tpu.core_type<tc>} {
    %get3A = arith.constant 0 : index
    %get3A_0 = arith.constant 0 : index
    %get3A_1 = vector.load %arg4[%get3A, %get3A_0] : memref<1x1xf32, #tpu.memory_space<vmem>>, vector<1x1xf32>
    %get3A_2 = vector.extract %get3A_1[0, 0] : f32 from vector<1x1xf32>
    %add3A = arith.constant 1.000000e+00 : f32
    %add3A_3 = arith.addf %add3A, %get3A_2 : f32
    %get3A_4 = arith.constant 0 : index
    %get3A_5 = arith.constant 0 : index
    %get3A_6 = vector.load %arg0[%get3A_4, %get3A_5] : memref<128x10000xf32, #tpu.memory_space<vmem>>, vector<128x10000xf32>
    %mul3A = vector.broadcast %add3A_3 : f32 to vector<128x10000xf32>
    %mul3A_7 = arith.mulf %mul3A, %get3A_6 : vector<128x10000xf32>
    %get3A_8 = arith.constant 0 : index
    %get3A_9 = arith.constant 0 : index
    %get3A_10 = vector.load %arg1[%get3A_8, %get3A_9] : memref<128x10000xf32, #tpu.memory_space<vmem>>, vector<128x10000xf32>
    %add3A_11 = arith.addf %mul3A_7, %get3A_10 : vector<128x10000xf32>
    %get3A_12 = arith.constant 0 : index
    %get3A_13 = arith.constant 0 : index
    %get3A_14 = vector.load %arg2[%get3A_12, %get3A_13] : memref<128x128xf32, #tpu.memory_space<vmem>>, vector<128x128xf32>
    %dot_general3A = arith.constant dense<0.000000e+00> : vector<128x10000xf32>
    %dot_general3A_15 = tpu.matmul %get3A_14, %add3A_11, %dot_general3A {dimension_numbers = #tpu.dot_dimension_numbers<[0], [0], [1], [1], [0, 1, 1, 1], [], []>, transpose_lhs_hint = false} : vector<128x128xf32>, vector<128x10000xf32>, vector<128x10000xf32> -> vector<128x10000xf32>
    %get3A_16 = arith.constant 0 : index
    %get3A_17 = arith.constant 0 : index
    %get3A_18 = vector.load %arg3[%get3A_16, %get3A_17] : memref<128x1xf32, #tpu.memory_space<vmem>>, vector<128x1xf32>
    %add3A_19 = vector.broadcast %get3A_18 : vector<128x1xf32> to vector<128x10000xf32>
    %add3A_20 = arith.addf %dot_general3A_15, %add3A_19 : vector<128x10000xf32>
    %max3A = arith.constant 0.000000e+00 : f32
    %max3A_21 = vector.broadcast %max3A : f32 to vector<128x10000xf32>
    %max3A_22 = arith.maximumf %add3A_20, %max3A_21 : vector<128x10000xf32>
    %swap3A = arith.constant 0 : index
    %swap3A_23 = arith.constant 0 : index
    %swap3A_24 = vector.load %arg5[%swap3A, %swap3A_23] : memref<128x10000xf32, #tpu.memory_space<vmem>>, vector<128x10000xf32>
    tpu.vector_store %arg5[%swap3A, %swap3A_23], %max3A_22 {strides = array<i32>} : memref<128x10000xf32, #tpu.memory_space<vmem>>, vector<128x10000xf32>,
    %slice3A = vector.extract_strided_slice %max3A_22 {offsets = [0, 0], sizes = [64, 10000], strides = [1, 1]} : vector<128x10000xf32> to vector<64x10000xf32>
    %slice3A_25 = vector.extract_strided_slice %max3A_22 {offsets = [64, 0], sizes = [64, 10000], strides = [1, 1]} : vector<128x10000xf32> to vector<64x10000xf32>
    %convert_element_type3A = arith.truncf %slice3A : vector<64x10000xf32> to vector<64x10000xbf16>
    %bitcast_convert_type3A = tpu.bitcast %convert_element_type3A : vector<64x10000xbf16> -> vector<64x10000xi16>
    %convert_element_type3A_26 = arith.extui %bitcast_convert_type3A : vector<64x10000xi16> to vector<64x10000xi32>
    %convert_element_type3A_27 = arith.truncf %slice3A_25 : vector<64x10000xf32> to vector<64x10000xbf16>
    %bitcast_convert_type3A_28 = tpu.bitcast %convert_element_type3A_27 : vector<64x10000xbf16> -> vector<64x10000xi16>
    %convert_element_type3A_29 = arith.extui %bitcast_convert_type3A_28 : vector<64x10000xi16> to vector<64x10000xi32>
    %shift_left3A = arith.constant 16 : i32
    %shift_left3A_30 = vector.broadcast %shift_left3A : i32 to vector<64x10000xi32>
    %shift_left3A_31 = arith.shli %convert_element_type3A_29, %shift_left3A_30 : vector<64x10000xi32>
    %or3A = arith.ori %convert_element_type3A_26, %shift_left3A_31 : vector<64x10000xi32>
    %bitcast_convert_type3A_32 = tpu.bitcast %or3A : vector<64x10000xi32> -> vector<64x10000xf32>
    %swap3A_33 = arith.constant 0 : index
    %swap3A_34 = arith.constant 0 : index
    %swap3A_35 = vector.load %arg6[%swap3A_33, %swap3A_34] : memref<64x10000xf32, #tpu.memory_space<vmem>>, vector<64x10000xf32>
    tpu.vector_store %arg6[%swap3A_33, %swap3A_34], %bitcast_convert_type3A_32 {strides = array<i32>} : memref<64x10000xf32, #tpu.memory_space<vmem>>, vector<64x10000xf32>,
    return
  }
}

module attributes {stable_mosaic.version = 14 : i64} {
  func.func @_head_body(%arg0: memref<128x10000xf32, #tpu.memory_space<vmem>>, %arg1: memref<128x10000xf32, #tpu.memory_space<vmem>>, %arg2: memref<128x128xf32, #tpu.memory_space<vmem>>, %arg3: memref<128x1xf32, #tpu.memory_space<vmem>>, %arg4: memref<1x1xf32, #tpu.memory_space<vmem>>, %arg5: memref<10000x1xi32, #tpu.memory_space<vmem>>, %arg6: memref<128x128xf32, #tpu.memory_space<vmem>>, %arg7: memref<128x1xf32, #tpu.memory_space<vmem>>, %arg8: memref<128x8xf32, #tpu.memory_space<vmem>>, %arg9: memref<8x1xf32, #tpu.memory_space<vmem>>, %arg10: memref<64x128xf32, #tpu.memory_space<vmem>>, %arg11: memref<8x10000xf32, #tpu.memory_space<vmem>>) attributes {dimension_semantics = [], scalar_prefetch = 0 : i64, scratch_operands = 0 : i64, tpu.core_type = #tpu.core_type<tc>} {
    %get3A = arith.constant 0 : index
    %get3A_0 = arith.constant 0 : index
    %get3A_1 = vector.load %arg4[%get3A, %get3A_0] : memref<1x1xf32, #tpu.memory_space<vmem>>, vector<1x1xf32>
    %get3A_2 = vector.extract %get3A_1[0, 0] : f32 from vector<1x1xf32>
    %add3A = arith.constant 1.000000e+00 : f32
    %add3A_3 = arith.addf %add3A, %get3A_2 : f32
    %get3A_4 = arith.constant 0 : index
    %get3A_5 = arith.constant 0 : index
    %get3A_6 = vector.load %arg0[%get3A_4, %get3A_5] : memref<128x10000xf32, #tpu.memory_space<vmem>>, vector<128x10000xf32>
    %mul3A = vector.broadcast %add3A_3 : f32 to vector<128x10000xf32>
    %mul3A_7 = arith.mulf %mul3A, %get3A_6 : vector<128x10000xf32>
    %get3A_8 = arith.constant 0 : index
    %get3A_9 = arith.constant 0 : index
    %get3A_10 = vector.load %arg1[%get3A_8, %get3A_9] : memref<128x10000xf32, #tpu.memory_space<vmem>>, vector<128x10000xf32>
    %add3A_11 = arith.addf %mul3A_7, %get3A_10 : vector<128x10000xf32>
    %get3A_12 = arith.constant 0 : index
    %get3A_13 = arith.constant 0 : index
    %get3A_14 = vector.load %arg2[%get3A_12, %get3A_13] : memref<128x128xf32, #tpu.memory_space<vmem>>, vector<128x128xf32>
    %dot_general3A = arith.constant dense<0.000000e+00> : vector<128x10000xf32>
    %dot_general3A_15 = tpu.matmul %get3A_14, %add3A_11, %dot_general3A {dimension_numbers = #tpu.dot_dimension_numbers<[0], [0], [1], [1], [0, 1, 1, 1], [], []>, transpose_lhs_hint = false} : vector<128x128xf32>, vector<128x10000xf32>, vector<128x10000xf32> -> vector<128x10000xf32>
    %get3A_16 = arith.constant 0 : index
    %get3A_17 = arith.constant 0 : index
    %get3A_18 = vector.load %arg3[%get3A_16, %get3A_17] : memref<128x1xf32, #tpu.memory_space<vmem>>, vector<128x1xf32>
    %add3A_19 = vector.broadcast %get3A_18 : vector<128x1xf32> to vector<128x10000xf32>
    %add3A_20 = arith.addf %dot_general3A_15, %add3A_19 : vector<128x10000xf32>
    %max3A = arith.constant 0.000000e+00 : f32
    %max3A_21 = vector.broadcast %max3A : f32 to vector<128x10000xf32>
    %max3A_22 = arith.maximumf %add3A_20, %max3A_21 : vector<128x10000xf32>
    %get3A_23 = arith.constant 0 : index
    %get3A_24 = arith.constant 0 : index
    %get3A_25 = vector.load %arg5[%get3A_23, %get3A_24] : memref<10000x1xi32, #tpu.memory_space<vmem>>, vector<10000x1xi32>
    %iota3A = tpu.iota {dimensions = array<i32: 1>} : vector<10000x64xi32>
    %eq3A = vector.broadcast %get3A_25 : vector<10000x1xi32> to vector<10000x64xi32>
    %eq3A_26 = arith.cmpi eq, %iota3A, %eq3A : vector<10000x64xi32>
    %convert_element_type3A = arith.extui %eq3A_26 : vector<10000x64xi1> to vector<10000x64xi32>
    %convert_element_type3A_27 = arith.sitofp %convert_element_type3A : vector<10000x64xi32> to vector<10000x64xf32>
    %dot_general3A_28 = arith.constant dense<0.000000e+00> : vector<64x128xf32>
    %dot_general3A_29 = tpu.matmul %convert_element_type3A_27, %max3A_22, %dot_general3A_28 {dimension_numbers = #tpu.dot_dimension_numbers<[0], [1], [1], [0], [0, 1, 1, 0], [], []>, transpose_lhs_hint = false} : vector<10000x64xf32>, vector<128x10000xf32>, vector<64x128xf32> -> vector<64x128xf32>
    %broadcast_in_dim3A = arith.constant 1.000000e+00 : f32
    %broadcast_in_dim3A_30 = vector.broadcast %broadcast_in_dim3A : f32 to vector<10000x1xf32>
    %dot_general3A_31 = arith.constant dense<0.000000e+00> : vector<64x1xf32>
    %dot_general3A_32 = tpu.matmul %convert_element_type3A_27, %broadcast_in_dim3A_30, %dot_general3A_31 {dimension_numbers = #tpu.dot_dimension_numbers<[0], [0], [1], [1], [0, 1, 1, 1], [], []>, transpose_lhs_hint = false} : vector<10000x64xf32>, vector<10000x1xf32>, vector<64x1xf32> -> vector<64x1xf32>
    %max3A_33 = arith.constant 1.000000e+00 : f32
    %max3A_34 = vector.broadcast %max3A_33 : f32 to vector<64x1xf32>
    %max3A_35 = arith.maximumf %dot_general3A_32, %max3A_34 : vector<64x1xf32>
    %div3A = vector.broadcast %max3A_35 : vector<64x1xf32> to vector<64x128xf32>
    %div3A_36 = arith.divf %dot_general3A_29, %div3A : vector<64x128xf32>
    %swap3A = arith.constant 0 : index
    %swap3A_37 = arith.constant 0 : index
    %swap3A_38 = vector.load %arg10[%swap3A, %swap3A_37] : memref<64x128xf32, #tpu.memory_space<vmem>>, vector<64x128xf32>
    tpu.vector_store %arg10[%swap3A, %swap3A_37], %div3A_36 {strides = array<i32>} : memref<64x128xf32, #tpu.memory_space<vmem>>, vector<64x128xf32>,
    %get3A_39 = arith.constant 0 : index
    %get3A_40 = arith.constant 0 : index
    %get3A_41 = vector.load %arg6[%get3A_39, %get3A_40] : memref<128x128xf32, #tpu.memory_space<vmem>>, vector<128x128xf32>
    %dot_general3A_42 = arith.constant dense<0.000000e+00> : vector<128x10000xf32>
    %dot_general3A_43 = tpu.matmul %get3A_41, %max3A_22, %dot_general3A_42 {dimension_numbers = #tpu.dot_dimension_numbers<[0], [0], [1], [1], [0, 1, 1, 1], [], []>, transpose_lhs_hint = false} : vector<128x128xf32>, vector<128x10000xf32>, vector<128x10000xf32> -> vector<128x10000xf32>
    %get3A_44 = arith.constant 0 : index
    %get3A_45 = arith.constant 0 : index
    %get3A_46 = vector.load %arg7[%get3A_44, %get3A_45] : memref<128x1xf32, #tpu.memory_space<vmem>>, vector<128x1xf32>
    %add3A_47 = vector.broadcast %get3A_46 : vector<128x1xf32> to vector<128x10000xf32>
    %add3A_48 = arith.addf %dot_general3A_43, %add3A_47 : vector<128x10000xf32>
    %max3A_49 = arith.constant 0.000000e+00 : f32
    %max3A_50 = vector.broadcast %max3A_49 : f32 to vector<128x10000xf32>
    %max3A_51 = arith.maximumf %add3A_48, %max3A_50 : vector<128x10000xf32>
    %get3A_52 = arith.constant 0 : index
    %get3A_53 = arith.constant 0 : index
    %get3A_54 = vector.load %arg8[%get3A_52, %get3A_53] : memref<128x8xf32, #tpu.memory_space<vmem>>, vector<128x8xf32>
    %dot_general3A_55 = arith.constant dense<0.000000e+00> : vector<8x10000xf32>
    %dot_general3A_56 = tpu.matmul %get3A_54, %max3A_51, %dot_general3A_55 {dimension_numbers = #tpu.dot_dimension_numbers<[0], [0], [1], [1], [0, 1, 1, 1], [], []>, transpose_lhs_hint = false} : vector<128x8xf32>, vector<128x10000xf32>, vector<8x10000xf32> -> vector<8x10000xf32>
    %get3A_57 = arith.constant 0 : index
    %get3A_58 = arith.constant 0 : index
    %get3A_59 = vector.load %arg9[%get3A_57, %get3A_58] : memref<8x1xf32, #tpu.memory_space<vmem>>, vector<8x1xf32>
    %add3A_60 = vector.broadcast %get3A_59 : vector<8x1xf32> to vector<8x10000xf32>
    %add3A_61 = arith.addf %dot_general3A_56, %add3A_60 : vector<8x10000xf32>
    %swap3A_62 = arith.constant 0 : index
    %swap3A_63 = arith.constant 0 : index
    %swap3A_64 = vector.load %arg11[%swap3A_62, %swap3A_63] : memref<8x10000xf32, #tpu.memory_space<vmem>>, vector<8x10000xf32>
    tpu.vector_store %arg11[%swap3A_62, %swap3A_63], %add3A_61 {strides = array<i32>} : memref<8x10000xf32, #tpu.memory_space<vmem>>, vector<8x10000xf32>,
    return
  }
}

module attributes {stable_mosaic.version = 14 : i64} {
  func.func @_loss_body(%arg0: memref<2500x128xf32, #tpu.memory_space<vmem>>, %arg1: memref<2500x128xf32, #tpu.memory_space<vmem>>, %arg2: memref<10000x3xf32, #tpu.memory_space<vmem>>, %arg3: memref<1x1xf32, #tpu.memory_space<vmem>>, %arg4: memref<1x1xf32, #tpu.memory_space<vmem>>, %arg5: memref<1x1xf32, #tpu.memory_space<vmem>>, %arg6: memref<1x1xf32, #tpu.memory_space<vmem>>) attributes {dimension_semantics = [], scalar_prefetch = 0 : i64, scratch_operands = 0 : i64, tpu.core_type = #tpu.core_type<tc>} {
    %get3A = arith.constant 0 : index
    %get3A_0 = arith.constant 0 : index
    %get3A_1 = vector.load %arg3[%get3A, %get3A_0] : memref<1x1xf32, #tpu.memory_space<vmem>>, vector<1x1xf32>
    %get3A_2 = vector.extract %get3A_1[0, 0] : f32 from vector<1x1xf32>
    %get3A_3 = arith.constant 0 : index
    %get3A_4 = arith.constant 0 : index
    %get3A_5 = vector.load %arg4[%get3A_3, %get3A_4] : memref<1x1xf32, #tpu.memory_space<vmem>>, vector<1x1xf32>
    %get3A_6 = vector.extract %get3A_5[0, 0] : f32 from vector<1x1xf32>
    %get3A_7 = arith.constant 0 : index
    %get3A_8 = arith.constant 0 : index
    %get3A_9 = vector.load %arg0[%get3A_7, %get3A_8] : memref<2500x128xf32, #tpu.memory_space<vmem>>, vector<2500x128xf32>
    %add3A = arith.constant 9.99999996E-13 : f32
    %add3A_10 = vector.broadcast %add3A : f32 to vector<2500x128xf32>
    %add3A_11 = arith.addf %get3A_9, %add3A_10 : vector<2500x128xf32>
    %log3A = math.log %add3A_11 : vector<2500x128xf32>
    %mul3A = vector.broadcast %get3A_6 : f32 to vector<2500x128xf32>
    %mul3A_12 = arith.mulf %mul3A, %log3A : vector<2500x128xf32>
    %exp3A = math.exp %mul3A_12 : vector<2500x128xf32>
    %mul3A_13 = vector.broadcast %get3A_2 : f32 to vector<2500x128xf32>
    %mul3A_14 = arith.mulf %mul3A_13, %exp3A : vector<2500x128xf32>
    %add3A_15 = arith.constant 1.000000e+00 : f32
    %add3A_16 = vector.broadcast %add3A_15 : f32 to vector<2500x128xf32>
    %add3A_17 = arith.addf %add3A_16, %mul3A_14 : vector<2500x128xf32>
    %div3A = arith.constant 1.000000e+00 : f32
    %div3A_18 = vector.broadcast %div3A : f32 to vector<2500x128xf32>
    %div3A_19 = arith.divf %div3A_18, %add3A_17 : vector<2500x128xf32>
    %jit3A = arith.constant 1.000000e-07 : f32
    %jit3A_20 = arith.constant 0.99999988 : f32
    %max3A = vector.broadcast %jit3A : f32 to vector<2500x128xf32>
    %max3A_21 = arith.maximumf %max3A, %div3A_19 : vector<2500x128xf32>
    %min3A = vector.broadcast %jit3A_20 : f32 to vector<2500x128xf32>
    %min3A_22 = arith.minimumf %min3A, %max3A_21 : vector<2500x128xf32>
    %get3A_23 = arith.constant 0 : index
    %get3A_24 = arith.constant 0 : index
    %get3A_25 = vector.load %arg1[%get3A_23, %get3A_24] : memref<2500x128xf32, #tpu.memory_space<vmem>>, vector<2500x128xf32>
    %add3A_26 = arith.constant 9.99999996E-13 : f32
    %add3A_27 = vector.broadcast %add3A_26 : f32 to vector<2500x128xf32>
    %add3A_28 = arith.addf %get3A_25, %add3A_27 : vector<2500x128xf32>
    %log3A_29 = math.log %add3A_28 : vector<2500x128xf32>
    %mul3A_30 = vector.broadcast %get3A_6 : f32 to vector<2500x128xf32>
    %mul3A_31 = arith.mulf %mul3A_30, %log3A_29 : vector<2500x128xf32>
    %exp3A_32 = math.exp %mul3A_31 : vector<2500x128xf32>
    %mul3A_33 = vector.broadcast %get3A_2 : f32 to vector<2500x128xf32>
    %mul3A_34 = arith.mulf %mul3A_33, %exp3A_32 : vector<2500x128xf32>
    %add3A_35 = arith.constant 1.000000e+00 : f32
    %add3A_36 = vector.broadcast %add3A_35 : f32 to vector<2500x128xf32>
    %add3A_37 = arith.addf %add3A_36, %mul3A_34 : vector<2500x128xf32>
    %div3A_38 = arith.constant 1.000000e+00 : f32
    %div3A_39 = vector.broadcast %div3A_38 : f32 to vector<2500x128xf32>
    %div3A_40 = arith.divf %div3A_39, %add3A_37 : vector<2500x128xf32>
    %jit3A_41 = arith.constant 1.000000e-07 : f32
    %jit3A_42 = arith.constant 0.99999988 : f32
    %max3A_43 = vector.broadcast %jit3A_41 : f32 to vector<2500x128xf32>
    %max3A_44 = arith.maximumf %max3A_43, %div3A_40 : vector<2500x128xf32>
    %min3A_45 = vector.broadcast %jit3A_42 : f32 to vector<2500x128xf32>
    %min3A_46 = arith.minimumf %min3A_45, %max3A_44 : vector<2500x128xf32>
    %log3A_47 = math.log %min3A_22 : vector<2500x128xf32>
    %mul3A_48 = arith.mulf %min3A_46, %log3A_47 : vector<2500x128xf32>
    %sub3A = arith.constant 1.000000e+00 : f32
    %sub3A_49 = vector.broadcast %sub3A : f32 to vector<2500x128xf32>
    %sub3A_50 = arith.subf %sub3A_49, %min3A_46 : vector<2500x128xf32>
    %sub3A_51 = arith.constant 1.000000e+00 : f32
    %sub3A_52 = vector.broadcast %sub3A_51 : f32 to vector<2500x128xf32>
    %sub3A_53 = arith.subf %sub3A_52, %min3A_22 : vector<2500x128xf32>
    %log3A_54 = math.log %sub3A_53 : vector<2500x128xf32>
    %mul3A_55 = arith.mulf %sub3A_50, %log3A_54 : vector<2500x128xf32>
    %add3A_56 = arith.addf %mul3A_48, %mul3A_55 : vector<2500x128xf32>
    %neg3A = arith.constant 0.000000e+00 : f32
    %neg3A_57 = vector.broadcast %neg3A : f32 to vector<2500x128xf32>
    %neg3A_58 = arith.subf %neg3A_57, %add3A_56 : vector<2500x128xf32>
    %reduce_sum3A = vector.shape_cast %neg3A_58 : vector<2500x128xf32> to vector<1x2500x128xf32>
    %reduce_sum3A_59 = arith.constant dense<0.000000e+00> : vector<1xf32>
    %reduce_sum3A_60 = vector.multi_reduction <add>, %reduce_sum3A, %reduce_sum3A_59 [1, 2] : vector<1x2500x128xf32> to vector<1xf32>
    %reduce_sum3A_61 = vector.shape_cast %reduce_sum3A_60 : vector<1xf32> to vector<1x1x1xf32>
    %reduce_sum3A_62 = vector.extract %reduce_sum3A_61[0, 0, 0] : f32 from vector<1x1x1xf32>
    %div3A_63 = arith.constant 3.200000e+05 : f32
    %div3A_64 = arith.divf %reduce_sum3A_62, %div3A_63 : f32
    %reshape3A = vector.broadcast %div3A_64 : f32 to vector<1x1xf32>
    %swap3A = arith.constant 0 : index
    %swap3A_65 = arith.constant 0 : index
    %swap3A_66 = vector.load %arg5[%swap3A, %swap3A_65] : memref<1x1xf32, #tpu.memory_space<vmem>>, vector<1x1xf32>
    tpu.vector_store %arg5[%swap3A, %swap3A_65], %reshape3A {strides = array<i32>} : memref<1x1xf32, #tpu.memory_space<vmem>>, vector<1x1xf32>,
    %get3A_67 = arith.constant 0 : index
    %get3A_68 = arith.constant 0 : index
    %get3A_69 = vector.load %arg2[%get3A_67, %get3A_68] : memref<10000x3xf32, #tpu.memory_space<vmem>>, vector<10000x3xf32>
    %integer_pow3A = arith.mulf %get3A_69, %get3A_69 : vector<10000x3xf32>
    %reduce_sum3A_70 = vector.shape_cast %integer_pow3A : vector<10000x3xf32> to vector<1x10000x3xf32>
    %reduce_sum3A_71 = arith.constant dense<0.000000e+00> : vector<1xf32>
    %reduce_sum3A_72 = vector.multi_reduction <add>, %reduce_sum3A_70, %reduce_sum3A_71 [1, 2] : vector<1x10000x3xf32> to vector<1xf32>
    %reduce_sum3A_73 = vector.shape_cast %reduce_sum3A_72 : vector<1xf32> to vector<1x1x1xf32>
    %reduce_sum3A_74 = vector.extract %reduce_sum3A_73[0, 0, 0] : f32 from vector<1x1x1xf32>
    %div3A_75 = arith.constant 3.000000e+04 : f32
    %div3A_76 = arith.divf %reduce_sum3A_74, %div3A_75 : f32
    %reshape3A_77 = vector.broadcast %div3A_76 : f32 to vector<1x1xf32>
    %swap3A_78 = arith.constant 0 : index
    %swap3A_79 = arith.constant 0 : index
    %swap3A_80 = vector.load %arg6[%swap3A_78, %swap3A_79] : memref<1x1xf32, #tpu.memory_space<vmem>>, vector<1x1xf32>
    tpu.vector_store %arg6[%swap3A_78, %swap3A_79], %reshape3A_77 {strides = array<i32>} : memref<1x1xf32, #tpu.memory_space<vmem>>, vector<1x1xf32>,
    return
  }
}

</mosaic_0001>

<sc_bundles>
// kernel: kernel.11.cloned.1.call-start
scs
__scs_entry_jumppad:
0x0: {  	(pc) =	sbr.rel $0x88, $3  }
0x1: {  	(tag) =	ssettag $0x0;
	lr =	simm.s32 $0x1  }
0x2: {  	[smem:$0x3F92] =	sst lr;
	_ =	strace $0xD0000000  }
0x3: {  	_ = 	snop  }
0x4: {  	_ = 	snop  }
0x5: {  	_ = 	snop  }
0x6: {  	_ = 	snop  }
0x7: {  	_ = 	snop  }
__scs_overlays_trampoline_lowered:
0x8: {  	[smem:$0x3FA1] =	sst s0  }
0x9: {  	[smem:$0x3FA2] =	sst s1  }
0xa: {  	[smem:$0x3FA3] =	sst s2  }
0xb: {  	[smem:$0x3FA4] =	sst s3  }
0xc: {  	[smem:$0x3FA5] =	sst s4  }
0xd: {  	[smem:$0x3FA6] =	sst s5  }
0xe: {  	[smem:$0x3FA7] =	sst s6  }
0xf: {  	[smem:$0x3FA8] =	sst s7  }
0x10: {  	[smem:$0x3FA9] =	sst s8  }
0x11: {  	[smem:$0x3FAA] =	sst s9;
	s0 =	simm.s32 @!p0 $0x0  }
0x12: {  	s1 =	sld [smem:$0x3F90];
	s0 =	simm.s32 @p0 $0x1  }
0x13: {  	[smem:$0x3FAB] =	sst s0;
	s0 =	simm.s32 @!p1 $0x0  }
0x14: {  	s2 =	sld [smem:$0x3F8F];
	s0 =	simm.s32 @p1 $0x1  }
0x15: {  	[smem:$0x3FAC] =	sst s0;
	s0 =	simm.s32 @!p2 $0x0  }
0x16: {  	s3 =	sld [smem:$0x3FDB];
	s0 =	simm.s32 @p2 $0x1  }
0x17: {  	s4 =	simm.s32 $0x1BF5;
	[smem:$0x3FAE] =	sst s0  }
0x18: {  	s0 =	sld [smem:$0x3F91];
	_ =	swait.ge [sflag:s4], $0x0  }
0x19: {  	s7 =	sld [smem:$0x3F92]  }
0x1a: {  	s8 =	sadd.s32 $0xFFFFE003, lr  }
0x1b: {  	s9 =	sadd.s32 $0xFFFFFEF7, lr;
	s5 =	simm.s32 $0xFFFFFFFF;
	p2 =	slt.u32 s8, $0xFFFFF086  }
0x1c: {  	p1 =	slt.u32 s9, $0xF7A;
	s5 =	simm.s32 @!p2 $0x0  }
0x1d: {  	s5 =	simm.s32 @p1 $0x1;
	p0 =	seq.s32 s7, s2  }
0x1e: {  	s7 =	smul.u32 @!p0 $0xF7A, s2;
	p2 =	seq.s32 @!p0 s5, $0x0  }
0x1f: {  	s9 =	smul.u32 $0xF7A, s1;
	s8 =	simm.s32 @!p0 $0x1BF5;
	p2 =	por !p2, p0  }
0x20: {  	[sflag:s8] =	ssyncset.s32 @!p0 $0xFFFFF086;
	s6 =	sadd.s32 @!p0 s3, s7;
	s7 =	simm.s32 @!p0 $0x108  }
0x21: {  	s3 =	sadd.s32 s3, s9;
	s6 =	sadd.s32 @!p0 $0x88, s6;
	s7 =	simm.s32 @p2 $0x1082  }
0x22: {  	[simem:s7], [sflag:s8] =	dma.local @!p0 [hbm:s6], $0xF7A  }
0x23: {  	s9 =	sor.u32 $0xD0000000, s2;
	s6 =	simm.s32 $0x108;
	_ =	swait.ge @!p0 [sflag:s8], $0x0  }
0x24: {  	s3 =	sadd.s32 $0x88, s3;
	s6 =	simm.s32 @!p1 $0x1082;
	[sflag:s4] =	ssyncset.s32 $0xFFFFF086  }
0x25: {  	[simem:s6], [sflag:s4] =	dma.local [hbm:s3], $0xF7A  }
0x26: {  	[smem:$0x3F92] =	sst s1;
	(tag) =	ssettag s2;
	_ =	strace s9  }
0x27: {  	s1 =	sld [smem:$0x3FA2]  }
0x28: {  	s2 =	sld [smem:$0x3FA3]  }
0x29: {  	s4 =	sld [smem:$0x3FA5]  }
0x2a: {  	p0 =	seq.s32 s5, $0x0;
	s5 =	sld [smem:$0x3FA6]  }
0x2b: {  	s6 =	sld [smem:$0x3FA7]  }
0x2c: {  	s7 =	sld [smem:$0x3FA8]  }
0x2d: {  	s3 =	simm.s32 $0x108;
	s8 =	sld [smem:$0x3FA9]  }
0x2e: {  	s3 =	simm.s32 @!p0 $0x1082;
	s9 =	sld [smem:$0x3FAA]  }
0x2f: {  	lr =	sadd.s32 s0, s3;
	s0 =	sld [smem:$0x3FA1]  }
0x30: {  	s3 =	sld [smem:$0x3FA4]  }
0x31: {  	[smem:$0x3FAD] =	sst s10  }
0x32: {  	s10 =	sld [smem:$0x3FAB];
	_ =	sdelay $0x3  }
0x33: {  	p0 =	seq.s32 s10, $0x1;
	s10 =	sld [smem:$0x3FAD];
	_ =	sdelay $0x3  }
0x34: {  	[smem:$0x3FAD] =	sst s10  }
0x35: {  	s10 =	sld [smem:$0x3FAC];
	_ =	sdelay $0x3  }
0x36: {  	p1 =	seq.s32 s10, $0x1;
	s10 =	sld [smem:$0x3FAD];
	_ =	sdelay $0x3  }
0x37: {  	[smem:$0x3FAD] =	sst s10  }
0x38: {  	s10 =	sld [smem:$0x3FAE]  }
0x39: {  	_ = 	snop;
	(pc) =	sbr.ind lr, $3  }
0x3a: {  	_ = 	snop  }
0x3b: {  	_ = 	snop  }
0x3c: {  	p2 =	seq.s32 s10, $0x1;
	s10 =	sld [smem:$0x3FAD]  }
0x3d: {  	_ =	shalt  }
0x3e: {  	_ =	shalt  }
0x3f: {  	_ =	shalt  }
0x40: {  	_ =	shalt  }
0x41: {  	_ =	shalt  }
0x42: {  	_ =	shalt  }
0x43: {  	_ =	shalt  }
0x44: {  	_ =	shalt  }
0x45: {  	_ =	shalt  }
0x46: {  	_ =	shalt  }
0x47: {  	_ =	shalt  }
0x48: {  	_ =	shalt  }
0x49: {  	_ =	shalt  }
0x4a: {  	_ =	shalt  }
0x4b: {  	_ =	shalt  }
0x4c: {  	_ =	shalt  }
0x4d: {  	_ =	shalt  }
0x4e: {  	_ =	shalt  }
0x4f: {  	_ =	shalt  }
0x50: {  	_ =	shalt  }
0x51: {  	_ =	shalt  }
0x52: {  	_ =	shalt  }
0x53: {  	_ =	shalt  }
0x54: {  	_ =	shalt  }
0x55: {  	_ =	shalt  }
0x56: {  	_ =	shalt  }
0x57: {  	_ =	shalt  }
0x58: {  	_ =	shalt  }
0x59: {  	_ =	shalt  }
0x5a: {  	_ =	shalt  }
0x5b: {  	_ =	shalt  }
0x5c: {  	_ =	shalt  }
0x5d: {  	_ =	shalt  }
0x5e: {  	_ =	shalt  }
0x5f: {  	_ =	shalt  }
0x60: {  	_ =	shalt  }
0x61: {  	_ =	shalt  }
0x62: {  	_ =	shalt  }
0x63: {  	_ =	shalt  }
0x64: {  	_ =	shalt  }
0x65: {  	_ =	shalt  }
0x66: {  	_ =	shalt  }
0x67: {  	_ =	shalt  }
0x68: {  	_ =	shalt  }
0x69: {  	_ =	shalt  }
0x6a: {  	_ =	shalt  }
0x6b: {  	_ =	shalt  }
0x6c: {  	_ =	shalt  }
0x6d: {  	_ =	shalt  }
0x6e: {  	_ =	shalt  }
0x6f: {  	_ =	shalt  }
0x70: {  	_ =	shalt  }
0x71: {  	_ =	shalt  }
0x72: {  	_ =	shalt  }
0x73: {  	_ =	shalt  }
0x74: {  	_ =	shalt  }
0x75: {  	_ =	shalt  }
0x76: {  	_ =	shalt  }
0x77: {  	_ =	shalt  }
0x78: {  	_ =	shalt  }
0x79: {  	_ =	shalt  }
0x7a: {  	_ =	shalt  }
0x7b: {  	_ =	shalt  }
0x7c: {  	_ =	shalt  }
0x7d: {  	_ =	shalt  }
0x7e: {  	_ =	shalt  }
0x7f: {  	_ =	shalt  }
0x80: {  	_ =	shalt  }
0x81: {  	_ =	shalt  }
0x82: {  	_ =	shalt  }
0x83: {  	_ =	shalt  }
0x84: {  	_ =	shalt  }
0x85: {  	_ =	shalt  }
0x86: {  	_ =	shalt  }
0x87: {  	_ =	shalt  }
.Lfunc_end0:
.L_simem_size_0:
called_computation_lowered:
.L_overlay_start_0:
0x88: {  	s2 =	sld [smem:$0x3FD9]  }
0x89: {  	s3 =	sld [smem:$0x3FFE];
	_ =	sdelay $0x1  }
0x8a: {  	s1 =	srdreg.scid  }
0x8b: {  	s0 =	sand.u32 $0x1, s1  }
0x8c: {  	s16 =	sshll.u32 s0, $0xA;
	s2 =	sadd.s32 s3, s2  }
0x8d: {  	s2 =	sadd.s32 s2, s16  }
0x8e: {  	[smem:$0x3FB9] =	sst s2  }
0x8f: {  	_ = 	snop  }
0x90: {  	(tm) =	ssettm $0x1  }
0x91: {  	s17 =	sld [smem:$0x3FFB];
	_ =	sdelay $0x3  }
0x92: {  	_ =	strace s17  }
0x93: {  	s2 =	sld [smem:$0x3FFC];
	_ =	sdelay $0x3  }
0x94: {  	_ =	strace s2  }
0x95: {  	s2 =	sld [smem:$0x3FFD];
	_ =	sdelay $0x3  }
0x96: {  	_ =	strace s2  }
0x97: {  	_ =	strace $0x8FFFFFFF  }
0x98: {  	s18 =	sld [smem:$0x3FDB];
	_ =	sdelay $0x1  }
0x99: {  	s19 =	simm.s32 $_scs_section_size  }
0x9a: {  	s4 =	simm.s32 $_size__tile_overlayer_lowered;
	s5 =	simm.s32 $_tile_overlayer_lowered  }
0x9b: {  	s22 =	simm.s32 $0x1BFF;
	s21 =	sshll.u32 s5, $0x1;
	s2 =	sadd.s32 s19, s18  }
0x9c: {  	s6 =	simm.s32 $0x0;
	s20 =	sshll.u32 s4, $0x1;
	s4 =	sadd.s32 s21, s2  }
0x9d: {  	[timem:s6], [sflag:s22] =	dma.local [hbm:s4], s20  }
0x9e: {  	_ =	swait.ge [sflag:s22], s20  }
0x9f: {  	s3 =	ssub.s32 $0x0, s20;
	[sflag:s22] =	ssyncset.done $0x0  }
0xa0: {  	[sflag:s22] =	ssyncadd.s32 s3;
	_ =	sdelay $0x1  }
0xa1: {  	s23 =	simm.s32 $0x1B8B  }
0xa2: {  	_ =	swait.ge [sflag:s23], $0x1  }
0xa3: {  	[sflag:s23] =	ssyncset.done $0x0  }
0xa4: {  	s25 =	simm.s32 $0x1B8E;
	s24 =	sld [smem:$0x3FFE];
	[sflag:s23] =	ssyncadd.s32 $0xFFFFFFFF  }
0xa5: {  	s26 =	simm.s32 $execute0_lowered;
	[smem:$0x3FD2] =	sst s25  }
0xa6: {  	s4 =	sshll.u32 s26, $0x1;
	_ =	strace $0x80000046;
	[dreg:$0x1] =	wrdreg $0xFFFFFFFF  }
0xa7: {  	s28 =	simm.s32 $_size_execute0_lowered;
	s2 =	sadd.s32 s2, s4;
	[dreg:$0x0] =	wrdreg $0x0  }
0xa8: {  	s4 =	sshll.u32 s28, $0x1;
	[dreg:$0x2] =	wrdreg s2  }
0xa9: {  	[dreg:$0x3] =	wrdreg s4  }
0xaa: {  	[dreg:$0x4] =	wrdreg $0xC0  }
0xab: {  	_ =	task [dreg:s6], $0x5FFFF  }
0xac: {  	[dreg:$0x1] =	wrdreg $0xFFFFFFFF  }
0xad: {  	[dreg:$0x0] =	wrdreg $0x60  }
0xae: {  	[dreg:$0x2] =	wrdreg s24  }
0xaf: {  	[dreg:$0x3] =	wrdreg $0x9  }
0xb0: {  	_ =	task.clear_ibuf [dreg:s6], $0x4FFFF;
	_ =	strace $0x90000046  }
0xb1: {  	s29 =	simm.s32 $0x9;
	_ =	strace $0x80000048  }
0xb2: {  	_ =	swait.ge [sflag:s29], $0x1  }
0xb3: {  	[sflag:s29] =	ssyncadd.s32 $0xFFFFFFFF  }
0xb4: {  	_ =	strace $0x90000048  }
0xb5: {  	_ =	sfence  }
0xb6: {  	s30 =	sld [smem:$0x0];
	_ =	sdelay $0x2  }
0xb7: {  	s31 =	sshll.u32 s1, $0xD;
	s1 =	sshrl.u32 s1, $0x2  }
0xb8: {  	s3 =	sand.u32 $0x4000, s31;
	s1 =	sadd.s32 s1, s30  }
0xb9: {  	s0 =	sor.u32 s3, s0;
	s1 =	sshll.u32 s1, $0x11  }
0xba: {  	s0 =	sor.u32 s1, s0  }
0xbb: {  	s0 =	sadd.s32 $0x8F2B, s0  }
0xbc: {  	[sflag:s0] =	ssyncadd.remote.s32 $0x1  }
0xbd: {  	_ =	sfence.sel $0xFFFF  }
0xbe: {  	[dreg:$0x0] =	wrdreg $0xFFFFFFFF;
	(pc) =	sbr.abs _section_cstart, $3  }
0xbf: {  	[dreg:$0x1] =	wrdreg $0xFFFFFFFF  }
0xc0: {  	_ =	task.clear_ibuf [dreg:s6], $0x2FFFF;
	_ =	strace $0x9FFFFFFF  }
0xc1: {  	(tm) =	ssettm $0x7FFFFFFF  }
tec
execute0_lowered:
.L_overlay_start_1:
0x0: {  	(tag) =	ssettag $0x1  }
0x1: {  	s4 =	rddreg [dreg:$0x0];
	s2 =	srdreg.scid  }
0x2: {  	s0 =	rddreg [dreg:$0x1];
	s1 =	stileid.u32  }
0x3: {  	s13 =	simm.s32 $0x2710;
	s14 =	simm.s32 $0x128E0;
	s15 =	simm.s32 $0x1  }
0x4: {  	s16 =	simm.s32 $0x4E20;
	s17 =	simm.s32 $0x7530;
	s18 =	simm.s32 $0x9C40  }
0x5: {  	s19 =	simm.s32 $0xC350;
	s20 =	simm.s32 $0x2;
	s5 =	sand.u32 $0x1, s2  }
0x6: {  	s21 =	simm.s32 $0x0;
	s3 =	sshll.u32 s1, $0x2;
	s6 =	sshll.u32 s5, $0x1  }
0x7: {  	s2 =	simm.s32 $0x0;
	s7 =	sadd.s32 $0xD200, s4;
	s6 =	sor.u32 s6, s3  }
0x8: {  	s9 =	sadd.s32 $0x20C00, s4;
	s5 =	ssub.s32 $0x2, s5;
	s8 =	smul.u32 $0x2710, s6  }
0x9: {  	[smem:$0x7FF] =	sst s2;
	s31 =	sshrl.u32 s5, $0x1;
	s6 =	smul.u32 $0x4E2, s6  }
0xa: {  	_ =	strace $0x80000047;
	s3 =	sadd.s32 $0x3400, s4;
	s10 =	ssub.s32 s5, s31  }
0xb: {  	s10 =	smax.u32 s10, $0x1;
	s8 =	sshrl.u32 s8, $0x3;
	s4 =	sadd.s32 s7, s6  }
0xc: {  	s6 =	sadd.s32 s9, s6;
	s11 =	sadd.s32 $0x4E2, s8;
	s12 =	sadd.s32 s9, s8  }
0xd: {  	s5 =	sadd.s32 s7, s11;
	s7 =	sadd.s32 s9, s11;
	s8 =	sadd.s32 $0x13880, s12  }
0xe: {  	v0 =	vimm.f32 $0.0e+00;
	s9 =	sadd.s32 $0x13D62, s12;
	s11 =	simm.s32 $0xEA60;
	s12 =	simm.s32 $0x3  }
.LBB2_1:
0xf: {  	[tilespmem:s11], [sflag:$0x1] =	stream.linear.gather [hbm4b:s3+s2], $0x3E80, $0x38;
	[tilespmem:$0x16760] =	vst v63  }
0x10: {  	_ = 	snop  }
0x11: {  	[tilespmem:s2], [sflag:$0x3] =	stream.linear.gather [hbm4b:s4+s2], $0x2710, $0x38;
	[tilespmem:$0x16760] =	vst v63  }
0x12: {  	_ =	swait.ge [sflag:s12], $0x2710  }
0x13: {  	[sflag:s12] =	ssyncset.done $0x0  }
0x14: {  	[sflag:s12] =	ssyncadd.s32 $0xFFFFD8F0  }
0x15: {  	[tilespmem:s13], [sflag:$0x3] =	stream.linear.gather [hbm4b:s5+s2], $0x2710, $0x38;
	[tilespmem:$0x16760] =	vst v63  }
0x16: {  	_ =	swait.ge [sflag:s12], $0x2710  }
0x17: {  	[sflag:s12] =	ssyncset.done $0x0  }
0x18: {  	s22 =	simm.s32 $0x40;
	s23 =	simm.s32 $0x0;
	[sflag:s12] =	ssyncadd.s32 $0xFFFFD8F0  }
.LBB2_2:
0x19: {  	p0 =	sne.s32 s22, $0x9C00;
	[tilespmem:s23+$0xC350] =	vst v0;
	s24 =	smov.u32 s22;
	s22 =	sadd.s32 $0x40, s22  }
.Ltmp0:
0x1a: {  	[tilespmem:s23+$0x9C40] =	vst v0;
	(pc) =	sbr.rel @p0 .LBB2_2-.Ltmp0, $3  }
0x1b: {  	[tilespmem:s23+$0x4E20] =	vst v0  }
0x1c: {  	[tilespmem:s23+$0x7530] =	vst v0;
	_ =	sdelay $0x1  }
0x1d: {  	s23 =	sshra.s32 s24, $0x2  }
0x1e: {  	[tilespmem:s23+$0xC350] =	vst v0  }
0x1f: {  	[tilespmem:s23+$0x9C40] =	vst v0  }
0x20: {  	[tilespmem:s23+$0x4E20] =	vst v0  }
0x21: {  	s22 =	simm.s32 $0x0;
	[tilespmem:s23+$0x7530] =	vst v0;
	s23 =	simm.s32 $0x0  }
.LBB2_4:
0x22: {  	s24 =	smul.u32 $0x7D00, s23;
	_ =	sdelay $0x1  }
0x23: {  	s25 =	sshrl.u32 s24, $0x3  }
0x24: {  	s25 =	sadd.s32 s3, s25  }
0x25: {  	s25 =	sadd.s32 $0x7D0, s25  }
0x26: {  	[tilespmem:s14], [sflag:$0x2] =	stream.linear.gather [hbm4b:s25+s22], $0x3E80, $0x38;
	[tilespmem:$0x16760] =	vst v63  }
0x27: {  	_ =	swait.ge [sflag:s15], $0x3E80  }
0x28: {  	[sflag:s15] =	ssyncset.done $0x0  }
0x29: {  	s31 =	simm.s32 $0x0;
	[sflag:s15] =	ssyncadd.s32 $0xFFFFC180  }
0x2a: {  	v1 =	vld [tilespmem:s31+$0xEA60];
	_ =	sdelay $0x1  }
0x2b: {  	v2 =	vld [tilespmem:s31+$0xEA70]  }
0x2c: {  	v3 =	vld [tilespmem:s31+$0xEA90];
	_ =	sdelay $0x1  }
0x2d: {  	v4 =	vand.u32 $0xFFFF, v1  }
0x2e: {  	v5 =	vld [tilespmem:s31+$0xEA80]  }
0x2f: {  	v6 =	vand.u32 $0xFFFF, v2  }
0x30: {  	v7 =	vand.u32 $0xFFFF, v3;
	_ =	sdelay $0x1  }
0x31: {  	v8 =	vld.idx.msk [tilespmem:v4+s2+$0x0], $0xffff  }
0x32: {  	v9 =	vand.u32 $0xFFFF, v5;
	v4 =	vld.idx.msk [tilespmem:v4+s13+$0x0], $0xffff  }
0x33: {  	v10 =	vld.idx.msk [tilespmem:v6+s2+$0x0], $0xffff  }
0x34: {  	v11 =	vshrl.u32 v1, $0x10;
	v1 =	vld.idx.msk [tilespmem:v7+s13+$0x0], $0xffff  }
0x35: {  	v7 =	vld.idx.msk [tilespmem:v7+s2+$0x0], $0xffff  }
0x36: {  	v6 =	vld.idx.msk [tilespmem:v6+s13+$0x0], $0xffff  }
0x37: {  	v12 =	vld.idx.msk [tilespmem:v9+s2+$0x0], $0xffff  }
0x38: {  	v2 =	vshrl.u32 v2, $0x10;
	v9 =	vld.idx.msk [tilespmem:v9+s13+$0x0], $0xffff;
	v13 =	vunpack.i.l.bf16.f32 v8  }
0x39: {  	v14 =	vunpack.i.l.bf16.f32 v4;
	[tilespmem:v11+s16+$0x0] =	vst.idx.add.f32.msk $0xffff, v13  }
0x3a: {  	v8 =	vunpack.i.u.bf16.f32 v8;
	[tilespmem:v11+s17+$0x0] =	vst.idx.add.f32.msk $0xffff, v14  }
0x3b: {  	v4 =	vunpack.i.u.bf16.f32 v4;
	[tilespmem:v11+s18+$0x0] =	vst.idx.add.f32.msk $0xffff, v8  }
0x3c: {  	v63 =	vshrl.u32 v5, $0x10;
	v5 =	vunpack.i.l.bf16.f32 v10;
	[tilespmem:v11+s19+$0x0] =	vst.idx.add.f32.msk $0xffff, v4  }
0x3d: {  	v4 =	vunpack.i.l.bf16.f32 v6;
	[tilespmem:v2+s16+$0x0] =	vst.idx.add.f32.msk $0xffff, v5  }
0x3e: {  	v5 =	vunpack.i.u.bf16.f32 v10;
	[tilespmem:v2+s17+$0x0] =	vst.idx.add.f32.msk $0xffff, v4  }
0x3f: {  	v4 =	vunpack.i.u.bf16.f32 v6;
	[tilespmem:v2+s18+$0x0] =	vst.idx.add.f32.msk $0xffff, v5  }
0x40: {  	v3 =	vshrl.u32 v3, $0x10;
	v5 =	vunpack.i.l.bf16.f32 v12;
	[tilespmem:v2+s19+$0x0] =	vst.idx.add.f32.msk $0xffff, v4  }
0x41: {  	v2 =	vunpack.i.l.bf16.f32 v9;
	[tilespmem:v63+s16+$0x0] =	vst.idx.add.f32.msk $0xffff, v5  }
0x42: {  	v4 =	vunpack.i.u.bf16.f32 v12;
	[tilespmem:v63+s17+$0x0] =	vst.idx.add.f32.msk $0xffff, v2  }
0x43: {  	v6 =	vunpack.i.u.bf16.f32 v9;
	[tilespmem:v63+s18+$0x0] =	vst.idx.add.f32.msk $0xffff, v4  }
0x44: {  	s25 =	simm.s32 $0x100;
	v5 =	vunpack.i.l.bf16.f32 v7;
	v2 =	vunpack.i.u.bf16.f32 v7;
	v4 =	vunpack.i.l.bf16.f32 v1;
	[tilespmem:v63+s19+$0x0] =	vst.idx.add.f32.msk $0xffff, v6  }
.LBB2_5:
0x45: {  	p0 =	sne.s32 s25, $0xF900;
	[tilespmem:v3+s16+$0x0] =	vst.idx.add.f32.msk $0xffff, v5;
	s26 =	smov.u32 s25;
	s25 =	sadd.s32 $0x100, s25  }
0x46: {  	v1 =	vunpack.i.u.bf16.f32 v1;
	s26 =	sshra.s32 s26, $0x2;
	[tilespmem:v3+s17+$0x0] =	vst.idx.add.f32.msk $0xffff, v4  }
0x47: {  	[tilespmem:v3+s18+$0x0] =	vst.idx.add.f32.msk $0xffff, v2  }
0x48: {  	[tilespmem:v3+s19+$0x0] =	vst.idx.add.f32.msk $0xffff, v1  }
0x49: {  	v1 =	vld [tilespmem:s26+$0xEA60];
	_ =	sdelay $0x1  }
0x4a: {  	v2 =	vld [tilespmem:s26+$0xEA70]  }
0x4b: {  	v3 =	vld [tilespmem:s26+$0xEA90]  }
0x4c: {  	v4 =	vld [tilespmem:s26+$0xEA80]  }
0x4d: {  	v5 =	vand.u32 $0xFFFF, v1;
	_ =	sdelay $0x1  }
0x4e: {  	v6 =	vand.u32 $0xFFFF, v2  }
0x4f: {  	v7 =	vand.u32 $0xFFFF, v3  }
0x50: {  	v8 =	vand.u32 $0xFFFF, v4  }
0x51: {  	v9 =	vld.idx.msk [tilespmem:v5+s2+$0x0], $0xffff  }
0x52: {  	v5 =	vld.idx.msk [tilespmem:v5+s13+$0x0], $0xffff  }
0x53: {  	v10 =	vshrl.u32 v1, $0x10;
	v11 =	vld.idx.msk [tilespmem:v6+s2+$0x0], $0xffff  }
0x54: {  	v1 =	vld.idx.msk [tilespmem:v7+s13+$0x0], $0xffff  }
0x55: {  	v7 =	vld.idx.msk [tilespmem:v7+s2+$0x0], $0xffff  }
0x56: {  	v6 =	vld.idx.msk [tilespmem:v6+s13+$0x0], $0xffff  }
0x57: {  	v12 =	vshrl.u32 v2, $0x10;
	v2 =	vunpack.i.l.bf16.f32 v9;
	v13 =	vld.idx.msk [tilespmem:v8+s2+$0x0], $0xffff  }
0x58: {  	v14 =	vunpack.i.l.bf16.f32 v5;
	v8 =	vld.idx.msk [tilespmem:v8+s13+$0x0], $0xffff  }
0x59: {  	v9 =	vunpack.i.u.bf16.f32 v9;
	[tilespmem:v10+s16+$0x0] =	vst.idx.add.f32.msk $0xffff, v2  }
0x5a: {  	v5 =	vunpack.i.u.bf16.f32 v5;
	[tilespmem:v10+s17+$0x0] =	vst.idx.add.f32.msk $0xffff, v14  }
0x5b: {  	v4 =	vshrl.u32 v4, $0x10;
	v2 =	vunpack.i.u.bf16.f32 v7;
	[tilespmem:v10+s18+$0x0] =	vst.idx.add.f32.msk $0xffff, v9;
	v9 =	vunpack.i.l.bf16.f32 v11  }
0x5c: {  	[tilespmem:v10+s19+$0x0] =	vst.idx.add.f32.msk $0xffff, v5;
	v5 =	vunpack.i.l.bf16.f32 v6  }
0x5d: {  	v10 =	vunpack.i.u.bf16.f32 v11;
	[tilespmem:v12+s16+$0x0] =	vst.idx.add.f32.msk $0xffff, v9  }
0x5e: {  	v6 =	vunpack.i.u.bf16.f32 v6;
	[tilespmem:v12+s17+$0x0] =	vst.idx.add.f32.msk $0xffff, v5  }
0x5f: {  	v3 =	vshrl.u32 v3, $0x10;
	v5 =	vunpack.i.l.bf16.f32 v13;
	[tilespmem:v12+s18+$0x0] =	vst.idx.add.f32.msk $0xffff, v10  }
.Ltmp1:
0x60: {  	[tilespmem:v12+s19+$0x0] =	vst.idx.add.f32.msk $0xffff, v6;
	v6 =	vunpack.i.l.bf16.f32 v8;
	(pc) =	sbr.rel @p0 .LBB2_5-.Ltmp1, $4  }
0x61: {  	v9 =	vunpack.i.u.bf16.f32 v13;
	[tilespmem:v4+s16+$0x0] =	vst.idx.add.f32.msk $0xffff, v5  }
0x62: {  	v8 =	vunpack.i.u.bf16.f32 v8;
	[tilespmem:v4+s17+$0x0] =	vst.idx.add.f32.msk $0xffff, v6  }
0x63: {  	v5 =	vunpack.i.l.bf16.f32 v7;
	[tilespmem:v4+s18+$0x0] =	vst.idx.add.f32.msk $0xffff, v9  }
0x64: {  	[tilespmem:v4+s19+$0x0] =	vst.idx.add.f32.msk $0xffff, v8;
	v4 =	vunpack.i.l.bf16.f32 v1  }
0x65: {  	_ =	sdelay $0x3  }
0x66: {  	[tilespmem:v3+s16+$0x0] =	vst.idx.add.f32.msk $0xffff, v5;
	p0 =	seq.s32 s23, $0x9  }
0x67: {  	[tilespmem:v3+s17+$0x0] =	vst.idx.add.f32.msk $0xffff, v4;
	s24 =	sshrl.u32 @!p0 s24, $0x3  }
0x68: {  	v1 =	vunpack.i.u.bf16.f32 v1;
	[tilespmem:v3+s18+$0x0] =	vst.idx.add.f32.msk $0xffff, v2;
	s24 =	sadd.s32 @!p0 s3, s24  }
0x69: {  	s25 =	simm.s32 @!p0 $0x0;
	s26 =	simm.s32 @!p0 $0xEA60;
	[tilespmem:v3+s19+$0x0] =	vst.idx.add.f32.msk $0xffff, v1;
	s24 =	sadd.s32 @!p0 $0xFA0, s24  }
0x6a: {  	[tilespmem:s26], [sflag:$0x1] =	stream.linear.gather @!p0 [hbm4b:s24+s25], $0x3E80, $0x38;
	[tilespmem:$0x16760] =	vst v63  }
0x6b: {  	_ =	swait.ge [sflag:s20], $0x3E80  }
0x6c: {  	[sflag:s20] =	ssyncset.done $0x0  }
0x6d: {  	s31 =	simm.s32 $0x0;
	[sflag:s20] =	ssyncadd.s32 $0xFFFFC180  }
0x6e: {  	v1 =	vld [tilespmem:s31+$0x128E0];
	_ =	sdelay $0x1  }
0x6f: {  	v2 =	vld [tilespmem:s31+$0x128F0]  }
0x70: {  	v3 =	vld [tilespmem:s31+$0x12910];
	_ =	sdelay $0x1  }
0x71: {  	v4 =	vand.u32 $0xFFFF, v1  }
0x72: {  	v5 =	vld [tilespmem:s31+$0x12900]  }
0x73: {  	v6 =	vand.u32 $0xFFFF, v2  }
0x74: {  	v7 =	vand.u32 $0xFFFF, v3;
	_ =	sdelay $0x1  }
0x75: {  	v8 =	vld.idx.msk [tilespmem:v4+s2+$0x0], $0xffff  }
0x76: {  	v9 =	vand.u32 $0xFFFF, v5;
	v4 =	vld.idx.msk [tilespmem:v4+s13+$0x0], $0xffff  }
0x77: {  	v10 =	vld.idx.msk [tilespmem:v6+s2+$0x0], $0xffff  }
0x78: {  	v11 =	vshrl.u32 v1, $0x10;
	v1 =	vld.idx.msk [tilespmem:v7+s13+$0x0], $0xffff  }
0x79: {  	v7 =	vld.idx.msk [tilespmem:v7+s2+$0x0], $0xffff  }
0x7a: {  	v6 =	vld.idx.msk [tilespmem:v6+s13+$0x0], $0xffff  }
0x7b: {  	v12 =	vld.idx.msk [tilespmem:v9+s2+$0x0], $0xffff  }
0x7c: {  	v2 =	vshrl.u32 v2, $0x10;
	v9 =	vld.idx.msk [tilespmem:v9+s13+$0x0], $0xffff;
	v13 =	vunpack.i.l.bf16.f32 v8  }
0x7d: {  	v14 =	vunpack.i.l.bf16.f32 v4;
	[tilespmem:v11+s16+$0x0] =	vst.idx.add.f32.msk $0xffff, v13  }
0x7e: {  	v8 =	vunpack.i.u.bf16.f32 v8;
	[tilespmem:v11+s17+$0x0] =	vst.idx.add.f32.msk $0xffff, v14  }
0x7f: {  	v4 =	vunpack.i.u.bf16.f32 v4;
	[tilespmem:v11+s18+$0x0] =	vst.idx.add.f32.msk $0xffff, v8  }
0x80: {  	v63 =	vshrl.u32 v5, $0x10;
	v5 =	vunpack.i.l.bf16.f32 v10;
	[tilespmem:v11+s19+$0x0] =	vst.idx.add.f32.msk $0xffff, v4  }
0x81: {  	v4 =	vunpack.i.l.bf16.f32 v6;
	[tilespmem:v2+s16+$0x0] =	vst.idx.add.f32.msk $0xffff, v5  }
0x82: {  	v5 =	vunpack.i.u.bf16.f32 v10;
	[tilespmem:v2+s17+$0x0] =	vst.idx.add.f32.msk $0xffff, v4  }
0x83: {  	v4 =	vunpack.i.u.bf16.f32 v6;
	[tilespmem:v2+s18+$0x0] =	vst.idx.add.f32.msk $0xffff, v5  }
0x84: {  	v3 =	vshrl.u32 v3, $0x10;
	v5 =	vunpack.i.l.bf16.f32 v12;
	[tilespmem:v2+s19+$0x0] =	vst.idx.add.f32.msk $0xffff, v4  }
0x85: {  	v2 =	vunpack.i.l.bf16.f32 v9;
	[tilespmem:v63+s16+$0x0] =	vst.idx.add.f32.msk $0xffff, v5  }
0x86: {  	v4 =	vunpack.i.u.bf16.f32 v12;
	[tilespmem:v63+s17+$0x0] =	vst.idx.add.f32.msk $0xffff, v2  }
0x87: {  	v6 =	vunpack.i.u.bf16.f32 v9;
	[tilespmem:v63+s18+$0x0] =	vst.idx.add.f32.msk $0xffff, v4  }
0x88: {  	s24 =	simm.s32 $0x100;
	v5 =	vunpack.i.l.bf16.f32 v7;
	v2 =	vunpack.i.u.bf16.f32 v7;
	v4 =	vunpack.i.l.bf16.f32 v1;
	[tilespmem:v63+s19+$0x0] =	vst.idx.add.f32.msk $0xffff, v6  }
.LBB2_7:
0x89: {  	p0 =	sne.s32 s24, $0xF900;
	[tilespmem:v3+s16+$0x0] =	vst.idx.add.f32.msk $0xffff, v5;
	s25 =	smov.u32 s24;
	s24 =	sadd.s32 $0x100, s24  }
0x8a: {  	v1 =	vunpack.i.u.bf16.f32 v1;
	s25 =	sshra.s32 s25, $0x2;
	[tilespmem:v3+s17+$0x0] =	vst.idx.add.f32.msk $0xffff, v4  }
0x8b: {  	[tilespmem:v3+s18+$0x0] =	vst.idx.add.f32.msk $0xffff, v2  }
0x8c: {  	[tilespmem:v3+s19+$0x0] =	vst.idx.add.f32.msk $0xffff, v1  }
0x8d: {  	v1 =	vld [tilespmem:s25+$0x128E0];
	_ =	sdelay $0x1  }
0x8e: {  	v2 =	vld [tilespmem:s25+$0x128F0]  }
0x8f: {  	v3 =	vld [tilespmem:s25+$0x12910]  }
0x90: {  	v4 =	vld [tilespmem:s25+$0x12900]  }
0x91: {  	v5 =	vand.u32 $0xFFFF, v1;
	_ =	sdelay $0x1  }
0x92: {  	v6 =	vand.u32 $0xFFFF, v2  }
0x93: {  	v7 =	vand.u32 $0xFFFF, v3  }
0x94: {  	v8 =	vand.u32 $0xFFFF, v4  }
0x95: {  	v9 =	vld.idx.msk [tilespmem:v5+s2+$0x0], $0xffff  }
0x96: {  	v5 =	vld.idx.msk [tilespmem:v5+s13+$0x0], $0xffff  }
0x97: {  	v10 =	vshrl.u32 v1, $0x10;
	v11 =	vld.idx.msk [tilespmem:v6+s2+$0x0], $0xffff  }
0x98: {  	v1 =	vld.idx.msk [tilespmem:v7+s13+$0x0], $0xffff  }
0x99: {  	v7 =	vld.idx.msk [tilespmem:v7+s2+$0x0], $0xffff  }
0x9a: {  	v6 =	vld.idx.msk [tilespmem:v6+s13+$0x0], $0xffff  }
0x9b: {  	v12 =	vshrl.u32 v2, $0x10;
	v2 =	vunpack.i.l.bf16.f32 v9;
	v13 =	vld.idx.msk [tilespmem:v8+s2+$0x0], $0xffff  }
0x9c: {  	v14 =	vunpack.i.l.bf16.f32 v5;
	v8 =	vld.idx.msk [tilespmem:v8+s13+$0x0], $0xffff  }
0x9d: {  	v9 =	vunpack.i.u.bf16.f32 v9;
	[tilespmem:v10+s16+$0x0] =	vst.idx.add.f32.msk $0xffff, v2  }
0x9e: {  	v5 =	vunpack.i.u.bf16.f32 v5;
	[tilespmem:v10+s17+$0x0] =	vst.idx.add.f32.msk $0xffff, v14  }
0x9f: {  	v4 =	vshrl.u32 v4, $0x10;
	v2 =	vunpack.i.u.bf16.f32 v7;
	[tilespmem:v10+s18+$0x0] =	vst.idx.add.f32.msk $0xffff, v9;
	v9 =	vunpack.i.l.bf16.f32 v11  }
0xa0: {  	[tilespmem:v10+s19+$0x0] =	vst.idx.add.f32.msk $0xffff, v5;
	v5 =	vunpack.i.l.bf16.f32 v6  }
0xa1: {  	v10 =	vunpack.i.u.bf16.f32 v11;
	[tilespmem:v12+s16+$0x0] =	vst.idx.add.f32.msk $0xffff, v9  }
0xa2: {  	v6 =	vunpack.i.u.bf16.f32 v6;
	[tilespmem:v12+s17+$0x0] =	vst.idx.add.f32.msk $0xffff, v5  }
0xa3: {  	v3 =	vshrl.u32 v3, $0x10;
	v5 =	vunpack.i.l.bf16.f32 v13;
	[tilespmem:v12+s18+$0x0] =	vst.idx.add.f32.msk $0xffff, v10  }
.Ltmp2:
0xa4: {  	[tilespmem:v12+s19+$0x0] =	vst.idx.add.f32.msk $0xffff, v6;
	v6 =	vunpack.i.l.bf16.f32 v8;
	(pc) =	sbr.rel @p0 .LBB2_7-.Ltmp2, $4  }
0xa5: {  	v9 =	vunpack.i.u.bf16.f32 v13;
	[tilespmem:v4+s16+$0x0] =	vst.idx.add.f32.msk $0xffff, v5  }
0xa6: {  	v8 =	vunpack.i.u.bf16.f32 v8;
	[tilespmem:v4+s17+$0x0] =	vst.idx.add.f32.msk $0xffff, v6  }
0xa7: {  	v5 =	vunpack.i.l.bf16.f32 v7;
	[tilespmem:v4+s18+$0x0] =	vst.idx.add.f32.msk $0xffff, v9  }
0xa8: {  	[tilespmem:v4+s19+$0x0] =	vst.idx.add.f32.msk $0xffff, v8;
	v4 =	vunpack.i.l.bf16.f32 v1  }
0xa9: {  	_ = 	snop  }
0xaa: {  	s23 =	sadd.s32 $0x1, s23  }
0xab: {  	p0 =	sne.s32 s23, $0xA  }
.Ltmp3:
0xac: {  	_ = 	snop;
	(pc) =	sbr.rel @p0 .LBB2_4-.Ltmp3, $4  }
0xad: {  	[tilespmem:v3+s16+$0x0] =	vst.idx.add.f32.msk $0xffff, v5  }
0xae: {  	[tilespmem:v3+s17+$0x0] =	vst.idx.add.f32.msk $0xffff, v4  }
0xaf: {  	v1 =	vunpack.i.u.bf16.f32 v1;
	[tilespmem:v3+s18+$0x0] =	vst.idx.add.f32.msk $0xffff, v2  }
0xb0: {  	[tilespmem:v3+s19+$0x0] =	vst.idx.add.f32.msk $0xffff, v1  }
0xb1: {  	[hbm4b:s6+s2] =	stream.linear.scatter [tilespmem:s16], [sflag:$0x3], $0x2710, $0x38;
	[tilespmem:$0x16760] =	vst v63  }
0xb2: {  	_ =	swait.ge [sflag:s12], $0x2710  }
0xb3: {  	[sflag:s12] =	ssyncset.done $0x0  }
0xb4: {  	[sflag:s12] =	ssyncadd.s32 $0xFFFFD8F0  }
0xb5: {  	[hbm4b:s7+s2] =	stream.linear.scatter [tilespmem:s17], [sflag:$0x3], $0x2710, $0x38;
	[tilespmem:$0x16760] =	vst v63  }
0xb6: {  	_ =	swait.ge [sflag:s12], $0x2710  }
0xb7: {  	[sflag:s12] =	ssyncset.done $0x0  }
0xb8: {  	[sflag:s12] =	ssyncadd.s32 $0xFFFFD8F0  }
0xb9: {  	[hbm4b:s8+s2] =	stream.linear.scatter [tilespmem:s18], [sflag:$0x3], $0x2710, $0x38;
	[tilespmem:$0x16760] =	vst v63  }
0xba: {  	s21 =	sadd.s32 $0x1, s21;
	_ =	swait.ge [sflag:s12], $0x2710  }
0xbb: {  	p0 =	sne.s32 s21, s10;
	[sflag:s12] =	ssyncset.done $0x0  }
.Ltmp4:
0xbc: {  	[sflag:s12] =	ssyncadd.s32 $0xFFFFD8F0;
	(pc) =	sbr.rel @p0 .LBB2_1-.Ltmp4, $4  }
0xbd: {  	[hbm4b:s9+s2] =	stream.linear.scatter [tilespmem:s19], [sflag:$0x3], $0x2710, $0x38;
	[tilespmem:$0x16760] =	vst v63  }
0xbe: {  	_ =	swait.ge [sflag:s12], $0x2710  }
0xbf: {  	[sflag:s12] =	ssyncset.done $0x0  }
0xc0: {  	[sflag:s12] =	ssyncadd.s32 $0xFFFFD8F0  }
0xc1: {  	_ =	sfence.sel $0x180000  }
0xc2: {  	[bflag:$0x0] =	sbarrier.arrive $0xFFFF  }
0xc3: {  	p0 =	sne.s32 s1, $0x0;
	_ =	strace $0x90000047  }
0xc4: {  	s0 =	sadd.s32 @!p0 $0x100000, s0;
	[bflag:$0x2] =	sbarrier.arrive $0xFFFF  }
0xc5: {  	[sflag:s0] =	ssyncadd.tile.s32 @!p0 $0x1;
	_ =	shalt  }
.Lfunc_end2:
_tile_overlayer_lowered:
.L_overlay_start_2:
0xc6: {  	(tag) =	ssettag $0x2  }
0xc7: {  	s0 =	rddreg [dreg:$0x0];
	s2 =	stileid.u32  }
0xc8: {  	s1 =	rddreg [dreg:$0x1];
	p0 =	sne.s32 s2, $0x0  }
0xc9: {  	s3 =	rddreg [dreg:$0x2];
	[bflag:$0x3] =	sbarrier.arrive $0xFFFF;
	s2 =	simm.s32 @!p0 $0x1C03  }
0xca: {  	[timem:s3], [sflag:s2] =	dma.local @!p0 [hbm:s0], s1  }
0xcb: {  	s0 =	simm.s32 @!p0 $0x3  }
0xcc: {  	_ =	swait.ge @!p0 [sflag:s0], s1  }
0xcd: {  	s1 =	ssub.s32 @!p0 $0x0, s1;
	[sflag:s0] =	ssyncset.done @!p0 $0x0  }
0xce: {  	[sflag:s0] =	ssyncadd.s32 @!p0 s1  }
0xcf: {  	[bflag:$0x3] =	sbarrier.arrive $0xFFFF  }
0xd0: {  	_ =	shalt  }

// kernel: kernel.14.cloned.1.call-start
scs
__scs_entry_jumppad:
0x0: {  	(pc) =	sbr.rel $0x88, $3  }
0x1: {  	(tag) =	ssettag $0x0;
	lr =	simm.s32 $0x1  }
0x2: {  	[smem:$0x3F92] =	sst lr;
	_ =	strace $0xD0000000  }
0x3: {  	_ = 	snop  }
0x4: {  	_ = 	snop  }
0x5: {  	_ = 	snop  }
0x6: {  	_ = 	snop  }
0x7: {  	_ = 	snop  }
__scs_overlays_trampoline_lowered:
0x8: {  	[smem:$0x3FA1] =	sst s0  }
0x9: {  	[smem:$0x3FA2] =	sst s1  }
0xa: {  	[smem:$0x3FA3] =	sst s2  }
0xb: {  	[smem:$0x3FA4] =	sst s3  }
0xc: {  	[smem:$0x3FA5] =	sst s4  }
0xd: {  	[smem:$0x3FA6] =	sst s5  }
0xe: {  	[smem:$0x3FA7] =	sst s6  }
0xf: {  	[smem:$0x3FA8] =	sst s7  }
0x10: {  	[smem:$0x3FA9] =	sst s8  }
0x11: {  	[smem:$0x3FAA] =	sst s9;
	s0 =	simm.s32 @!p0 $0x0  }
0x12: {  	s1 =	sld [smem:$0x3F90];
	s0 =	simm.s32 @p0 $0x1  }
0x13: {  	[smem:$0x3FAB] =	sst s0;
	s0 =	simm.s32 @!p1 $0x0  }
0x14: {  	s2 =	sld [smem:$0x3F8F];
	s0 =	simm.s32 @p1 $0x1  }
0x15: {  	[smem:$0x3FAC] =	sst s0;
	s0 =	simm.s32 @!p2 $0x0  }
0x16: {  	s3 =	sld [smem:$0x3FDB];
	s0 =	simm.s32 @p2 $0x1  }
0x17: {  	s4 =	simm.s32 $0x1BF5;
	[smem:$0x3FAE] =	sst s0  }
0x18: {  	s0 =	sld [smem:$0x3F91];
	_ =	swait.ge [sflag:s4], $0x0  }
0x19: {  	s7 =	sld [smem:$0x3F92]  }
0x1a: {  	s8 =	sadd.s32 $0xFFFFE003, lr  }
0x1b: {  	s9 =	sadd.s32 $0xFFFFFEF7, lr;
	s5 =	simm.s32 $0xFFFFFFFF;
	p2 =	slt.u32 s8, $0xFFFFF086  }
0x1c: {  	p1 =	slt.u32 s9, $0xF7A;
	s5 =	simm.s32 @!p2 $0x0  }
0x1d: {  	s5 =	simm.s32 @p1 $0x1;
	p0 =	seq.s32 s7, s2  }
0x1e: {  	s7 =	smul.u32 @!p0 $0xF7A, s2;
	p2 =	seq.s32 @!p0 s5, $0x0  }
0x1f: {  	s9 =	smul.u32 $0xF7A, s1;
	s8 =	simm.s32 @!p0 $0x1BF5;
	p2 =	por !p2, p0  }
0x20: {  	[sflag:s8] =	ssyncset.s32 @!p0 $0xFFFFF086;
	s6 =	sadd.s32 @!p0 s3, s7;
	s7 =	simm.s32 @!p0 $0x108  }
0x21: {  	s3 =	sadd.s32 s3, s9;
	s6 =	sadd.s32 @!p0 $0x88, s6;
	s7 =	simm.s32 @p2 $0x1082  }
0x22: {  	[simem:s7], [sflag:s8] =	dma.local @!p0 [hbm:s6], $0xF7A  }
0x23: {  	s9 =	sor.u32 $0xD0000000, s2;
	s6 =	simm.s32 $0x108;
	_ =	swait.ge @!p0 [sflag:s8], $0x0  }
0x24: {  	s3 =	sadd.s32 $0x88, s3;
	s6 =	simm.s32 @!p1 $0x1082;
	[sflag:s4] =	ssyncset.s32 $0xFFFFF086  }
0x25: {  	[simem:s6], [sflag:s4] =	dma.local [hbm:s3], $0xF7A  }
0x26: {  	[smem:$0x3F92] =	sst s1;
	(tag) =	ssettag s2;
	_ =	strace s9  }
0x27: {  	s1 =	sld [smem:$0x3FA2]  }
0x28: {  	s2 =	sld [smem:$0x3FA3]  }
0x29: {  	s4 =	sld [smem:$0x3FA5]  }
0x2a: {  	p0 =	seq.s32 s5, $0x0;
	s5 =	sld [smem:$0x3FA6]  }
0x2b: {  	s6 =	sld [smem:$0x3FA7]  }
0x2c: {  	s7 =	sld [smem:$0x3FA8]  }
0x2d: {  	s3 =	simm.s32 $0x108;
	s8 =	sld [smem:$0x3FA9]  }
0x2e: {  	s3 =	simm.s32 @!p0 $0x1082;
	s9 =	sld [smem:$0x3FAA]  }
0x2f: {  	lr =	sadd.s32 s0, s3;
	s0 =	sld [smem:$0x3FA1]  }
0x30: {  	s3 =	sld [smem:$0x3FA4]  }
0x31: {  	[smem:$0x3FAD] =	sst s10  }
0x32: {  	s10 =	sld [smem:$0x3FAB];
	_ =	sdelay $0x3  }
0x33: {  	p0 =	seq.s32 s10, $0x1;
	s10 =	sld [smem:$0x3FAD];
	_ =	sdelay $0x3  }
0x34: {  	[smem:$0x3FAD] =	sst s10  }
0x35: {  	s10 =	sld [smem:$0x3FAC];
	_ =	sdelay $0x3  }
0x36: {  	p1 =	seq.s32 s10, $0x1;
	s10 =	sld [smem:$0x3FAD];
	_ =	sdelay $0x3  }
0x37: {  	[smem:$0x3FAD] =	sst s10  }
0x38: {  	s10 =	sld [smem:$0x3FAE]  }
0x39: {  	_ = 	snop;
	(pc) =	sbr.ind lr, $3  }
0x3a: {  	_ = 	snop  }
0x3b: {  	_ = 	snop  }
0x3c: {  	p2 =	seq.s32 s10, $0x1;
	s10 =	sld [smem:$0x3FAD]  }
0x3d: {  	_ =	shalt  }
0x3e: {  	_ =	shalt  }
0x3f: {  	_ =	shalt  }
0x40: {  	_ =	shalt  }
0x41: {  	_ =	shalt  }
0x42: {  	_ =	shalt  }
0x43: {  	_ =	shalt  }
0x44: {  	_ =	shalt  }
0x45: {  	_ =	shalt  }
0x46: {  	_ =	shalt  }
0x47: {  	_ =	shalt  }
0x48: {  	_ =	shalt  }
0x49: {  	_ =	shalt  }
0x4a: {  	_ =	shalt  }
0x4b: {  	_ =	shalt  }
0x4c: {  	_ =	shalt  }
0x4d: {  	_ =	shalt  }
0x4e: {  	_ =	shalt  }
0x4f: {  	_ =	shalt  }
0x50: {  	_ =	shalt  }
0x51: {  	_ =	shalt  }
0x52: {  	_ =	shalt  }
0x53: {  	_ =	shalt  }
0x54: {  	_ =	shalt  }
0x55: {  	_ =	shalt  }
0x56: {  	_ =	shalt  }
0x57: {  	_ =	shalt  }
0x58: {  	_ =	shalt  }
0x59: {  	_ =	shalt  }
0x5a: {  	_ =	shalt  }
0x5b: {  	_ =	shalt  }
0x5c: {  	_ =	shalt  }
0x5d: {  	_ =	shalt  }
0x5e: {  	_ =	shalt  }
0x5f: {  	_ =	shalt  }
0x60: {  	_ =	shalt  }
0x61: {  	_ =	shalt  }
0x62: {  	_ =	shalt  }
0x63: {  	_ =	shalt  }
0x64: {  	_ =	shalt  }
0x65: {  	_ =	shalt  }
0x66: {  	_ =	shalt  }
0x67: {  	_ =	shalt  }
0x68: {  	_ =	shalt  }
0x69: {  	_ =	shalt  }
0x6a: {  	_ =	shalt  }
0x6b: {  	_ =	shalt  }
0x6c: {  	_ =	shalt  }
0x6d: {  	_ =	shalt  }
0x6e: {  	_ =	shalt  }
0x6f: {  	_ =	shalt  }
0x70: {  	_ =	shalt  }
0x71: {  	_ =	shalt  }
0x72: {  	_ =	shalt  }
0x73: {  	_ =	shalt  }
0x74: {  	_ =	shalt  }
0x75: {  	_ =	shalt  }
0x76: {  	_ =	shalt  }
0x77: {  	_ =	shalt  }
0x78: {  	_ =	shalt  }
0x79: {  	_ =	shalt  }
0x7a: {  	_ =	shalt  }
0x7b: {  	_ =	shalt  }
0x7c: {  	_ =	shalt  }
0x7d: {  	_ =	shalt  }
0x7e: {  	_ =	shalt  }
0x7f: {  	_ =	shalt  }
0x80: {  	_ =	shalt  }
0x81: {  	_ =	shalt  }
0x82: {  	_ =	shalt  }
0x83: {  	_ =	shalt  }
0x84: {  	_ =	shalt  }
0x85: {  	_ =	shalt  }
0x86: {  	_ =	shalt  }
0x87: {  	_ =	shalt  }
.Lfunc_end0:
.L_simem_size_0:
called_computation.1_lowered:
.L_overlay_start_0:
0x88: {  	s2 =	sld [smem:$0x3FD9]  }
0x89: {  	s3 =	sld [smem:$0x3FFE];
	_ =	sdelay $0x1  }
0x8a: {  	s1 =	srdreg.scid  }
0x8b: {  	s0 =	sand.u32 $0x1, s1  }
0x8c: {  	s16 =	sshll.u32 s0, $0xA;
	s2 =	sadd.s32 s3, s2  }
0x8d: {  	s2 =	sadd.s32 s2, s16  }
0x8e: {  	[smem:$0x3FB9] =	sst s2  }
0x8f: {  	_ = 	snop  }
0x90: {  	(tm) =	ssettm $0x1  }
0x91: {  	s17 =	sld [smem:$0x3FFB];
	_ =	sdelay $0x3  }
0x92: {  	_ =	strace s17  }
0x93: {  	s2 =	sld [smem:$0x3FFC];
	_ =	sdelay $0x3  }
0x94: {  	_ =	strace s2  }
0x95: {  	s2 =	sld [smem:$0x3FFD];
	_ =	sdelay $0x3  }
0x96: {  	_ =	strace s2  }
0x97: {  	_ =	strace $0x8FFFFFFF  }
0x98: {  	s18 =	sld [smem:$0x3FDB];
	_ =	sdelay $0x1  }
0x99: {  	s19 =	simm.s32 $_scs_section_size  }
0x9a: {  	s4 =	simm.s32 $_size__tile_overlayer_lowered;
	s5 =	simm.s32 $_tile_overlayer_lowered  }
0x9b: {  	s22 =	simm.s32 $0x1BFF;
	s21 =	sshll.u32 s5, $0x1;
	s2 =	sadd.s32 s19, s18  }
0x9c: {  	s6 =	simm.s32 $0x0;
	s20 =	sshll.u32 s4, $0x1;
	s4 =	sadd.s32 s21, s2  }
0x9d: {  	[timem:s6], [sflag:s22] =	dma.local [hbm:s4], s20  }
0x9e: {  	_ =	swait.ge [sflag:s22], s20  }
0x9f: {  	s3 =	ssub.s32 $0x0, s20;
	[sflag:s22] =	ssyncset.done $0x0  }
0xa0: {  	[sflag:s22] =	ssyncadd.s32 s3;
	_ =	sdelay $0x1  }
0xa1: {  	s23 =	simm.s32 $0x1B8B  }
0xa2: {  	_ =	swait.ge [sflag:s23], $0x1  }
0xa3: {  	[sflag:s23] =	ssyncset.done $0x0  }
0xa4: {  	s25 =	simm.s32 $0x1B8E;
	s24 =	sld [smem:$0x3FFE];
	[sflag:s23] =	ssyncadd.s32 $0xFFFFFFFF  }
0xa5: {  	s26 =	simm.s32 $execute0_lowered;
	[smem:$0x3FD2] =	sst s25  }
0xa6: {  	s4 =	sshll.u32 s26, $0x1;
	_ =	strace $0x80000049;
	[dreg:$0x1] =	wrdreg $0xFFFFFFFF  }
0xa7: {  	s28 =	simm.s32 $_size_execute0_lowered;
	s2 =	sadd.s32 s2, s4;
	[dreg:$0x0] =	wrdreg $0x0  }
0xa8: {  	s4 =	sshll.u32 s28, $0x1;
	[dreg:$0x2] =	wrdreg s2  }
0xa9: {  	[dreg:$0x3] =	wrdreg s4  }
0xaa: {  	[dreg:$0x4] =	wrdreg $0xC0  }
0xab: {  	_ =	task [dreg:s6], $0x5FFFF  }
0xac: {  	[dreg:$0x1] =	wrdreg $0xFFFFFFFF  }
0xad: {  	[dreg:$0x0] =	wrdreg $0x60  }
0xae: {  	[dreg:$0x2] =	wrdreg s24  }
0xaf: {  	[dreg:$0x3] =	wrdreg $0x9  }
0xb0: {  	_ =	task.clear_ibuf [dreg:s6], $0x4FFFF;
	_ =	strace $0x90000049  }
0xb1: {  	s29 =	simm.s32 $0x9;
	_ =	strace $0x8000004B  }
0xb2: {  	_ =	swait.ge [sflag:s29], $0x1  }
0xb3: {  	[sflag:s29] =	ssyncadd.s32 $0xFFFFFFFF  }
0xb4: {  	_ =	strace $0x9000004B  }
0xb5: {  	_ =	sfence  }
0xb6: {  	s30 =	sld [smem:$0x0];
	_ =	sdelay $0x2  }
0xb7: {  	s31 =	sshll.u32 s1, $0xD;
	s1 =	sshrl.u32 s1, $0x2  }
0xb8: {  	s3 =	sand.u32 $0x4000, s31;
	s1 =	sadd.s32 s1, s30  }
0xb9: {  	s0 =	sor.u32 s3, s0;
	s1 =	sshll.u32 s1, $0x11  }
0xba: {  	s0 =	sor.u32 s1, s0  }
0xbb: {  	s0 =	sadd.s32 $0x8F2B, s0  }
0xbc: {  	[sflag:s0] =	ssyncadd.remote.s32 $0x1  }
0xbd: {  	_ =	sfence.sel $0xFFFF  }
0xbe: {  	[dreg:$0x0] =	wrdreg $0xFFFFFFFF;
	(pc) =	sbr.abs _section_cstart, $3  }
0xbf: {  	[dreg:$0x1] =	wrdreg $0xFFFFFFFF  }
0xc0: {  	_ =	task.clear_ibuf [dreg:s6], $0x2FFFF;
	_ =	strace $0x9FFFFFFF  }
0xc1: {  	(tm) =	ssettm $0x7FFFFFFF  }
tec
execute0_lowered:
.L_overlay_start_1:
0x0: {  	(tag) =	ssettag $0x1  }
0x1: {  	s4 =	rddreg [dreg:$0x0];
	s2 =	srdreg.scid  }
0x2: {  	s0 =	rddreg [dreg:$0x1];
	s1 =	stileid.u32  }
0x3: {  	s13 =	simm.s32 $0x2710;
	s14 =	simm.s32 $0x128E0;
	s15 =	simm.s32 $0x1  }
0x4: {  	s16 =	simm.s32 $0x4E20;
	s17 =	simm.s32 $0x7530;
	s18 =	simm.s32 $0x9C40  }
0x5: {  	s19 =	simm.s32 $0xC350;
	s20 =	simm.s32 $0x2;
	s5 =	sand.u32 $0x1, s2  }
0x6: {  	s21 =	simm.s32 $0x0;
	s3 =	sshll.u32 s1, $0x2;
	s6 =	sshll.u32 s5, $0x1  }
0x7: {  	s2 =	simm.s32 $0x0;
	s7 =	sadd.s32 $0xD200, s4;
	s6 =	sor.u32 s6, s3  }
0x8: {  	s9 =	sadd.s32 $0x20C00, s4;
	s5 =	ssub.s32 $0x2, s5;
	s8 =	smul.u32 $0x2710, s6  }
0x9: {  	[smem:$0x7FF] =	sst s2;
	s31 =	sshrl.u32 s5, $0x1;
	s6 =	smul.u32 $0x4E2, s6  }
0xa: {  	_ =	strace $0x8000004A;
	s3 =	sadd.s32 $0x3400, s4;
	s10 =	ssub.s32 s5, s31  }
0xb: {  	s10 =	smax.u32 s10, $0x1;
	s8 =	sshrl.u32 s8, $0x3;
	s4 =	sadd.s32 s7, s6  }
0xc: {  	s6 =	sadd.s32 s9, s6;
	s11 =	sadd.s32 $0x4E2, s8;
	s12 =	sadd.s32 s9, s8  }
0xd: {  	s5 =	sadd.s32 s7, s11;
	s7 =	sadd.s32 s9, s11;
	s8 =	sadd.s32 $0x13880, s12  }
0xe: {  	v0 =	vimm.f32 $0.0e+00;
	s9 =	sadd.s32 $0x13D62, s12;
	s11 =	simm.s32 $0xEA60;
	s12 =	simm.s32 $0x3  }
.LBB2_1:
0xf: {  	[tilespmem:s11], [sflag:$0x1] =	stream.linear.gather [hbm4b:s3+s2], $0x3E80, $0x38;
	[tilespmem:$0x16760] =	vst v63  }
0x10: {  	_ = 	snop  }
0x11: {  	[tilespmem:s2], [sflag:$0x3] =	stream.linear.gather [hbm4b:s4+s2], $0x2710, $0x38;
	[tilespmem:$0x16760] =	vst v63  }
0x12: {  	_ =	swait.ge [sflag:s12], $0x2710  }
0x13: {  	[sflag:s12] =	ssyncset.done $0x0  }
0x14: {  	[sflag:s12] =	ssyncadd.s32 $0xFFFFD8F0  }
0x15: {  	[tilespmem:s13], [sflag:$0x3] =	stream.linear.gather [hbm4b:s5+s2], $0x2710, $0x38;
	[tilespmem:$0x16760] =	vst v63  }
0x16: {  	_ =	swait.ge [sflag:s12], $0x2710  }
0x17: {  	[sflag:s12] =	ssyncset.done $0x0  }
0x18: {  	s22 =	simm.s32 $0x40;
	s23 =	simm.s32 $0x0;
	[sflag:s12] =	ssyncadd.s32 $0xFFFFD8F0  }
.LBB2_2:
0x19: {  	p0 =	sne.s32 s22, $0x9C00;
	[tilespmem:s23+$0xC350] =	vst v0;
	s24 =	smov.u32 s22;
	s22 =	sadd.s32 $0x40, s22  }
.Ltmp0:
0x1a: {  	[tilespmem:s23+$0x9C40] =	vst v0;
	(pc) =	sbr.rel @p0 .LBB2_2-.Ltmp0, $3  }
0x1b: {  	[tilespmem:s23+$0x4E20] =	vst v0  }
0x1c: {  	[tilespmem:s23+$0x7530] =	vst v0;
	_ =	sdelay $0x1  }
0x1d: {  	s23 =	sshra.s32 s24, $0x2  }
0x1e: {  	[tilespmem:s23+$0xC350] =	vst v0  }
0x1f: {  	[tilespmem:s23+$0x9C40] =	vst v0  }
0x20: {  	[tilespmem:s23+$0x4E20] =	vst v0  }
0x21: {  	s22 =	simm.s32 $0x0;
	[tilespmem:s23+$0x7530] =	vst v0;
	s23 =	simm.s32 $0x0  }
.LBB2_4:
0x22: {  	s24 =	smul.u32 $0x7D00, s23;
	_ =	sdelay $0x1  }
0x23: {  	s25 =	sshrl.u32 s24, $0x3  }
0x24: {  	s25 =	sadd.s32 s3, s25  }
0x25: {  	s25 =	sadd.s32 $0x7D0, s25  }
0x26: {  	[tilespmem:s14], [sflag:$0x2] =	stream.linear.gather [hbm4b:s25+s22], $0x3E80, $0x38;
	[tilespmem:$0x16760] =	vst v63  }
0x27: {  	_ =	swait.ge [sflag:s15], $0x3E80  }
0x28: {  	[sflag:s15] =	ssyncset.done $0x0  }
0x29: {  	s31 =	simm.s32 $0x0;
	[sflag:s15] =	ssyncadd.s32 $0xFFFFC180  }
0x2a: {  	v1 =	vld [tilespmem:s31+$0xEA60];
	_ =	sdelay $0x1  }
0x2b: {  	v2 =	vld [tilespmem:s31+$0xEA70]  }
0x2c: {  	v3 =	vld [tilespmem:s31+$0xEA90];
	_ =	sdelay $0x1  }
0x2d: {  	v4 =	vand.u32 $0xFFFF, v1  }
0x2e: {  	v5 =	vld [tilespmem:s31+$0xEA80]  }
0x2f: {  	v6 =	vand.u32 $0xFFFF, v2  }
0x30: {  	v7 =	vand.u32 $0xFFFF, v3;
	_ =	sdelay $0x1  }
0x31: {  	v8 =	vld.idx.msk [tilespmem:v4+s2+$0x0], $0xffff  }
0x32: {  	v9 =	vand.u32 $0xFFFF, v5;
	v4 =	vld.idx.msk [tilespmem:v4+s13+$0x0], $0xffff  }
0x33: {  	v10 =	vld.idx.msk [tilespmem:v6+s2+$0x0], $0xffff  }
0x34: {  	v11 =	vshrl.u32 v1, $0x10;
	v1 =	vld.idx.msk [tilespmem:v7+s13+$0x0], $0xffff  }
0x35: {  	v7 =	vld.idx.msk [tilespmem:v7+s2+$0x0], $0xffff  }
0x36: {  	v6 =	vld.idx.msk [tilespmem:v6+s13+$0x0], $0xffff  }
0x37: {  	v12 =	vld.idx.msk [tilespmem:v9+s2+$0x0], $0xffff  }
0x38: {  	v2 =	vshrl.u32 v2, $0x10;
	v9 =	vld.idx.msk [tilespmem:v9+s13+$0x0], $0xffff;
	v13 =	vunpack.i.l.bf16.f32 v8  }
0x39: {  	v14 =	vunpack.i.l.bf16.f32 v4;
	[tilespmem:v11+s16+$0x0] =	vst.idx.add.f32.msk $0xffff, v13  }
0x3a: {  	v8 =	vunpack.i.u.bf16.f32 v8;
	[tilespmem:v11+s17+$0x0] =	vst.idx.add.f32.msk $0xffff, v14  }
0x3b: {  	v4 =	vunpack.i.u.bf16.f32 v4;
	[tilespmem:v11+s18+$0x0] =	vst.idx.add.f32.msk $0xffff, v8  }
0x3c: {  	v63 =	vshrl.u32 v5, $0x10;
	v5 =	vunpack.i.l.bf16.f32 v10;
	[tilespmem:v11+s19+$0x0] =	vst.idx.add.f32.msk $0xffff, v4  }
0x3d: {  	v4 =	vunpack.i.l.bf16.f32 v6;
	[tilespmem:v2+s16+$0x0] =	vst.idx.add.f32.msk $0xffff, v5  }
0x3e: {  	v5 =	vunpack.i.u.bf16.f32 v10;
	[tilespmem:v2+s17+$0x0] =	vst.idx.add.f32.msk $0xffff, v4  }
0x3f: {  	v4 =	vunpack.i.u.bf16.f32 v6;
	[tilespmem:v2+s18+$0x0] =	vst.idx.add.f32.msk $0xffff, v5  }
0x40: {  	v3 =	vshrl.u32 v3, $0x10;
	v5 =	vunpack.i.l.bf16.f32 v12;
	[tilespmem:v2+s19+$0x0] =	vst.idx.add.f32.msk $0xffff, v4  }
0x41: {  	v2 =	vunpack.i.l.bf16.f32 v9;
	[tilespmem:v63+s16+$0x0] =	vst.idx.add.f32.msk $0xffff, v5  }
0x42: {  	v4 =	vunpack.i.u.bf16.f32 v12;
	[tilespmem:v63+s17+$0x0] =	vst.idx.add.f32.msk $0xffff, v2  }
0x43: {  	v6 =	vunpack.i.u.bf16.f32 v9;
	[tilespmem:v63+s18+$0x0] =	vst.idx.add.f32.msk $0xffff, v4  }
0x44: {  	s25 =	simm.s32 $0x100;
	v5 =	vunpack.i.l.bf16.f32 v7;
	v2 =	vunpack.i.u.bf16.f32 v7;
	v4 =	vunpack.i.l.bf16.f32 v1;
	[tilespmem:v63+s19+$0x0] =	vst.idx.add.f32.msk $0xffff, v6  }
.LBB2_5:
0x45: {  	p0 =	sne.s32 s25, $0xF900;
	[tilespmem:v3+s16+$0x0] =	vst.idx.add.f32.msk $0xffff, v5;
	s26 =	smov.u32 s25;
	s25 =	sadd.s32 $0x100, s25  }
0x46: {  	v1 =	vunpack.i.u.bf16.f32 v1;
	s26 =	sshra.s32 s26, $0x2;
	[tilespmem:v3+s17+$0x0] =	vst.idx.add.f32.msk $0xffff, v4  }
0x47: {  	[tilespmem:v3+s18+$0x0] =	vst.idx.add.f32.msk $0xffff, v2  }
0x48: {  	[tilespmem:v3+s19+$0x0] =	vst.idx.add.f32.msk $0xffff, v1  }
0x49: {  	v1 =	vld [tilespmem:s26+$0xEA60];
	_ =	sdelay $0x1  }
0x4a: {  	v2 =	vld [tilespmem:s26+$0xEA70]  }
0x4b: {  	v3 =	vld [tilespmem:s26+$0xEA90]  }
0x4c: {  	v4 =	vld [tilespmem:s26+$0xEA80]  }
0x4d: {  	v5 =	vand.u32 $0xFFFF, v1;
	_ =	sdelay $0x1  }
0x4e: {  	v6 =	vand.u32 $0xFFFF, v2  }
0x4f: {  	v7 =	vand.u32 $0xFFFF, v3  }
0x50: {  	v8 =	vand.u32 $0xFFFF, v4  }
0x51: {  	v9 =	vld.idx.msk [tilespmem:v5+s2+$0x0], $0xffff  }
0x52: {  	v5 =	vld.idx.msk [tilespmem:v5+s13+$0x0], $0xffff  }
0x53: {  	v10 =	vshrl.u32 v1, $0x10;
	v11 =	vld.idx.msk [tilespmem:v6+s2+$0x0], $0xffff  }
0x54: {  	v1 =	vld.idx.msk [tilespmem:v7+s13+$0x0], $0xffff  }
0x55: {  	v7 =	vld.idx.msk [tilespmem:v7+s2+$0x0], $0xffff  }
0x56: {  	v6 =	vld.idx.msk [tilespmem:v6+s13+$0x0], $0xffff  }
0x57: {  	v12 =	vshrl.u32 v2, $0x10;
	v2 =	vunpack.i.l.bf16.f32 v9;
	v13 =	vld.idx.msk [tilespmem:v8+s2+$0x0], $0xffff  }
0x58: {  	v14 =	vunpack.i.l.bf16.f32 v5;
	v8 =	vld.idx.msk [tilespmem:v8+s13+$0x0], $0xffff  }
0x59: {  	v9 =	vunpack.i.u.bf16.f32 v9;
	[tilespmem:v10+s16+$0x0] =	vst.idx.add.f32.msk $0xffff, v2  }
0x5a: {  	v5 =	vunpack.i.u.bf16.f32 v5;
	[tilespmem:v10+s17+$0x0] =	vst.idx.add.f32.msk $0xffff, v14  }
0x5b: {  	v4 =	vshrl.u32 v4, $0x10;
	v2 =	vunpack.i.u.bf16.f32 v7;
	[tilespmem:v10+s18+$0x0] =	vst.idx.add.f32.msk $0xffff, v9;
	v9 =	vunpack.i.l.bf16.f32 v11  }
0x5c: {  	[tilespmem:v10+s19+$0x0] =	vst.idx.add.f32.msk $0xffff, v5;
	v5 =	vunpack.i.l.bf16.f32 v6  }
0x5d: {  	v10 =	vunpack.i.u.bf16.f32 v11;
	[tilespmem:v12+s16+$0x0] =	vst.idx.add.f32.msk $0xffff, v9  }
0x5e: {  	v6 =	vunpack.i.u.bf16.f32 v6;
	[tilespmem:v12+s17+$0x0] =	vst.idx.add.f32.msk $0xffff, v5  }
0x5f: {  	v3 =	vshrl.u32 v3, $0x10;
	v5 =	vunpack.i.l.bf16.f32 v13;
	[tilespmem:v12+s18+$0x0] =	vst.idx.add.f32.msk $0xffff, v10  }
.Ltmp1:
0x60: {  	[tilespmem:v12+s19+$0x0] =	vst.idx.add.f32.msk $0xffff, v6;
	v6 =	vunpack.i.l.bf16.f32 v8;
	(pc) =	sbr.rel @p0 .LBB2_5-.Ltmp1, $4  }
0x61: {  	v9 =	vunpack.i.u.bf16.f32 v13;
	[tilespmem:v4+s16+$0x0] =	vst.idx.add.f32.msk $0xffff, v5  }
0x62: {  	v8 =	vunpack.i.u.bf16.f32 v8;
	[tilespmem:v4+s17+$0x0] =	vst.idx.add.f32.msk $0xffff, v6  }
0x63: {  	v5 =	vunpack.i.l.bf16.f32 v7;
	[tilespmem:v4+s18+$0x0] =	vst.idx.add.f32.msk $0xffff, v9  }
0x64: {  	[tilespmem:v4+s19+$0x0] =	vst.idx.add.f32.msk $0xffff, v8;
	v4 =	vunpack.i.l.bf16.f32 v1  }
0x65: {  	_ =	sdelay $0x3  }
0x66: {  	[tilespmem:v3+s16+$0x0] =	vst.idx.add.f32.msk $0xffff, v5;
	p0 =	seq.s32 s23, $0x9  }
0x67: {  	[tilespmem:v3+s17+$0x0] =	vst.idx.add.f32.msk $0xffff, v4;
	s24 =	sshrl.u32 @!p0 s24, $0x3  }
0x68: {  	v1 =	vunpack.i.u.bf16.f32 v1;
	[tilespmem:v3+s18+$0x0] =	vst.idx.add.f32.msk $0xffff, v2;
	s24 =	sadd.s32 @!p0 s3, s24  }
0x69: {  	s25 =	simm.s32 @!p0 $0x0;
	s26 =	simm.s32 @!p0 $0xEA60;
	[tilespmem:v3+s19+$0x0] =	vst.idx.add.f32.msk $0xffff, v1;
	s24 =	sadd.s32 @!p0 $0xFA0, s24  }
0x6a: {  	[tilespmem:s26], [sflag:$0x1] =	stream.linear.gather @!p0 [hbm4b:s24+s25], $0x3E80, $0x38;
	[tilespmem:$0x16760] =	vst v63  }
0x6b: {  	_ =	swait.ge [sflag:s20], $0x3E80  }
0x6c: {  	[sflag:s20] =	ssyncset.done $0x0  }
0x6d: {  	s31 =	simm.s32 $0x0;
	[sflag:s20] =	ssyncadd.s32 $0xFFFFC180  }
0x6e: {  	v1 =	vld [tilespmem:s31+$0x128E0];
	_ =	sdelay $0x1  }
0x6f: {  	v2 =	vld [tilespmem:s31+$0x128F0]  }
0x70: {  	v3 =	vld [tilespmem:s31+$0x12910];
	_ =	sdelay $0x1  }
0x71: {  	v4 =	vand.u32 $0xFFFF, v1  }
0x72: {  	v5 =	vld [tilespmem:s31+$0x12900]  }
0x73: {  	v6 =	vand.u32 $0xFFFF, v2  }
0x74: {  	v7 =	vand.u32 $0xFFFF, v3;
	_ =	sdelay $0x1  }
0x75: {  	v8 =	vld.idx.msk [tilespmem:v4+s2+$0x0], $0xffff  }
0x76: {  	v9 =	vand.u32 $0xFFFF, v5;
	v4 =	vld.idx.msk [tilespmem:v4+s13+$0x0], $0xffff  }
0x77: {  	v10 =	vld.idx.msk [tilespmem:v6+s2+$0x0], $0xffff  }
0x78: {  	v11 =	vshrl.u32 v1, $0x10;
	v1 =	vld.idx.msk [tilespmem:v7+s13+$0x0], $0xffff  }
0x79: {  	v7 =	vld.idx.msk [tilespmem:v7+s2+$0x0], $0xffff  }
0x7a: {  	v6 =	vld.idx.msk [tilespmem:v6+s13+$0x0], $0xffff  }
0x7b: {  	v12 =	vld.idx.msk [tilespmem:v9+s2+$0x0], $0xffff  }
0x7c: {  	v2 =	vshrl.u32 v2, $0x10;
	v9 =	vld.idx.msk [tilespmem:v9+s13+$0x0], $0xffff;
	v13 =	vunpack.i.l.bf16.f32 v8  }
0x7d: {  	v14 =	vunpack.i.l.bf16.f32 v4;
	[tilespmem:v11+s16+$0x0] =	vst.idx.add.f32.msk $0xffff, v13  }
0x7e: {  	v8 =	vunpack.i.u.bf16.f32 v8;
	[tilespmem:v11+s17+$0x0] =	vst.idx.add.f32.msk $0xffff, v14  }
0x7f: {  	v4 =	vunpack.i.u.bf16.f32 v4;
	[tilespmem:v11+s18+$0x0] =	vst.idx.add.f32.msk $0xffff, v8  }
0x80: {  	v63 =	vshrl.u32 v5, $0x10;
	v5 =	vunpack.i.l.bf16.f32 v10;
	[tilespmem:v11+s19+$0x0] =	vst.idx.add.f32.msk $0xffff, v4  }
0x81: {  	v4 =	vunpack.i.l.bf16.f32 v6;
	[tilespmem:v2+s16+$0x0] =	vst.idx.add.f32.msk $0xffff, v5  }
0x82: {  	v5 =	vunpack.i.u.bf16.f32 v10;
	[tilespmem:v2+s17+$0x0] =	vst.idx.add.f32.msk $0xffff, v4  }
0x83: {  	v4 =	vunpack.i.u.bf16.f32 v6;
	[tilespmem:v2+s18+$0x0] =	vst.idx.add.f32.msk $0xffff, v5  }
0x84: {  	v3 =	vshrl.u32 v3, $0x10;
	v5 =	vunpack.i.l.bf16.f32 v12;
	[tilespmem:v2+s19+$0x0] =	vst.idx.add.f32.msk $0xffff, v4  }
0x85: {  	v2 =	vunpack.i.l.bf16.f32 v9;
	[tilespmem:v63+s16+$0x0] =	vst.idx.add.f32.msk $0xffff, v5  }
0x86: {  	v4 =	vunpack.i.u.bf16.f32 v12;
	[tilespmem:v63+s17+$0x0] =	vst.idx.add.f32.msk $0xffff, v2  }
0x87: {  	v6 =	vunpack.i.u.bf16.f32 v9;
	[tilespmem:v63+s18+$0x0] =	vst.idx.add.f32.msk $0xffff, v4  }
0x88: {  	s24 =	simm.s32 $0x100;
	v5 =	vunpack.i.l.bf16.f32 v7;
	v2 =	vunpack.i.u.bf16.f32 v7;
	v4 =	vunpack.i.l.bf16.f32 v1;
	[tilespmem:v63+s19+$0x0] =	vst.idx.add.f32.msk $0xffff, v6  }
.LBB2_7:
0x89: {  	p0 =	sne.s32 s24, $0xF900;
	[tilespmem:v3+s16+$0x0] =	vst.idx.add.f32.msk $0xffff, v5;
	s25 =	smov.u32 s24;
	s24 =	sadd.s32 $0x100, s24  }
0x8a: {  	v1 =	vunpack.i.u.bf16.f32 v1;
	s25 =	sshra.s32 s25, $0x2;
	[tilespmem:v3+s17+$0x0] =	vst.idx.add.f32.msk $0xffff, v4  }
0x8b: {  	[tilespmem:v3+s18+$0x0] =	vst.idx.add.f32.msk $0xffff, v2  }
0x8c: {  	[tilespmem:v3+s19+$0x0] =	vst.idx.add.f32.msk $0xffff, v1  }
0x8d: {  	v1 =	vld [tilespmem:s25+$0x128E0];
	_ =	sdelay $0x1  }
0x8e: {  	v2 =	vld [tilespmem:s25+$0x128F0]  }
0x8f: {  	v3 =	vld [tilespmem:s25+$0x12910]  }
0x90: {  	v4 =	vld [tilespmem:s25+$0x12900]  }
0x91: {  	v5 =	vand.u32 $0xFFFF, v1;
	_ =	sdelay $0x1  }
0x92: {  	v6 =	vand.u32 $0xFFFF, v2  }
0x93: {  	v7 =	vand.u32 $0xFFFF, v3  }
0x94: {  	v8 =	vand.u32 $0xFFFF, v4  }
0x95: {  	v9 =	vld.idx.msk [tilespmem:v5+s2+$0x0], $0xffff  }
0x96: {  	v5 =	vld.idx.msk [tilespmem:v5+s13+$0x0], $0xffff  }
0x97: {  	v10 =	vshrl.u32 v1, $0x10;
	v11 =	vld.idx.msk [tilespmem:v6+s2+$0x0], $0xffff  }
0x98: {  	v1 =	vld.idx.msk [tilespmem:v7+s13+$0x0], $0xffff  }
0x99: {  	v7 =	vld.idx.msk [tilespmem:v7+s2+$0x0], $0xffff  }
0x9a: {  	v6 =	vld.idx.msk [tilespmem:v6+s13+$0x0], $0xffff  }
0x9b: {  	v12 =	vshrl.u32 v2, $0x10;
	v2 =	vunpack.i.l.bf16.f32 v9;
	v13 =	vld.idx.msk [tilespmem:v8+s2+$0x0], $0xffff  }
0x9c: {  	v14 =	vunpack.i.l.bf16.f32 v5;
	v8 =	vld.idx.msk [tilespmem:v8+s13+$0x0], $0xffff  }
0x9d: {  	v9 =	vunpack.i.u.bf16.f32 v9;
	[tilespmem:v10+s16+$0x0] =	vst.idx.add.f32.msk $0xffff, v2  }
0x9e: {  	v5 =	vunpack.i.u.bf16.f32 v5;
	[tilespmem:v10+s17+$0x0] =	vst.idx.add.f32.msk $0xffff, v14  }
0x9f: {  	v4 =	vshrl.u32 v4, $0x10;
	v2 =	vunpack.i.u.bf16.f32 v7;
	[tilespmem:v10+s18+$0x0] =	vst.idx.add.f32.msk $0xffff, v9;
	v9 =	vunpack.i.l.bf16.f32 v11  }
0xa0: {  	[tilespmem:v10+s19+$0x0] =	vst.idx.add.f32.msk $0xffff, v5;
	v5 =	vunpack.i.l.bf16.f32 v6  }
0xa1: {  	v10 =	vunpack.i.u.bf16.f32 v11;
	[tilespmem:v12+s16+$0x0] =	vst.idx.add.f32.msk $0xffff, v9  }
0xa2: {  	v6 =	vunpack.i.u.bf16.f32 v6;
	[tilespmem:v12+s17+$0x0] =	vst.idx.add.f32.msk $0xffff, v5  }
0xa3: {  	v3 =	vshrl.u32 v3, $0x10;
	v5 =	vunpack.i.l.bf16.f32 v13;
	[tilespmem:v12+s18+$0x0] =	vst.idx.add.f32.msk $0xffff, v10  }
.Ltmp2:
0xa4: {  	[tilespmem:v12+s19+$0x0] =	vst.idx.add.f32.msk $0xffff, v6;
	v6 =	vunpack.i.l.bf16.f32 v8;
	(pc) =	sbr.rel @p0 .LBB2_7-.Ltmp2, $4  }
0xa5: {  	v9 =	vunpack.i.u.bf16.f32 v13;
	[tilespmem:v4+s16+$0x0] =	vst.idx.add.f32.msk $0xffff, v5  }
0xa6: {  	v8 =	vunpack.i.u.bf16.f32 v8;
	[tilespmem:v4+s17+$0x0] =	vst.idx.add.f32.msk $0xffff, v6  }
0xa7: {  	v5 =	vunpack.i.l.bf16.f32 v7;
	[tilespmem:v4+s18+$0x0] =	vst.idx.add.f32.msk $0xffff, v9  }
0xa8: {  	[tilespmem:v4+s19+$0x0] =	vst.idx.add.f32.msk $0xffff, v8;
	v4 =	vunpack.i.l.bf16.f32 v1  }
0xa9: {  	_ = 	snop  }
0xaa: {  	s23 =	sadd.s32 $0x1, s23  }
0xab: {  	p0 =	sne.s32 s23, $0xA  }
.Ltmp3:
0xac: {  	_ = 	snop;
	(pc) =	sbr.rel @p0 .LBB2_4-.Ltmp3, $4  }
0xad: {  	[tilespmem:v3+s16+$0x0] =	vst.idx.add.f32.msk $0xffff, v5  }
0xae: {  	[tilespmem:v3+s17+$0x0] =	vst.idx.add.f32.msk $0xffff, v4  }
0xaf: {  	v1 =	vunpack.i.u.bf16.f32 v1;
	[tilespmem:v3+s18+$0x0] =	vst.idx.add.f32.msk $0xffff, v2  }
0xb0: {  	[tilespmem:v3+s19+$0x0] =	vst.idx.add.f32.msk $0xffff, v1  }
0xb1: {  	[hbm4b:s6+s2] =	stream.linear.scatter [tilespmem:s16], [sflag:$0x3], $0x2710, $0x38;
	[tilespmem:$0x16760] =	vst v63  }
0xb2: {  	_ =	swait.ge [sflag:s12], $0x2710  }
0xb3: {  	[sflag:s12] =	ssyncset.done $0x0  }
0xb4: {  	[sflag:s12] =	ssyncadd.s32 $0xFFFFD8F0  }
0xb5: {  	[hbm4b:s7+s2] =	stream.linear.scatter [tilespmem:s17], [sflag:$0x3], $0x2710, $0x38;
	[tilespmem:$0x16760] =	vst v63  }
0xb6: {  	_ =	swait.ge [sflag:s12], $0x2710  }
0xb7: {  	[sflag:s12] =	ssyncset.done $0x0  }
0xb8: {  	[sflag:s12] =	ssyncadd.s32 $0xFFFFD8F0  }
0xb9: {  	[hbm4b:s8+s2] =	stream.linear.scatter [tilespmem:s18], [sflag:$0x3], $0x2710, $0x38;
	[tilespmem:$0x16760] =	vst v63  }
0xba: {  	s21 =	sadd.s32 $0x1, s21;
	_ =	swait.ge [sflag:s12], $0x2710  }
0xbb: {  	p0 =	sne.s32 s21, s10;
	[sflag:s12] =	ssyncset.done $0x0  }
.Ltmp4:
0xbc: {  	[sflag:s12] =	ssyncadd.s32 $0xFFFFD8F0;
	(pc) =	sbr.rel @p0 .LBB2_1-.Ltmp4, $4  }
0xbd: {  	[hbm4b:s9+s2] =	stream.linear.scatter [tilespmem:s19], [sflag:$0x3], $0x2710, $0x38;
	[tilespmem:$0x16760] =	vst v63  }
0xbe: {  	_ =	swait.ge [sflag:s12], $0x2710  }
0xbf: {  	[sflag:s12] =	ssyncset.done $0x0  }
0xc0: {  	[sflag:s12] =	ssyncadd.s32 $0xFFFFD8F0  }
0xc1: {  	_ =	sfence.sel $0x180000  }
0xc2: {  	[bflag:$0x0] =	sbarrier.arrive $0xFFFF  }
0xc3: {  	p0 =	sne.s32 s1, $0x0;
	_ =	strace $0x9000004A  }
0xc4: {  	s0 =	sadd.s32 @!p0 $0x100000, s0;
	[bflag:$0x2] =	sbarrier.arrive $0xFFFF  }
0xc5: {  	[sflag:s0] =	ssyncadd.tile.s32 @!p0 $0x1;
	_ =	shalt  }
.Lfunc_end2:
_tile_overlayer_lowered:
.L_overlay_start_2:
0xc6: {  	(tag) =	ssettag $0x2  }
0xc7: {  	s0 =	rddreg [dreg:$0x0];
	s2 =	stileid.u32  }
0xc8: {  	s1 =	rddreg [dreg:$0x1];
	p0 =	sne.s32 s2, $0x0  }
0xc9: {  	s3 =	rddreg [dreg:$0x2];
	[bflag:$0x3] =	sbarrier.arrive $0xFFFF;
	s2 =	simm.s32 @!p0 $0x1C03  }
0xca: {  	[timem:s3], [sflag:s2] =	dma.local @!p0 [hbm:s0], s1  }
0xcb: {  	s0 =	simm.s32 @!p0 $0x3  }
0xcc: {  	_ =	swait.ge @!p0 [sflag:s0], s1  }
0xcd: {  	s1 =	ssub.s32 @!p0 $0x0, s1;
	[sflag:s0] =	ssyncset.done @!p0 $0x0  }
0xce: {  	[sflag:s0] =	ssyncadd.s32 @!p0 s1  }
0xcf: {  	[bflag:$0x3] =	sbarrier.arrive $0xFFFF  }
0xd0: {  	_ =	shalt  }

// kernel: kernel.17.cloned.1.call-start
scs
__scs_entry_jumppad:
0x0: {  	(pc) =	sbr.rel $0x88, $3  }
0x1: {  	(tag) =	ssettag $0x0;
	lr =	simm.s32 $0x1  }
0x2: {  	[smem:$0x3F92] =	sst lr;
	_ =	strace $0xD0000000  }
0x3: {  	_ = 	snop  }
0x4: {  	_ = 	snop  }
0x5: {  	_ = 	snop  }
0x6: {  	_ = 	snop  }
0x7: {  	_ = 	snop  }
__scs_overlays_trampoline_lowered:
0x8: {  	[smem:$0x3FA1] =	sst s0  }
0x9: {  	[smem:$0x3FA2] =	sst s1  }
0xa: {  	[smem:$0x3FA3] =	sst s2  }
0xb: {  	[smem:$0x3FA4] =	sst s3  }
0xc: {  	[smem:$0x3FA5] =	sst s4  }
0xd: {  	[smem:$0x3FA6] =	sst s5  }
0xe: {  	[smem:$0x3FA7] =	sst s6  }
0xf: {  	[smem:$0x3FA8] =	sst s7  }
0x10: {  	[smem:$0x3FA9] =	sst s8  }
0x11: {  	[smem:$0x3FAA] =	sst s9;
	s0 =	simm.s32 @!p0 $0x0  }
0x12: {  	s1 =	sld [smem:$0x3F90];
	s0 =	simm.s32 @p0 $0x1  }
0x13: {  	[smem:$0x3FAB] =	sst s0;
	s0 =	simm.s32 @!p1 $0x0  }
0x14: {  	s2 =	sld [smem:$0x3F8F];
	s0 =	simm.s32 @p1 $0x1  }
0x15: {  	[smem:$0x3FAC] =	sst s0;
	s0 =	simm.s32 @!p2 $0x0  }
0x16: {  	s3 =	sld [smem:$0x3FDB];
	s0 =	simm.s32 @p2 $0x1  }
0x17: {  	s4 =	simm.s32 $0x1BF5;
	[smem:$0x3FAE] =	sst s0  }
0x18: {  	s0 =	sld [smem:$0x3F91];
	_ =	swait.ge [sflag:s4], $0x0  }
0x19: {  	s7 =	sld [smem:$0x3F92]  }
0x1a: {  	s8 =	sadd.s32 $0xFFFFE003, lr  }
0x1b: {  	s9 =	sadd.s32 $0xFFFFFEF7, lr;
	s5 =	simm.s32 $0xFFFFFFFF;
	p2 =	slt.u32 s8, $0xFFFFF086  }
0x1c: {  	p1 =	slt.u32 s9, $0xF7A;
	s5 =	simm.s32 @!p2 $0x0  }
0x1d: {  	s5 =	simm.s32 @p1 $0x1;
	p0 =	seq.s32 s7, s2  }
0x1e: {  	s7 =	smul.u32 @!p0 $0xF7A, s2;
	p2 =	seq.s32 @!p0 s5, $0x0  }
0x1f: {  	s9 =	smul.u32 $0xF7A, s1;
	s8 =	simm.s32 @!p0 $0x1BF5;
	p2 =	por !p2, p0  }
0x20: {  	[sflag:s8] =	ssyncset.s32 @!p0 $0xFFFFF086;
	s6 =	sadd.s32 @!p0 s3, s7;
	s7 =	simm.s32 @!p0 $0x108  }
0x21: {  	s3 =	sadd.s32 s3, s9;
	s6 =	sadd.s32 @!p0 $0x88, s6;
	s7 =	simm.s32 @p2 $0x1082  }
0x22: {  	[simem:s7], [sflag:s8] =	dma.local @!p0 [hbm:s6], $0xF7A  }
0x23: {  	s9 =	sor.u32 $0xD0000000, s2;
	s6 =	simm.s32 $0x108;
	_ =	swait.ge @!p0 [sflag:s8], $0x0  }
0x24: {  	s3 =	sadd.s32 $0x88, s3;
	s6 =	simm.s32 @!p1 $0x1082;
	[sflag:s4] =	ssyncset.s32 $0xFFFFF086  }
0x25: {  	[simem:s6], [sflag:s4] =	dma.local [hbm:s3], $0xF7A  }
0x26: {  	[smem:$0x3F92] =	sst s1;
	(tag) =	ssettag s2;
	_ =	strace s9  }
0x27: {  	s1 =	sld [smem:$0x3FA2]  }
0x28: {  	s2 =	sld [smem:$0x3FA3]  }
0x29: {  	s4 =	sld [smem:$0x3FA5]  }
0x2a: {  	p0 =	seq.s32 s5, $0x0;
	s5 =	sld [smem:$0x3FA6]  }
0x2b: {  	s6 =	sld [smem:$0x3FA7]  }
0x2c: {  	s7 =	sld [smem:$0x3FA8]  }
0x2d: {  	s3 =	simm.s32 $0x108;
	s8 =	sld [smem:$0x3FA9]  }
0x2e: {  	s3 =	simm.s32 @!p0 $0x1082;
	s9 =	sld [smem:$0x3FAA]  }
0x2f: {  	lr =	sadd.s32 s0, s3;
	s0 =	sld [smem:$0x3FA1]  }
0x30: {  	s3 =	sld [smem:$0x3FA4]  }
0x31: {  	[smem:$0x3FAD] =	sst s10  }
0x32: {  	s10 =	sld [smem:$0x3FAB];
	_ =	sdelay $0x3  }
0x33: {  	p0 =	seq.s32 s10, $0x1;
	s10 =	sld [smem:$0x3FAD];
	_ =	sdelay $0x3  }
0x34: {  	[smem:$0x3FAD] =	sst s10  }
0x35: {  	s10 =	sld [smem:$0x3FAC];
	_ =	sdelay $0x3  }
0x36: {  	p1 =	seq.s32 s10, $0x1;
	s10 =	sld [smem:$0x3FAD];
	_ =	sdelay $0x3  }
0x37: {  	[smem:$0x3FAD] =	sst s10  }
0x38: {  	s10 =	sld [smem:$0x3FAE]  }
0x39: {  	_ = 	snop;
	(pc) =	sbr.ind lr, $3  }
0x3a: {  	_ = 	snop  }
0x3b: {  	_ = 	snop  }
0x3c: {  	p2 =	seq.s32 s10, $0x1;
	s10 =	sld [smem:$0x3FAD]  }
0x3d: {  	_ =	shalt  }
0x3e: {  	_ =	shalt  }
0x3f: {  	_ =	shalt  }
0x40: {  	_ =	shalt  }
0x41: {  	_ =	shalt  }
0x42: {  	_ =	shalt  }
0x43: {  	_ =	shalt  }
0x44: {  	_ =	shalt  }
0x45: {  	_ =	shalt  }
0x46: {  	_ =	shalt  }
0x47: {  	_ =	shalt  }
0x48: {  	_ =	shalt  }
0x49: {  	_ =	shalt  }
0x4a: {  	_ =	shalt  }
0x4b: {  	_ =	shalt  }
0x4c: {  	_ =	shalt  }
0x4d: {  	_ =	shalt  }
0x4e: {  	_ =	shalt  }
0x4f: {  	_ =	shalt  }
0x50: {  	_ =	shalt  }
0x51: {  	_ =	shalt  }
0x52: {  	_ =	shalt  }
0x53: {  	_ =	shalt  }
0x54: {  	_ =	shalt  }
0x55: {  	_ =	shalt  }
0x56: {  	_ =	shalt  }
0x57: {  	_ =	shalt  }
0x58: {  	_ =	shalt  }
0x59: {  	_ =	shalt  }
0x5a: {  	_ =	shalt  }
0x5b: {  	_ =	shalt  }
0x5c: {  	_ =	shalt  }
0x5d: {  	_ =	shalt  }
0x5e: {  	_ =	shalt  }
0x5f: {  	_ =	shalt  }
0x60: {  	_ =	shalt  }
0x61: {  	_ =	shalt  }
0x62: {  	_ =	shalt  }
0x63: {  	_ =	shalt  }
0x64: {  	_ =	shalt  }
0x65: {  	_ =	shalt  }
0x66: {  	_ =	shalt  }
0x67: {  	_ =	shalt  }
0x68: {  	_ =	shalt  }
0x69: {  	_ =	shalt  }
0x6a: {  	_ =	shalt  }
0x6b: {  	_ =	shalt  }
0x6c: {  	_ =	shalt  }
0x6d: {  	_ =	shalt  }
0x6e: {  	_ =	shalt  }
0x6f: {  	_ =	shalt  }
0x70: {  	_ =	shalt  }
0x71: {  	_ =	shalt  }
0x72: {  	_ =	shalt  }
0x73: {  	_ =	shalt  }
0x74: {  	_ =	shalt  }
0x75: {  	_ =	shalt  }
0x76: {  	_ =	shalt  }
0x77: {  	_ =	shalt  }
0x78: {  	_ =	shalt  }
0x79: {  	_ =	shalt  }
0x7a: {  	_ =	shalt  }
0x7b: {  	_ =	shalt  }
0x7c: {  	_ =	shalt  }
0x7d: {  	_ =	shalt  }
0x7e: {  	_ =	shalt  }
0x7f: {  	_ =	shalt  }
0x80: {  	_ =	shalt  }
0x81: {  	_ =	shalt  }
0x82: {  	_ =	shalt  }
0x83: {  	_ =	shalt  }
0x84: {  	_ =	shalt  }
0x85: {  	_ =	shalt  }
0x86: {  	_ =	shalt  }
0x87: {  	_ =	shalt  }
.Lfunc_end0:
.L_simem_size_0:
called_computation.2_lowered:
.L_overlay_start_0:
0x88: {  	s2 =	sld [smem:$0x3FD9]  }
0x89: {  	s3 =	sld [smem:$0x3FFE];
	_ =	sdelay $0x1  }
0x8a: {  	s1 =	srdreg.scid  }
0x8b: {  	s0 =	sand.u32 $0x1, s1  }
0x8c: {  	s16 =	sshll.u32 s0, $0xA;
	s2 =	sadd.s32 s3, s2  }
0x8d: {  	s2 =	sadd.s32 s2, s16  }
0x8e: {  	[smem:$0x3FB9] =	sst s2  }
0x8f: {  	_ = 	snop  }
0x90: {  	(tm) =	ssettm $0x1  }
0x91: {  	s17 =	sld [smem:$0x3FFB];
	_ =	sdelay $0x3  }
0x92: {  	_ =	strace s17  }
0x93: {  	s2 =	sld [smem:$0x3FFC];
	_ =	sdelay $0x3  }
0x94: {  	_ =	strace s2  }
0x95: {  	s2 =	sld [smem:$0x3FFD];
	_ =	sdelay $0x3  }
0x96: {  	_ =	strace s2  }
0x97: {  	_ =	strace $0x8FFFFFFF  }
0x98: {  	s18 =	sld [smem:$0x3FDB];
	_ =	sdelay $0x1  }
0x99: {  	s19 =	simm.s32 $_scs_section_size  }
0x9a: {  	s4 =	simm.s32 $_size__tile_overlayer_lowered;
	s5 =	simm.s32 $_tile_overlayer_lowered  }
0x9b: {  	s22 =	simm.s32 $0x1BFF;
	s21 =	sshll.u32 s5, $0x1;
	s2 =	sadd.s32 s19, s18  }
0x9c: {  	s6 =	simm.s32 $0x0;
	s20 =	sshll.u32 s4, $0x1;
	s4 =	sadd.s32 s21, s2  }
0x9d: {  	[timem:s6], [sflag:s22] =	dma.local [hbm:s4], s20  }
0x9e: {  	_ =	swait.ge [sflag:s22], s20  }
0x9f: {  	s3 =	ssub.s32 $0x0, s20;
	[sflag:s22] =	ssyncset.done $0x0  }
0xa0: {  	[sflag:s22] =	ssyncadd.s32 s3;
	_ =	sdelay $0x1  }
0xa1: {  	s23 =	simm.s32 $0x1B8B  }
0xa2: {  	_ =	swait.ge [sflag:s23], $0x1  }
0xa3: {  	[sflag:s23] =	ssyncset.done $0x0  }
0xa4: {  	s25 =	simm.s32 $0x1B8E;
	s24 =	sld [smem:$0x3FFE];
	[sflag:s23] =	ssyncadd.s32 $0xFFFFFFFF  }
0xa5: {  	s26 =	simm.s32 $execute0_lowered;
	[smem:$0x3FD2] =	sst s25  }
0xa6: {  	s4 =	sshll.u32 s26, $0x1;
	_ =	strace $0x8000004C;
	[dreg:$0x1] =	wrdreg $0xFFFFFFFF  }
0xa7: {  	s28 =	simm.s32 $_size_execute0_lowered;
	s2 =	sadd.s32 s2, s4;
	[dreg:$0x0] =	wrdreg $0x0  }
0xa8: {  	s4 =	sshll.u32 s28, $0x1;
	[dreg:$0x2] =	wrdreg s2  }
0xa9: {  	[dreg:$0x3] =	wrdreg s4  }
0xaa: {  	[dreg:$0x4] =	wrdreg $0xC0  }
0xab: {  	_ =	task [dreg:s6], $0x5FFFF  }
0xac: {  	[dreg:$0x1] =	wrdreg $0xFFFFFFFF  }
0xad: {  	[dreg:$0x0] =	wrdreg $0x60  }
0xae: {  	[dreg:$0x2] =	wrdreg s24  }
0xaf: {  	[dreg:$0x3] =	wrdreg $0x9  }
0xb0: {  	_ =	task.clear_ibuf [dreg:s6], $0x4FFFF;
	_ =	strace $0x9000004C  }
0xb1: {  	s29 =	simm.s32 $0x9;
	_ =	strace $0x8000004E  }
0xb2: {  	_ =	swait.ge [sflag:s29], $0x1  }
0xb3: {  	[sflag:s29] =	ssyncadd.s32 $0xFFFFFFFF  }
0xb4: {  	_ =	strace $0x9000004E  }
0xb5: {  	_ =	sfence  }
0xb6: {  	s30 =	sld [smem:$0x0];
	_ =	sdelay $0x2  }
0xb7: {  	s31 =	sshll.u32 s1, $0xD;
	s1 =	sshrl.u32 s1, $0x2  }
0xb8: {  	s3 =	sand.u32 $0x4000, s31;
	s1 =	sadd.s32 s1, s30  }
0xb9: {  	s0 =	sor.u32 s3, s0;
	s1 =	sshll.u32 s1, $0x11  }
0xba: {  	s0 =	sor.u32 s1, s0  }
0xbb: {  	s0 =	sadd.s32 $0x8F2B, s0  }
0xbc: {  	[sflag:s0] =	ssyncadd.remote.s32 $0x1  }
0xbd: {  	_ =	sfence.sel $0xFFFF  }
0xbe: {  	[dreg:$0x0] =	wrdreg $0xFFFFFFFF;
	(pc) =	sbr.abs _section_cstart, $3  }
0xbf: {  	[dreg:$0x1] =	wrdreg $0xFFFFFFFF  }
0xc0: {  	_ =	task.clear_ibuf [dreg:s6], $0x2FFFF;
	_ =	strace $0x9FFFFFFF  }
0xc1: {  	(tm) =	ssettm $0x7FFFFFFF  }
tec
execute0_lowered:
.L_overlay_start_1:
0x0: {  	(tag) =	ssettag $0x1  }
0x1: {  	s4 =	rddreg [dreg:$0x0];
	s2 =	srdreg.scid  }
0x2: {  	s0 =	rddreg [dreg:$0x1];
	s1 =	stileid.u32  }
0x3: {  	s13 =	simm.s32 $0x2710;
	s14 =	simm.s32 $0x128E0;
	s15 =	simm.s32 $0x1  }
0x4: {  	s16 =	simm.s32 $0x4E20;
	s17 =	simm.s32 $0x7530;
	s18 =	simm.s32 $0x9C40  }
0x5: {  	s19 =	simm.s32 $0xC350;
	s20 =	simm.s32 $0x2;
	s5 =	sand.u32 $0x1, s2  }
0x6: {  	s21 =	simm.s32 $0x0;
	s3 =	sshll.u32 s1, $0x2;
	s6 =	sshll.u32 s5, $0x1  }
0x7: {  	s2 =	simm.s32 $0x0;
	s7 =	sadd.s32 $0xD200, s4;
	s6 =	sor.u32 s6, s3  }
0x8: {  	s9 =	sadd.s32 $0x20C00, s4;
	s5 =	ssub.s32 $0x2, s5;
	s8 =	smul.u32 $0x2710, s6  }
0x9: {  	[smem:$0x7FF] =	sst s2;
	s31 =	sshrl.u32 s5, $0x1;
	s6 =	smul.u32 $0x4E2, s6  }
0xa: {  	_ =	strace $0x8000004D;
	s3 =	sadd.s32 $0x3400, s4;
	s10 =	ssub.s32 s5, s31  }
0xb: {  	s10 =	smax.u32 s10, $0x1;
	s8 =	sshrl.u32 s8, $0x3;
	s4 =	sadd.s32 s7, s6  }
0xc: {  	s6 =	sadd.s32 s9, s6;
	s11 =	sadd.s32 $0x4E2, s8;
	s12 =	sadd.s32 s9, s8  }
0xd: {  	s5 =	sadd.s32 s7, s11;
	s7 =	sadd.s32 s9, s11;
	s8 =	sadd.s32 $0x13880, s12  }
0xe: {  	v0 =	vimm.f32 $0.0e+00;
	s9 =	sadd.s32 $0x13D62, s12;
	s11 =	simm.s32 $0xEA60;
	s12 =	simm.s32 $0x3  }
.LBB2_1:
0xf: {  	[tilespmem:s11], [sflag:$0x1] =	stream.linear.gather [hbm4b:s3+s2], $0x3E80, $0x38;
	[tilespmem:$0x16760] =	vst v63  }
0x10: {  	_ = 	snop  }
0x11: {  	[tilespmem:s2], [sflag:$0x3] =	stream.linear.gather [hbm4b:s4+s2], $0x2710, $0x38;
	[tilespmem:$0x16760] =	vst v63  }
0x12: {  	_ =	swait.ge [sflag:s12], $0x2710  }
0x13: {  	[sflag:s12] =	ssyncset.done $0x0  }
0x14: {  	[sflag:s12] =	ssyncadd.s32 $0xFFFFD8F0  }
0x15: {  	[tilespmem:s13], [sflag:$0x3] =	stream.linear.gather [hbm4b:s5+s2], $0x2710, $0x38;
	[tilespmem:$0x16760] =	vst v63  }
0x16: {  	_ =	swait.ge [sflag:s12], $0x2710  }
0x17: {  	[sflag:s12] =	ssyncset.done $0x0  }
0x18: {  	s22 =	simm.s32 $0x40;
	s23 =	simm.s32 $0x0;
	[sflag:s12] =	ssyncadd.s32 $0xFFFFD8F0  }
.LBB2_2:
0x19: {  	p0 =	sne.s32 s22, $0x9C00;
	[tilespmem:s23+$0xC350] =	vst v0;
	s24 =	smov.u32 s22;
	s22 =	sadd.s32 $0x40, s22  }
.Ltmp0:
0x1a: {  	[tilespmem:s23+$0x9C40] =	vst v0;
	(pc) =	sbr.rel @p0 .LBB2_2-.Ltmp0, $3  }
0x1b: {  	[tilespmem:s23+$0x4E20] =	vst v0  }
0x1c: {  	[tilespmem:s23+$0x7530] =	vst v0;
	_ =	sdelay $0x1  }
0x1d: {  	s23 =	sshra.s32 s24, $0x2  }
0x1e: {  	[tilespmem:s23+$0xC350] =	vst v0  }
0x1f: {  	[tilespmem:s23+$0x9C40] =	vst v0  }
0x20: {  	[tilespmem:s23+$0x4E20] =	vst v0  }
0x21: {  	s22 =	simm.s32 $0x0;
	[tilespmem:s23+$0x7530] =	vst v0;
	s23 =	simm.s32 $0x0  }
.LBB2_4:
0x22: {  	s24 =	smul.u32 $0x7D00, s23;
	_ =	sdelay $0x1  }
0x23: {  	s25 =	sshrl.u32 s24, $0x3  }
0x24: {  	s25 =	sadd.s32 s3, s25  }
0x25: {  	s25 =	sadd.s32 $0x7D0, s25  }
0x26: {  	[tilespmem:s14], [sflag:$0x2] =	stream.linear.gather [hbm4b:s25+s22], $0x3E80, $0x38;
	[tilespmem:$0x16760] =	vst v63  }
0x27: {  	_ =	swait.ge [sflag:s15], $0x3E80  }
0x28: {  	[sflag:s15] =	ssyncset.done $0x0  }
0x29: {  	s31 =	simm.s32 $0x0;
	[sflag:s15] =	ssyncadd.s32 $0xFFFFC180  }
0x2a: {  	v1 =	vld [tilespmem:s31+$0xEA60];
	_ =	sdelay $0x1  }
0x2b: {  	v2 =	vld [tilespmem:s31+$0xEA70]  }
0x2c: {  	v3 =	vld [tilespmem:s31+$0xEA90];
	_ =	sdelay $0x1  }
0x2d: {  	v4 =	vand.u32 $0xFFFF, v1  }
0x2e: {  	v5 =	vld [tilespmem:s31+$0xEA80]  }
0x2f: {  	v6 =	vand.u32 $0xFFFF, v2  }
0x30: {  	v7 =	vand.u32 $0xFFFF, v3;
	_ =	sdelay $0x1  }
0x31: {  	v8 =	vld.idx.msk [tilespmem:v4+s2+$0x0], $0xffff  }
0x32: {  	v9 =	vand.u32 $0xFFFF, v5;
	v4 =	vld.idx.msk [tilespmem:v4+s13+$0x0], $0xffff  }
0x33: {  	v10 =	vld.idx.msk [tilespmem:v6+s2+$0x0], $0xffff  }
0x34: {  	v11 =	vshrl.u32 v1, $0x10;
	v1 =	vld.idx.msk [tilespmem:v7+s13+$0x0], $0xffff  }
0x35: {  	v7 =	vld.idx.msk [tilespmem:v7+s2+$0x0], $0xffff  }
0x36: {  	v6 =	vld.idx.msk [tilespmem:v6+s13+$0x0], $0xffff  }
0x37: {  	v12 =	vld.idx.msk [tilespmem:v9+s2+$0x0], $0xffff  }
0x38: {  	v2 =	vshrl.u32 v2, $0x10;
	v9 =	vld.idx.msk [tilespmem:v9+s13+$0x0], $0xffff;
	v13 =	vunpack.i.l.bf16.f32 v8  }
0x39: {  	v14 =	vunpack.i.l.bf16.f32 v4;
	[tilespmem:v11+s16+$0x0] =	vst.idx.add.f32.msk $0xffff, v13  }
0x3a: {  	v8 =	vunpack.i.u.bf16.f32 v8;
	[tilespmem:v11+s17+$0x0] =	vst.idx.add.f32.msk $0xffff, v14  }
0x3b: {  	v4 =	vunpack.i.u.bf16.f32 v4;
	[tilespmem:v11+s18+$0x0] =	vst.idx.add.f32.msk $0xffff, v8  }
0x3c: {  	v63 =	vshrl.u32 v5, $0x10;
	v5 =	vunpack.i.l.bf16.f32 v10;
	[tilespmem:v11+s19+$0x0] =	vst.idx.add.f32.msk $0xffff, v4  }
0x3d: {  	v4 =	vunpack.i.l.bf16.f32 v6;
	[tilespmem:v2+s16+$0x0] =	vst.idx.add.f32.msk $0xffff, v5  }
0x3e: {  	v5 =	vunpack.i.u.bf16.f32 v10;
	[tilespmem:v2+s17+$0x0] =	vst.idx.add.f32.msk $0xffff, v4  }
0x3f: {  	v4 =	vunpack.i.u.bf16.f32 v6;
	[tilespmem:v2+s18+$0x0] =	vst.idx.add.f32.msk $0xffff, v5  }
0x40: {  	v3 =	vshrl.u32 v3, $0x10;
	v5 =	vunpack.i.l.bf16.f32 v12;
	[tilespmem:v2+s19+$0x0] =	vst.idx.add.f32.msk $0xffff, v4  }
0x41: {  	v2 =	vunpack.i.l.bf16.f32 v9;
	[tilespmem:v63+s16+$0x0] =	vst.idx.add.f32.msk $0xffff, v5  }
0x42: {  	v4 =	vunpack.i.u.bf16.f32 v12;
	[tilespmem:v63+s17+$0x0] =	vst.idx.add.f32.msk $0xffff, v2  }
0x43: {  	v6 =	vunpack.i.u.bf16.f32 v9;
	[tilespmem:v63+s18+$0x0] =	vst.idx.add.f32.msk $0xffff, v4  }
0x44: {  	s25 =	simm.s32 $0x100;
	v5 =	vunpack.i.l.bf16.f32 v7;
	v2 =	vunpack.i.u.bf16.f32 v7;
	v4 =	vunpack.i.l.bf16.f32 v1;
	[tilespmem:v63+s19+$0x0] =	vst.idx.add.f32.msk $0xffff, v6  }
.LBB2_5:
0x45: {  	p0 =	sne.s32 s25, $0xF900;
	[tilespmem:v3+s16+$0x0] =	vst.idx.add.f32.msk $0xffff, v5;
	s26 =	smov.u32 s25;
	s25 =	sadd.s32 $0x100, s25  }
0x46: {  	v1 =	vunpack.i.u.bf16.f32 v1;
	s26 =	sshra.s32 s26, $0x2;
	[tilespmem:v3+s17+$0x0] =	vst.idx.add.f32.msk $0xffff, v4  }
0x47: {  	[tilespmem:v3+s18+$0x0] =	vst.idx.add.f32.msk $0xffff, v2  }
0x48: {  	[tilespmem:v3+s19+$0x0] =	vst.idx.add.f32.msk $0xffff, v1  }
0x49: {  	v1 =	vld [tilespmem:s26+$0xEA60];
	_ =	sdelay $0x1  }
0x4a: {  	v2 =	vld [tilespmem:s26+$0xEA70]  }
0x4b: {  	v3 =	vld [tilespmem:s26+$0xEA90]  }
0x4c: {  	v4 =	vld [tilespmem:s26+$0xEA80]  }
0x4d: {  	v5 =	vand.u32 $0xFFFF, v1;
	_ =	sdelay $0x1  }
0x4e: {  	v6 =	vand.u32 $0xFFFF, v2  }
0x4f: {  	v7 =	vand.u32 $0xFFFF, v3  }
0x50: {  	v8 =	vand.u32 $0xFFFF, v4  }
0x51: {  	v9 =	vld.idx.msk [tilespmem:v5+s2+$0x0], $0xffff  }
0x52: {  	v5 =	vld.idx.msk [tilespmem:v5+s13+$0x0], $0xffff  }
0x53: {  	v10 =	vshrl.u32 v1, $0x10;
	v11 =	vld.idx.msk [tilespmem:v6+s2+$0x0], $0xffff  }
0x54: {  	v1 =	vld.idx.msk [tilespmem:v7+s13+$0x0], $0xffff  }
0x55: {  	v7 =	vld.idx.msk [tilespmem:v7+s2+$0x0], $0xffff  }
0x56: {  	v6 =	vld.idx.msk [tilespmem:v6+s13+$0x0], $0xffff  }
0x57: {  	v12 =	vshrl.u32 v2, $0x10;
	v2 =	vunpack.i.l.bf16.f32 v9;
	v13 =	vld.idx.msk [tilespmem:v8+s2+$0x0], $0xffff  }
0x58: {  	v14 =	vunpack.i.l.bf16.f32 v5;
	v8 =	vld.idx.msk [tilespmem:v8+s13+$0x0], $0xffff  }
0x59: {  	v9 =	vunpack.i.u.bf16.f32 v9;
	[tilespmem:v10+s16+$0x0] =	vst.idx.add.f32.msk $0xffff, v2  }
0x5a: {  	v5 =	vunpack.i.u.bf16.f32 v5;
	[tilespmem:v10+s17+$0x0] =	vst.idx.add.f32.msk $0xffff, v14  }
0x5b: {  	v4 =	vshrl.u32 v4, $0x10;
	v2 =	vunpack.i.u.bf16.f32 v7;
	[tilespmem:v10+s18+$0x0] =	vst.idx.add.f32.msk $0xffff, v9;
	v9 =	vunpack.i.l.bf16.f32 v11  }
0x5c: {  	[tilespmem:v10+s19+$0x0] =	vst.idx.add.f32.msk $0xffff, v5;
	v5 =	vunpack.i.l.bf16.f32 v6  }
0x5d: {  	v10 =	vunpack.i.u.bf16.f32 v11;
	[tilespmem:v12+s16+$0x0] =	vst.idx.add.f32.msk $0xffff, v9  }
0x5e: {  	v6 =	vunpack.i.u.bf16.f32 v6;
	[tilespmem:v12+s17+$0x0] =	vst.idx.add.f32.msk $0xffff, v5  }
0x5f: {  	v3 =	vshrl.u32 v3, $0x10;
	v5 =	vunpack.i.l.bf16.f32 v13;
	[tilespmem:v12+s18+$0x0] =	vst.idx.add.f32.msk $0xffff, v10  }
.Ltmp1:
0x60: {  	[tilespmem:v12+s19+$0x0] =	vst.idx.add.f32.msk $0xffff, v6;
	v6 =	vunpack.i.l.bf16.f32 v8;
	(pc) =	sbr.rel @p0 .LBB2_5-.Ltmp1, $4  }
0x61: {  	v9 =	vunpack.i.u.bf16.f32 v13;
	[tilespmem:v4+s16+$0x0] =	vst.idx.add.f32.msk $0xffff, v5  }
0x62: {  	v8 =	vunpack.i.u.bf16.f32 v8;
	[tilespmem:v4+s17+$0x0] =	vst.idx.add.f32.msk $0xffff, v6  }
0x63: {  	v5 =	vunpack.i.l.bf16.f32 v7;
	[tilespmem:v4+s18+$0x0] =	vst.idx.add.f32.msk $0xffff, v9  }
0x64: {  	[tilespmem:v4+s19+$0x0] =	vst.idx.add.f32.msk $0xffff, v8;
	v4 =	vunpack.i.l.bf16.f32 v1  }
0x65: {  	_ =	sdelay $0x3  }
0x66: {  	[tilespmem:v3+s16+$0x0] =	vst.idx.add.f32.msk $0xffff, v5;
	p0 =	seq.s32 s23, $0x9  }
0x67: {  	[tilespmem:v3+s17+$0x0] =	vst.idx.add.f32.msk $0xffff, v4;
	s24 =	sshrl.u32 @!p0 s24, $0x3  }
0x68: {  	v1 =	vunpack.i.u.bf16.f32 v1;
	[tilespmem:v3+s18+$0x0] =	vst.idx.add.f32.msk $0xffff, v2;
	s24 =	sadd.s32 @!p0 s3, s24  }
0x69: {  	s25 =	simm.s32 @!p0 $0x0;
	s26 =	simm.s32 @!p0 $0xEA60;
	[tilespmem:v3+s19+$0x0] =	vst.idx.add.f32.msk $0xffff, v1;
	s24 =	sadd.s32 @!p0 $0xFA0, s24  }
0x6a: {  	[tilespmem:s26], [sflag:$0x1] =	stream.linear.gather @!p0 [hbm4b:s24+s25], $0x3E80, $0x38;
	[tilespmem:$0x16760] =	vst v63  }
0x6b: {  	_ =	swait.ge [sflag:s20], $0x3E80  }
0x6c: {  	[sflag:s20] =	ssyncset.done $0x0  }
0x6d: {  	s31 =	simm.s32 $0x0;
	[sflag:s20] =	ssyncadd.s32 $0xFFFFC180  }
0x6e: {  	v1 =	vld [tilespmem:s31+$0x128E0];
	_ =	sdelay $0x1  }
0x6f: {  	v2 =	vld [tilespmem:s31+$0x128F0]  }
0x70: {  	v3 =	vld [tilespmem:s31+$0x12910];
	_ =	sdelay $0x1  }
0x71: {  	v4 =	vand.u32 $0xFFFF, v1  }
0x72: {  	v5 =	vld [tilespmem:s31+$0x12900]  }
0x73: {  	v6 =	vand.u32 $0xFFFF, v2  }
0x74: {  	v7 =	vand.u32 $0xFFFF, v3;
	_ =	sdelay $0x1  }
0x75: {  	v8 =	vld.idx.msk [tilespmem:v4+s2+$0x0], $0xffff  }
0x76: {  	v9 =	vand.u32 $0xFFFF, v5;
	v4 =	vld.idx.msk [tilespmem:v4+s13+$0x0], $0xffff  }
0x77: {  	v10 =	vld.idx.msk [tilespmem:v6+s2+$0x0], $0xffff  }
0x78: {  	v11 =	vshrl.u32 v1, $0x10;
	v1 =	vld.idx.msk [tilespmem:v7+s13+$0x0], $0xffff  }
0x79: {  	v7 =	vld.idx.msk [tilespmem:v7+s2+$0x0], $0xffff  }
0x7a: {  	v6 =	vld.idx.msk [tilespmem:v6+s13+$0x0], $0xffff  }
0x7b: {  	v12 =	vld.idx.msk [tilespmem:v9+s2+$0x0], $0xffff  }
0x7c: {  	v2 =	vshrl.u32 v2, $0x10;
	v9 =	vld.idx.msk [tilespmem:v9+s13+$0x0], $0xffff;
	v13 =	vunpack.i.l.bf16.f32 v8  }
0x7d: {  	v14 =	vunpack.i.l.bf16.f32 v4;
	[tilespmem:v11+s16+$0x0] =	vst.idx.add.f32.msk $0xffff, v13  }
0x7e: {  	v8 =	vunpack.i.u.bf16.f32 v8;
	[tilespmem:v11+s17+$0x0] =	vst.idx.add.f32.msk $0xffff, v14  }
0x7f: {  	v4 =	vunpack.i.u.bf16.f32 v4;
	[tilespmem:v11+s18+$0x0] =	vst.idx.add.f32.msk $0xffff, v8  }
0x80: {  	v63 =	vshrl.u32 v5, $0x10;
	v5 =	vunpack.i.l.bf16.f32 v10;
	[tilespmem:v11+s19+$0x0] =	vst.idx.add.f32.msk $0xffff, v4  }
0x81: {  	v4 =	vunpack.i.l.bf16.f32 v6;
	[tilespmem:v2+s16+$0x0] =	vst.idx.add.f32.msk $0xffff, v5  }
0x82: {  	v5 =	vunpack.i.u.bf16.f32 v10;
	[tilespmem:v2+s17+$0x0] =	vst.idx.add.f32.msk $0xffff, v4  }
0x83: {  	v4 =	vunpack.i.u.bf16.f32 v6;
	[tilespmem:v2+s18+$0x0] =	vst.idx.add.f32.msk $0xffff, v5  }
0x84: {  	v3 =	vshrl.u32 v3, $0x10;
	v5 =	vunpack.i.l.bf16.f32 v12;
	[tilespmem:v2+s19+$0x0] =	vst.idx.add.f32.msk $0xffff, v4  }
0x85: {  	v2 =	vunpack.i.l.bf16.f32 v9;
	[tilespmem:v63+s16+$0x0] =	vst.idx.add.f32.msk $0xffff, v5  }
0x86: {  	v4 =	vunpack.i.u.bf16.f32 v12;
	[tilespmem:v63+s17+$0x0] =	vst.idx.add.f32.msk $0xffff, v2  }
0x87: {  	v6 =	vunpack.i.u.bf16.f32 v9;
	[tilespmem:v63+s18+$0x0] =	vst.idx.add.f32.msk $0xffff, v4  }
0x88: {  	s24 =	simm.s32 $0x100;
	v5 =	vunpack.i.l.bf16.f32 v7;
	v2 =	vunpack.i.u.bf16.f32 v7;
	v4 =	vunpack.i.l.bf16.f32 v1;
	[tilespmem:v63+s19+$0x0] =	vst.idx.add.f32.msk $0xffff, v6  }
.LBB2_7:
0x89: {  	p0 =	sne.s32 s24, $0xF900;
	[tilespmem:v3+s16+$0x0] =	vst.idx.add.f32.msk $0xffff, v5;
	s25 =	smov.u32 s24;
	s24 =	sadd.s32 $0x100, s24  }
0x8a: {  	v1 =	vunpack.i.u.bf16.f32 v1;
	s25 =	sshra.s32 s25, $0x2;
	[tilespmem:v3+s17+$0x0] =	vst.idx.add.f32.msk $0xffff, v4  }
0x8b: {  	[tilespmem:v3+s18+$0x0] =	vst.idx.add.f32.msk $0xffff, v2  }
0x8c: {  	[tilespmem:v3+s19+$0x0] =	vst.idx.add.f32.msk $0xffff, v1  }
0x8d: {  	v1 =	vld [tilespmem:s25+$0x128E0];
	_ =	sdelay $0x1  }
0x8e: {  	v2 =	vld [tilespmem:s25+$0x128F0]  }
0x8f: {  	v3 =	vld [tilespmem:s25+$0x12910]  }
0x90: {  	v4 =	vld [tilespmem:s25+$0x12900]  }
0x91: {  	v5 =	vand.u32 $0xFFFF, v1;
	_ =	sdelay $0x1  }
0x92: {  	v6 =	vand.u32 $0xFFFF, v2  }
0x93: {  	v7 =	vand.u32 $0xFFFF, v3  }
0x94: {  	v8 =	vand.u32 $0xFFFF, v4  }
0x95: {  	v9 =	vld.idx.msk [tilespmem:v5+s2+$0x0], $0xffff  }
0x96: {  	v5 =	vld.idx.msk [tilespmem:v5+s13+$0x0], $0xffff  }
0x97: {  	v10 =	vshrl.u32 v1, $0x10;
	v11 =	vld.idx.msk [tilespmem:v6+s2+$0x0], $0xffff  }
0x98: {  	v1 =	vld.idx.msk [tilespmem:v7+s13+$0x0], $0xffff  }
0x99: {  	v7 =	vld.idx.msk [tilespmem:v7+s2+$0x0], $0xffff  }
0x9a: {  	v6 =	vld.idx.msk [tilespmem:v6+s13+$0x0], $0xffff  }
0x9b: {  	v12 =	vshrl.u32 v2, $0x10;
	v2 =	vunpack.i.l.bf16.f32 v9;
	v13 =	vld.idx.msk [tilespmem:v8+s2+$0x0], $0xffff  }
0x9c: {  	v14 =	vunpack.i.l.bf16.f32 v5;
	v8 =	vld.idx.msk [tilespmem:v8+s13+$0x0], $0xffff  }
0x9d: {  	v9 =	vunpack.i.u.bf16.f32 v9;
	[tilespmem:v10+s16+$0x0] =	vst.idx.add.f32.msk $0xffff, v2  }
0x9e: {  	v5 =	vunpack.i.u.bf16.f32 v5;
	[tilespmem:v10+s17+$0x0] =	vst.idx.add.f32.msk $0xffff, v14  }
0x9f: {  	v4 =	vshrl.u32 v4, $0x10;
	v2 =	vunpack.i.u.bf16.f32 v7;
	[tilespmem:v10+s18+$0x0] =	vst.idx.add.f32.msk $0xffff, v9;
	v9 =	vunpack.i.l.bf16.f32 v11  }
0xa0: {  	[tilespmem:v10+s19+$0x0] =	vst.idx.add.f32.msk $0xffff, v5;
	v5 =	vunpack.i.l.bf16.f32 v6  }
0xa1: {  	v10 =	vunpack.i.u.bf16.f32 v11;
	[tilespmem:v12+s16+$0x0] =	vst.idx.add.f32.msk $0xffff, v9  }
0xa2: {  	v6 =	vunpack.i.u.bf16.f32 v6;
	[tilespmem:v12+s17+$0x0] =	vst.idx.add.f32.msk $0xffff, v5  }
0xa3: {  	v3 =	vshrl.u32 v3, $0x10;
	v5 =	vunpack.i.l.bf16.f32 v13;
	[tilespmem:v12+s18+$0x0] =	vst.idx.add.f32.msk $0xffff, v10  }
.Ltmp2:
0xa4: {  	[tilespmem:v12+s19+$0x0] =	vst.idx.add.f32.msk $0xffff, v6;
	v6 =	vunpack.i.l.bf16.f32 v8;
	(pc) =	sbr.rel @p0 .LBB2_7-.Ltmp2, $4  }
0xa5: {  	v9 =	vunpack.i.u.bf16.f32 v13;
	[tilespmem:v4+s16+$0x0] =	vst.idx.add.f32.msk $0xffff, v5  }
0xa6: {  	v8 =	vunpack.i.u.bf16.f32 v8;
	[tilespmem:v4+s17+$0x0] =	vst.idx.add.f32.msk $0xffff, v6  }
0xa7: {  	v5 =	vunpack.i.l.bf16.f32 v7;
	[tilespmem:v4+s18+$0x0] =	vst.idx.add.f32.msk $0xffff, v9  }
0xa8: {  	[tilespmem:v4+s19+$0x0] =	vst.idx.add.f32.msk $0xffff, v8;
	v4 =	vunpack.i.l.bf16.f32 v1  }
0xa9: {  	_ = 	snop  }
0xaa: {  	s23 =	sadd.s32 $0x1, s23  }
0xab: {  	p0 =	sne.s32 s23, $0xA  }
.Ltmp3:
0xac: {  	_ = 	snop;
	(pc) =	sbr.rel @p0 .LBB2_4-.Ltmp3, $4  }
0xad: {  	[tilespmem:v3+s16+$0x0] =	vst.idx.add.f32.msk $0xffff, v5  }
0xae: {  	[tilespmem:v3+s17+$0x0] =	vst.idx.add.f32.msk $0xffff, v4  }
0xaf: {  	v1 =	vunpack.i.u.bf16.f32 v1;
	[tilespmem:v3+s18+$0x0] =	vst.idx.add.f32.msk $0xffff, v2  }
0xb0: {  	[tilespmem:v3+s19+$0x0] =	vst.idx.add.f32.msk $0xffff, v1  }
0xb1: {  	[hbm4b:s6+s2] =	stream.linear.scatter [tilespmem:s16], [sflag:$0x3], $0x2710, $0x38;
	[tilespmem:$0x16760] =	vst v63  }
0xb2: {  	_ =	swait.ge [sflag:s12], $0x2710  }
0xb3: {  	[sflag:s12] =	ssyncset.done $0x0  }
0xb4: {  	[sflag:s12] =	ssyncadd.s32 $0xFFFFD8F0  }
0xb5: {  	[hbm4b:s7+s2] =	stream.linear.scatter [tilespmem:s17], [sflag:$0x3], $0x2710, $0x38;
	[tilespmem:$0x16760] =	vst v63  }
0xb6: {  	_ =	swait.ge [sflag:s12], $0x2710  }
0xb7: {  	[sflag:s12] =	ssyncset.done $0x0  }
0xb8: {  	[sflag:s12] =	ssyncadd.s32 $0xFFFFD8F0  }
0xb9: {  	[hbm4b:s8+s2] =	stream.linear.scatter [tilespmem:s18], [sflag:$0x3], $0x2710, $0x38;
	[tilespmem:$0x16760] =	vst v63  }
0xba: {  	s21 =	sadd.s32 $0x1, s21;
	_ =	swait.ge [sflag:s12], $0x2710  }
0xbb: {  	p0 =	sne.s32 s21, s10;
	[sflag:s12] =	ssyncset.done $0x0  }
.Ltmp4:
0xbc: {  	[sflag:s12] =	ssyncadd.s32 $0xFFFFD8F0;
	(pc) =	sbr.rel @p0 .LBB2_1-.Ltmp4, $4  }
0xbd: {  	[hbm4b:s9+s2] =	stream.linear.scatter [tilespmem:s19], [sflag:$0x3], $0x2710, $0x38;
	[tilespmem:$0x16760] =	vst v63  }
0xbe: {  	_ =	swait.ge [sflag:s12], $0x2710  }
0xbf: {  	[sflag:s12] =	ssyncset.done $0x0  }
0xc0: {  	[sflag:s12] =	ssyncadd.s32 $0xFFFFD8F0  }
0xc1: {  	_ =	sfence.sel $0x180000  }
0xc2: {  	[bflag:$0x0] =	sbarrier.arrive $0xFFFF  }
0xc3: {  	p0 =	sne.s32 s1, $0x0;
	_ =	strace $0x9000004D  }
0xc4: {  	s0 =	sadd.s32 @!p0 $0x100000, s0;
	[bflag:$0x2] =	sbarrier.arrive $0xFFFF  }
0xc5: {  	[sflag:s0] =	ssyncadd.tile.s32 @!p0 $0x1;
	_ =	shalt  }
.Lfunc_end2:
_tile_overlayer_lowered:
.L_overlay_start_2:
0xc6: {  	(tag) =	ssettag $0x2  }
0xc7: {  	s0 =	rddreg [dreg:$0x0];
	s2 =	stileid.u32  }
0xc8: {  	s1 =	rddreg [dreg:$0x1];
	p0 =	sne.s32 s2, $0x0  }
0xc9: {  	s3 =	rddreg [dreg:$0x2];
	[bflag:$0x3] =	sbarrier.arrive $0xFFFF;
	s2 =	simm.s32 @!p0 $0x1C03  }
0xca: {  	[timem:s3], [sflag:s2] =	dma.local @!p0 [hbm:s0], s1  }
0xcb: {  	s0 =	simm.s32 @!p0 $0x3  }
0xcc: {  	_ =	swait.ge @!p0 [sflag:s0], s1  }
0xcd: {  	s1 =	ssub.s32 @!p0 $0x0, s1;
	[sflag:s0] =	ssyncset.done @!p0 $0x0  }
0xce: {  	[sflag:s0] =	ssyncadd.s32 @!p0 s1  }
0xcf: {  	[bflag:$0x3] =	sbarrier.arrive $0xFFFF  }
0xd0: {  	_ =	shalt  }

// kernel: kernel.20.cloned.1.call-start
scs
__scs_entry_jumppad:
0x0: {  	(pc) =	sbr.rel $0x88, $3  }
0x1: {  	(tag) =	ssettag $0x0;
	lr =	simm.s32 $0x1  }
0x2: {  	[smem:$0x3F92] =	sst lr;
	_ =	strace $0xD0000000  }
0x3: {  	_ = 	snop  }
0x4: {  	_ = 	snop  }
0x5: {  	_ = 	snop  }
0x6: {  	_ = 	snop  }
0x7: {  	_ = 	snop  }
__scs_overlays_trampoline_lowered:
0x8: {  	[smem:$0x3FA1] =	sst s0  }
0x9: {  	[smem:$0x3FA2] =	sst s1  }
0xa: {  	[smem:$0x3FA3] =	sst s2  }
0xb: {  	[smem:$0x3FA4] =	sst s3  }
0xc: {  	[smem:$0x3FA5] =	sst s4  }
0xd: {  	[smem:$0x3FA6] =	sst s5  }
0xe: {  	[smem:$0x3FA7] =	sst s6  }
0xf: {  	[smem:$0x3FA8] =	sst s7  }
0x10: {  	[smem:$0x3FA9] =	sst s8  }
0x11: {  	[smem:$0x3FAA] =	sst s9;
	s0 =	simm.s32 @!p0 $0x0  }
0x12: {  	s1 =	sld [smem:$0x3F90];
	s0 =	simm.s32 @p0 $0x1  }
0x13: {  	[smem:$0x3FAB] =	sst s0;
	s0 =	simm.s32 @!p1 $0x0  }
0x14: {  	s2 =	sld [smem:$0x3F8F];
	s0 =	simm.s32 @p1 $0x1  }
0x15: {  	[smem:$0x3FAC] =	sst s0;
	s0 =	simm.s32 @!p2 $0x0  }
0x16: {  	s3 =	sld [smem:$0x3FDB];
	s0 =	simm.s32 @p2 $0x1  }
0x17: {  	s4 =	simm.s32 $0x1BF5;
	[smem:$0x3FAE] =	sst s0  }
0x18: {  	s0 =	sld [smem:$0x3F91];
	_ =	swait.ge [sflag:s4], $0x0  }
0x19: {  	s7 =	sld [smem:$0x3F92]  }
0x1a: {  	s8 =	sadd.s32 $0xFFFFE003, lr  }
0x1b: {  	s9 =	sadd.s32 $0xFFFFFEF7, lr;
	s5 =	simm.s32 $0xFFFFFFFF;
	p2 =	slt.u32 s8, $0xFFFFF086  }
0x1c: {  	p1 =	slt.u32 s9, $0xF7A;
	s5 =	simm.s32 @!p2 $0x0  }
0x1d: {  	s5 =	simm.s32 @p1 $0x1;
	p0 =	seq.s32 s7, s2  }
0x1e: {  	s7 =	smul.u32 @!p0 $0xF7A, s2;
	p2 =	seq.s32 @!p0 s5, $0x0  }
0x1f: {  	s9 =	smul.u32 $0xF7A, s1;
	s8 =	simm.s32 @!p0 $0x1BF5;
	p2 =	por !p2, p0  }
0x20: {  	[sflag:s8] =	ssyncset.s32 @!p0 $0xFFFFF086;
	s6 =	sadd.s32 @!p0 s3, s7;
	s7 =	simm.s32 @!p0 $0x108  }
0x21: {  	s3 =	sadd.s32 s3, s9;
	s6 =	sadd.s32 @!p0 $0x88, s6;
	s7 =	simm.s32 @p2 $0x1082  }
0x22: {  	[simem:s7], [sflag:s8] =	dma.local @!p0 [hbm:s6], $0xF7A  }
0x23: {  	s9 =	sor.u32 $0xD0000000, s2;
	s6 =	simm.s32 $0x108;
	_ =	swait.ge @!p0 [sflag:s8], $0x0  }
0x24: {  	s3 =	sadd.s32 $0x88, s3;
	s6 =	simm.s32 @!p1 $0x1082;
	[sflag:s4] =	ssyncset.s32 $0xFFFFF086  }
0x25: {  	[simem:s6], [sflag:s4] =	dma.local [hbm:s3], $0xF7A  }
0x26: {  	[smem:$0x3F92] =	sst s1;
	(tag) =	ssettag s2;
	_ =	strace s9  }
0x27: {  	s1 =	sld [smem:$0x3FA2]  }
0x28: {  	s2 =	sld [smem:$0x3FA3]  }
0x29: {  	s4 =	sld [smem:$0x3FA5]  }
0x2a: {  	p0 =	seq.s32 s5, $0x0;
	s5 =	sld [smem:$0x3FA6]  }
0x2b: {  	s6 =	sld [smem:$0x3FA7]  }
0x2c: {  	s7 =	sld [smem:$0x3FA8]  }
0x2d: {  	s3 =	simm.s32 $0x108;
	s8 =	sld [smem:$0x3FA9]  }
0x2e: {  	s3 =	simm.s32 @!p0 $0x1082;
	s9 =	sld [smem:$0x3FAA]  }
0x2f: {  	lr =	sadd.s32 s0, s3;
	s0 =	sld [smem:$0x3FA1]  }
0x30: {  	s3 =	sld [smem:$0x3FA4]  }
0x31: {  	[smem:$0x3FAD] =	sst s10  }
0x32: {  	s10 =	sld [smem:$0x3FAB];
	_ =	sdelay $0x3  }
0x33: {  	p0 =	seq.s32 s10, $0x1;
	s10 =	sld [smem:$0x3FAD];
	_ =	sdelay $0x3  }
0x34: {  	[smem:$0x3FAD] =	sst s10  }
0x35: {  	s10 =	sld [smem:$0x3FAC];
	_ =	sdelay $0x3  }
0x36: {  	p1 =	seq.s32 s10, $0x1;
	s10 =	sld [smem:$0x3FAD];
	_ =	sdelay $0x3  }
0x37: {  	[smem:$0x3FAD] =	sst s10  }
0x38: {  	s10 =	sld [smem:$0x3FAE]  }
0x39: {  	_ = 	snop;
	(pc) =	sbr.ind lr, $3  }
0x3a: {  	_ = 	snop  }
0x3b: {  	_ = 	snop  }
0x3c: {  	p2 =	seq.s32 s10, $0x1;
	s10 =	sld [smem:$0x3FAD]  }
0x3d: {  	_ =	shalt  }
0x3e: {  	_ =	shalt  }
0x3f: {  	_ =	shalt  }
0x40: {  	_ =	shalt  }
0x41: {  	_ =	shalt  }
0x42: {  	_ =	shalt  }
0x43: {  	_ =	shalt  }
0x44: {  	_ =	shalt  }
0x45: {  	_ =	shalt  }
0x46: {  	_ =	shalt  }
0x47: {  	_ =	shalt  }
0x48: {  	_ =	shalt  }
0x49: {  	_ =	shalt  }
0x4a: {  	_ =	shalt  }
0x4b: {  	_ =	shalt  }
0x4c: {  	_ =	shalt  }
0x4d: {  	_ =	shalt  }
0x4e: {  	_ =	shalt  }
0x4f: {  	_ =	shalt  }
0x50: {  	_ =	shalt  }
0x51: {  	_ =	shalt  }
0x52: {  	_ =	shalt  }
0x53: {  	_ =	shalt  }
0x54: {  	_ =	shalt  }
0x55: {  	_ =	shalt  }
0x56: {  	_ =	shalt  }
0x57: {  	_ =	shalt  }
0x58: {  	_ =	shalt  }
0x59: {  	_ =	shalt  }
0x5a: {  	_ =	shalt  }
0x5b: {  	_ =	shalt  }
0x5c: {  	_ =	shalt  }
0x5d: {  	_ =	shalt  }
0x5e: {  	_ =	shalt  }
0x5f: {  	_ =	shalt  }
0x60: {  	_ =	shalt  }
0x61: {  	_ =	shalt  }
0x62: {  	_ =	shalt  }
0x63: {  	_ =	shalt  }
0x64: {  	_ =	shalt  }
0x65: {  	_ =	shalt  }
0x66: {  	_ =	shalt  }
0x67: {  	_ =	shalt  }
0x68: {  	_ =	shalt  }
0x69: {  	_ =	shalt  }
0x6a: {  	_ =	shalt  }
0x6b: {  	_ =	shalt  }
0x6c: {  	_ =	shalt  }
0x6d: {  	_ =	shalt  }
0x6e: {  	_ =	shalt  }
0x6f: {  	_ =	shalt  }
0x70: {  	_ =	shalt  }
0x71: {  	_ =	shalt  }
0x72: {  	_ =	shalt  }
0x73: {  	_ =	shalt  }
0x74: {  	_ =	shalt  }
0x75: {  	_ =	shalt  }
0x76: {  	_ =	shalt  }
0x77: {  	_ =	shalt  }
0x78: {  	_ =	shalt  }
0x79: {  	_ =	shalt  }
0x7a: {  	_ =	shalt  }
0x7b: {  	_ =	shalt  }
0x7c: {  	_ =	shalt  }
0x7d: {  	_ =	shalt  }
0x7e: {  	_ =	shalt  }
0x7f: {  	_ =	shalt  }
0x80: {  	_ =	shalt  }
0x81: {  	_ =	shalt  }
0x82: {  	_ =	shalt  }
0x83: {  	_ =	shalt  }
0x84: {  	_ =	shalt  }
0x85: {  	_ =	shalt  }
0x86: {  	_ =	shalt  }
0x87: {  	_ =	shalt  }
.Lfunc_end0:
.L_simem_size_0:
called_computation.3_lowered:
.L_overlay_start_0:
0x88: {  	s2 =	sld [smem:$0x3FD9]  }
0x89: {  	s3 =	sld [smem:$0x3FFE];
	_ =	sdelay $0x1  }
0x8a: {  	s1 =	srdreg.scid  }
0x8b: {  	s0 =	sand.u32 $0x1, s1  }
0x8c: {  	s14 =	sshll.u32 s0, $0xA;
	s2 =	sadd.s32 s3, s2  }
0x8d: {  	s2 =	sadd.s32 s2, s14  }
0x8e: {  	[smem:$0x3FB9] =	sst s2  }
0x8f: {  	_ = 	snop  }
0x90: {  	s2 =	sld [smem:$0x3FD0];
	_ =	sdelay $0x2  }
0x91: {  	s15 =	simm.s32 $0xA;
	s4 =	simm.s32 $0x10  }
0x92: {  	[smem:s4], [sflag:s15] =	dma.local [hbm:s2], $0x1  }
0x93: {  	_ =	swait.eq [sflag:s15], $0x1  }
0x94: {  	[sflag:s15] =	ssyncset.done $0x0  }
0x95: {  	[sflag:s15] =	ssyncadd.s32 $0xFFFFFFFF  }
0x96: {  	s16 =	sld [smem:$0x10];
	(tm) =	ssettm $0x1  }
0x97: {  	s17 =	sld [smem:$0x3FFB];
	_ =	sdelay $0x3  }
0x98: {  	_ =	strace s17  }
0x99: {  	s3 =	sld [smem:$0x3FFC];
	_ =	sdelay $0x3  }
0x9a: {  	_ =	strace s3  }
0x9b: {  	s3 =	sld [smem:$0x3FFD];
	_ =	sdelay $0x3  }
0x9c: {  	_ =	strace s3  }
0x9d: {  	_ =	strace $0x8FFFFFFF  }
0x9e: {  	s18 =	sld [smem:$0x3FDB];
	_ =	sdelay $0x1  }
0x9f: {  	s19 =	simm.s32 $_scs_section_size  }
0xa0: {  	s5 =	simm.s32 $_size__tile_overlayer_lowered;
	s6 =	simm.s32 $_tile_overlayer_lowered  }
0xa1: {  	s22 =	simm.s32 $0x1BFF;
	s21 =	sshll.u32 s6, $0x1;
	s3 =	sadd.s32 s19, s18  }
0xa2: {  	s7 =	simm.s32 $0x0;
	s20 =	sshll.u32 s5, $0x1;
	s5 =	sadd.s32 s21, s3  }
0xa3: {  	[timem:s7], [sflag:s22] =	dma.local [hbm:s5], s20  }
0xa4: {  	_ =	swait.ge [sflag:s22], s20  }
0xa5: {  	s4 =	ssub.s32 $0x0, s20;
	[sflag:s22] =	ssyncset.done $0x0  }
0xa6: {  	[sflag:s22] =	ssyncadd.s32 s4;
	_ =	sdelay $0x1  }
0xa7: {  	s23 =	simm.s32 $0x1B8B  }
0xa8: {  	_ =	swait.ge [sflag:s23], $0x1  }
0xa9: {  	[sflag:s23] =	ssyncset.done $0x0  }
0xaa: {  	s25 =	simm.s32 $0x1B8E;
	s24 =	sld [smem:$0x3FFE];
	[sflag:s23] =	ssyncadd.s32 $0xFFFFFFFF  }
0xab: {  	s26 =	simm.s32 $execute0_lowered;
	[smem:$0x3FD2] =	sst s25  }
0xac: {  	s5 =	sshll.u32 s26, $0x1;
	_ =	strace $0x8000004F;
	[dreg:$0x1] =	wrdreg $0xFFFFFFFF  }
0xad: {  	s28 =	simm.s32 $_size_execute0_lowered;
	s3 =	sadd.s32 s3, s5;
	[dreg:$0x0] =	wrdreg $0x0  }
0xae: {  	s5 =	sshll.u32 s28, $0x1;
	[dreg:$0x2] =	wrdreg s3  }
0xaf: {  	[dreg:$0x3] =	wrdreg s5  }
0xb0: {  	[dreg:$0x4] =	wrdreg $0xC0  }
0xb1: {  	_ =	task [dreg:s7], $0x5FFFF  }
0xb2: {  	[dreg:$0x1] =	wrdreg $0xFFFFFFFF  }
0xb3: {  	[dreg:$0x0] =	wrdreg $0x60  }
0xb4: {  	[dreg:$0x2] =	wrdreg s16  }
0xb5: {  	[dreg:$0x3] =	wrdreg s24  }
0xb6: {  	[dreg:$0x4] =	wrdreg $0x9  }
0xb7: {  	_ =	task.clear_ibuf [dreg:s7], $0x5FFFF;
	_ =	strace $0x9000004F  }
0xb8: {  	s29 =	simm.s32 $0x9;
	_ =	strace $0x80000051  }
0xb9: {  	_ =	swait.ge [sflag:s29], $0x1  }
0xba: {  	[sflag:s29] =	ssyncadd.s32 $0xFFFFFFFF  }
0xbb: {  	_ =	strace $0x90000051  }
0xbc: {  	_ =	sfence  }
0xbd: {  	s30 =	sld [smem:$0x0];
	_ =	sdelay $0x2  }
0xbe: {  	s31 =	sshll.u32 s1, $0xD;
	s1 =	sshrl.u32 s1, $0x2  }
0xbf: {  	s3 =	sand.u32 $0x4000, s31;
	s1 =	sadd.s32 s1, s30  }
0xc0: {  	s0 =	sor.u32 s3, s0;
	s1 =	sshll.u32 s1, $0x11  }
0xc1: {  	s0 =	sor.u32 s1, s0  }
0xc2: {  	s0 =	sadd.s32 $0x8F2B, s0  }
0xc3: {  	[sflag:s0] =	ssyncadd.remote.s32 $0x1  }
0xc4: {  	_ =	sfence.sel $0xFFFF  }
0xc5: {  	[dreg:$0x0] =	wrdreg $0xFFFFFFFF;
	(pc) =	sbr.abs _section_cstart, $3  }
0xc6: {  	[dreg:$0x1] =	wrdreg $0xFFFFFFFF  }
0xc7: {  	_ =	task.clear_ibuf [dreg:s7], $0x2FFFF;
	_ =	strace $0x9FFFFFFF  }
0xc8: {  	(tm) =	ssettm $0x7FFFFFFF  }
0xc9: {  	_ =	shalt  }
tec
execute0_lowered:
.L_overlay_start_1:
0x0: {  	(tag) =	ssettag $0x1  }
0x1: {  	s1 =	rddreg [dreg:$0x0]  }
0x2: {  	s11 =	rddreg [dreg:$0x1]  }
0x3: {  	s0 =	rddreg [dreg:$0x2];
	s2 =	simm.s32 $0x0  }
0x4: {  	s3 =	srdreg.scid;
	s14 =	simm.s32 $0x1;
	s15 =	simm.s32 $0x7530  }
0x5: {  	s16 =	simm.s32 $0x2710;
	s17 =	simm.s32 $0x9C40;
	s18 =	simm.s32 $0x4E20  }
0x6: {  	s19 =	simm.s32 $0xC350;
	s20 =	simm.s32 $0xEA60;
	s21 =	simm.s32 $0xFDE8  }
0x7: {  	s22 =	simm.s32 $0x11170;
	s23 =	simm.s32 $0x0;
	[smem:$0x7FF] =	sst s2  }
0x8: {  	s4 =	sadd.s32 $0x47E00, s11;
	s5 =	sadd.s32 $0x3400, s11;
	s8 =	sand.u32 $0x1, s3  }
0x9: {  	s6 =	sadd.s32 $0xD200, s11;
	s3 =	stileid.u32;
	s7 =	sadd.s32 $0x17000, s11  }
0xa: {  	_ =	strace $0x80000050;
	s9 =	ssub.s32 $0x2, s8;
	s12 =	sshll.u32 s3, $0x1  }
0xb: {  	s10 =	sshrl.u32 s9, $0x1;
	s12 =	sor.u32 s8, s12;
	s8 =	sadd.s32 $0x4E2, s1  }
0xc: {  	s13 =	ssub.s32 s9, s10;
	s9 =	sadd.s32 $0x482E2, s11;
	s10 =	sadd.s32 $0x9C4, s1  }
0xd: {  	s11 =	sadd.s32 $0x487C4, s11;
	s12 =	smul.u32 $0x2710, s12;
	s13 =	smax.u32 s13, $0x1  }
.LBB2_1:
0xe: {  	[tilespmem:s2], [sflag:$0x1] =	stream.linear.gather [hbm4b:s1+s2], $0x2710, $0x38;
	[tilespmem:$0x124F8] =	vst v63  }
0xf: {  	_ =	swait.ge [sflag:s14], $0x2710  }
0x10: {  	[sflag:s14] =	ssyncset.done $0x0  }
0x11: {  	[sflag:s14] =	ssyncadd.s32 $0xFFFFD8F0  }
0x12: {  	[tilespmem:s15], [sflag:$0x1] =	stream.linear.gather [hbm4b:s4+s2], $0x2710, $0x38;
	[tilespmem:$0x124F8] =	vst v63  }
0x13: {  	_ =	swait.ge [sflag:s14], $0x2710  }
0x14: {  	[sflag:s14] =	ssyncset.done $0x0  }
0x15: {  	[sflag:s14] =	ssyncadd.s32 $0xFFFFD8F0  }
0x16: {  	[tilespmem:s16], [sflag:$0x1] =	stream.linear.gather [hbm4b:s8+s2], $0x2710, $0x38;
	[tilespmem:$0x124F8] =	vst v63  }
0x17: {  	_ =	swait.ge [sflag:s14], $0x2710  }
0x18: {  	[sflag:s14] =	ssyncset.done $0x0  }
0x19: {  	[sflag:s14] =	ssyncadd.s32 $0xFFFFD8F0  }
0x1a: {  	[tilespmem:s17], [sflag:$0x1] =	stream.linear.gather [hbm4b:s9+s2], $0x2710, $0x38;
	[tilespmem:$0x124F8] =	vst v63  }
0x1b: {  	_ =	swait.ge [sflag:s14], $0x2710  }
0x1c: {  	[sflag:s14] =	ssyncset.done $0x0  }
0x1d: {  	[sflag:s14] =	ssyncadd.s32 $0xFFFFD8F0  }
0x1e: {  	[tilespmem:s18], [sflag:$0x1] =	stream.linear.gather [hbm4b:s10+s2], $0x2710, $0x38;
	[tilespmem:$0x124F8] =	vst v63  }
0x1f: {  	_ =	swait.ge [sflag:s14], $0x2710  }
0x20: {  	[sflag:s14] =	ssyncset.done $0x0  }
0x21: {  	[sflag:s14] =	ssyncadd.s32 $0xFFFFD8F0  }
0x22: {  	[tilespmem:s19], [sflag:$0x1] =	stream.linear.gather [hbm4b:s11+s2], $0x2710, $0x38;
	[tilespmem:$0x124F8] =	vst v63  }
0x23: {  	_ =	swait.ge [sflag:s14], $0x2710  }
0x24: {  	[sflag:s14] =	ssyncset.done $0x0  }
0x25: {  	p1 =	por $0x1, $0x1;
	s24 =	simm.s32 $0x0;
	[sflag:s14] =	ssyncadd.s32 $0xFFFFD8F0  }
.LBB2_2:
0x26: {  	s24 =	sadd.s32 s12, s24  }
0x27: {  	s24 =	sshrl.u32 s24, $0x3  }
0x28: {  	s26 =	simm.s32 $0x0;
	s25 =	sadd.s32 s5, s24  }
0x29: {  	[tilespmem:s20], [sflag:$0x1] =	stream.linear.gather [hbm4b:s25+s26], $0x1388, $0x38;
	[tilespmem:$0x124F8] =	vst v63  }
0x2a: {  	_ =	swait.ge [sflag:s14], $0x1388  }
0x2b: {  	[sflag:s14] =	ssyncset.done $0x0  }
0x2c: {  	s25 =	simm.s32 $0x0;
	[sflag:s14] =	ssyncadd.s32 $0xFFFFEC78  }
0x2d: {  	v0 =	vld [tilespmem:s25+$0xEA60];
	_ =	sdelay $0x4  }
0x2e: {  	v1 =	vshrl.u32 v0, $0x10  }
0x2f: {  	v0 =	vand.u32 $0xFFFF, v0;
	_ =	sdelay $0x3  }
0x30: {  	v2 =	vld.idx.msk [tilespmem:v1+s2+$0x0], $0xffff  }
0x31: {  	v3 =	vld.idx.msk [tilespmem:v0+s19+$0x0], $0xffff  }
0x32: {  	v4 =	vld.idx.msk [tilespmem:v1+s19+$0x0], $0xffff  }
0x33: {  	v5 =	vld.idx.msk [tilespmem:v1+s17+$0x0], $0xffff  }
0x34: {  	v6 =	vld.idx.msk [tilespmem:v1+s16+$0x0], $0xffff  }
0x35: {  	v7 =	vld.idx.msk [tilespmem:v1+s15+$0x0], $0xffff  }
0x36: {  	v8 =	vld.idx.msk [tilespmem:v0+s16+$0x0], $0xffff  }
0x37: {  	v9 =	vld.idx.msk [tilespmem:v0+s15+$0x0], $0xffff  }
0x38: {  	v10 =	vld.idx.msk [tilespmem:v0+s17+$0x0], $0xffff  }
0x39: {  	v11 =	vld.idx.msk [tilespmem:v0+s2+$0x0], $0xffff  }
0x3a: {  	v1 =	vld.idx.msk [tilespmem:v1+s18+$0x0], $0xffff  }
0x3b: {  	v0 =	vld.idx.msk [tilespmem:v0+s18+$0x0], $0xffff;
	_ =	sdelay $0x1  }
0x3c: {  	v12 =	vld [tilespmem:s25+$0xEA70];
	v7 =	vsub.f32 v9, v7;
	v5 =	vsub.f32 v10, v5  }
0x3d: {  	v6 =	vsub.f32 v8, v6;
	v2 =	vsub.f32 v11, v2  }
0x3e: {  	v3 =	vsub.f32 v3, v4;
	v4 =	vmul.f32 v7, v7;
	v5 =	vmul.f32 v5, v5  }
0x3f: {  	v0 =	vsub.f32 v0, v1;
	v2 =	vmul.f32 v2, v2;
	v6 =	vmul.f32 v6, v6  }
0x40: {  	v1 =	vmul.f32 v3, v3;
	v3 =	vadd.f32 v5, v4  }
0x41: {  	v2 =	vadd.f32 v6, v2;
	v4 =	vmul.f32 v0, v0;
	v0 =	vand.u32 $0xFFFF, v12  }
0x42: {  	v3 =	vadd.f32 v1, v3  }
0x43: {  	v2 =	vadd.f32 v4, v2;
	v1 =	vshrl.u32 v12, $0x10  }
0x44: {  	[tilespmem:s25+$0x11170] =	vst v3  }
0x45: {  	[tilespmem:s25+$0xFDE8] =	vst v2  }
0x46: {  	v3 =	vld.idx.msk [tilespmem:v0+s2+$0x0], $0xffff  }
0x47: {  	v2 =	vld.idx.msk [tilespmem:v0+s16+$0x0], $0xffff  }
0x48: {  	v5 =	vld.idx.msk [tilespmem:v1+s2+$0x0], $0xffff  }
0x49: {  	p0 =	por p1, p1;
	s26 =	simm.s32 $0x80;
	v4 =	vld.idx.msk [tilespmem:v1+s17+$0x0], $0xffff  }
.LBB2_3:
0x4a: {  	p1 =	sne.s32 s26, $0x4D80;
	v6 =	vld.idx.msk [tilespmem:v0+s15+$0x0], $0xffff;
	s28 =	smov.u32 s26;
	s26 =	sadd.s32 $0x80, s26  }
0x4b: {  	v7 =	vld.idx.msk [tilespmem:v0+s17+$0x0], $0xffff  }
0x4c: {  	v8 =	vld.idx.msk [tilespmem:v1+s16+$0x0], $0xffff  }
0x4d: {  	v9 =	vld.idx.msk [tilespmem:v1+s18+$0x0], $0xffff  }
0x4e: {  	v3 =	vsub.f32 v3, v5;
	v10 =	vld.idx.msk [tilespmem:v0+s18+$0x0], $0xffff  }
0x4f: {  	v5 =	vld.idx.msk [tilespmem:v1+s15+$0x0], $0xffff  }
0x50: {  	v1 =	vld.idx.msk [tilespmem:v1+s19+$0x0], $0xffff  }
0x51: {  	v3 =	vmul.f32 v3, v3;
	v4 =	vsub.f32 v7, v4;
	v0 =	vld.idx.msk [tilespmem:v0+s19+$0x0], $0xffff  }
0x52: {  	v2 =	vsub.f32 v2, v8  }
0x53: {  	s28 =	sshra.s32 s28, $0x2  }
0x54: {  	v2 =	vmul.f32 v2, v2;
	v8 =	vsub.f32 v10, v9;
	v7 =	vld [tilespmem:s28+$0xEA60]  }
0x55: {  	v5 =	vsub.f32 v6, v5;
	v9 =	vld [tilespmem:s28+$0xEA70]  }
0x56: {  	v2 =	vadd.f32 v2, v3;
	v3 =	vmul.f32 v8, v8  }
0x57: {  	v4 =	vmul.f32 v4, v4;
	v5 =	vmul.f32 v5, v5;
	v0 =	vsub.f32 v0, v1  }
0x58: {  	v1 =	vadd.f32 v3, v2  }
0x59: {  	v0 =	vmul.f32 v0, v0;
	v2 =	vshrl.u32 v7, $0x10;
	v3 =	vand.u32 $0xFFFF, v7  }
0x5a: {  	v4 =	vadd.f32 v4, v5;
	[tilespmem:s25+$0xFDF8] =	vst v1;
	_ =	sdelay $0x1  }
0x5b: {  	v0 =	vadd.f32 v0, v4;
	_ =	sdelay $0x1  }
0x5c: {  	[tilespmem:s25+$0x11180] =	vst v0;
	s25 =	smov.u32 s28  }
0x5d: {  	v0 =	vld.idx.msk [tilespmem:v2+s2+$0x0], $0xffff  }
0x5e: {  	v1 =	vld.idx.msk [tilespmem:v3+s19+$0x0], $0xffff  }
0x5f: {  	v4 =	vld.idx.msk [tilespmem:v2+s19+$0x0], $0xffff  }
0x60: {  	v5 =	vld.idx.msk [tilespmem:v2+s17+$0x0], $0xffff  }
0x61: {  	v6 =	vld.idx.msk [tilespmem:v2+s16+$0x0], $0xffff  }
0x62: {  	v7 =	vld.idx.msk [tilespmem:v2+s15+$0x0], $0xffff  }
0x63: {  	v8 =	vld.idx.msk [tilespmem:v3+s16+$0x0], $0xffff  }
0x64: {  	v10 =	vld.idx.msk [tilespmem:v3+s15+$0x0], $0xffff  }
0x65: {  	v11 =	vld.idx.msk [tilespmem:v3+s17+$0x0], $0xffff  }
0x66: {  	v12 =	vld.idx.msk [tilespmem:v3+s2+$0x0], $0xffff  }
0x67: {  	v2 =	vld.idx.msk [tilespmem:v2+s18+$0x0], $0xffff  }
0x68: {  	v3 =	vld.idx.msk [tilespmem:v3+s18+$0x0], $0xffff  }
0x69: {  	v6 =	vsub.f32 v8, v6  }
0x6a: {  	v1 =	vsub.f32 v1, v4;
	v7 =	vsub.f32 v10, v7  }
0x6b: {  	v4 =	vsub.f32 v11, v5  }
0x6c: {  	v1 =	vmul.f32 v1, v1;
	v0 =	vsub.f32 v12, v0;
	v5 =	vmul.f32 v7, v7  }
0x6d: {  	v4 =	vmul.f32 v4, v4  }
0x6e: {  	v6 =	vmul.f32 v6, v6;
	v0 =	vmul.f32 v0, v0;
	v2 =	vsub.f32 v3, v2  }
0x6f: {  	v3 =	vadd.f32 v4, v5  }
0x70: {  	v4 =	vadd.f32 v6, v0;
	v2 =	vmul.f32 v2, v2;
	v0 =	vand.u32 $0xFFFF, v9  }
0x71: {  	v3 =	vadd.f32 v1, v3  }
0x72: {  	v1 =	vshrl.u32 v9, $0x10;
	v2 =	vadd.f32 v2, v4  }
0x73: {  	[tilespmem:s25+$0x11170] =	vst v3  }
.Ltmp0:
0x74: {  	[tilespmem:s25+$0xFDE8] =	vst v2;
	(pc) =	sbr.rel @p1 .LBB2_3-.Ltmp0, $4  }
0x75: {  	v3 =	vld.idx.msk [tilespmem:v0+s2+$0x0], $0xffff  }
0x76: {  	v2 =	vld.idx.msk [tilespmem:v0+s16+$0x0], $0xffff  }
0x77: {  	v5 =	vld.idx.msk [tilespmem:v1+s2+$0x0], $0xffff  }
0x78: {  	v4 =	vld.idx.msk [tilespmem:v1+s17+$0x0], $0xffff  }
0x79: {  	_ =	sdelay $0x3  }
0x7a: {  	v6 =	vld.idx.msk [tilespmem:v0+s15+$0x0], $0xffff  }
0x7b: {  	v7 =	vld.idx.msk [tilespmem:v0+s17+$0x0], $0xffff  }
0x7c: {  	v8 =	vld.idx.msk [tilespmem:v1+s16+$0x0], $0xffff  }
0x7d: {  	v9 =	vld.idx.msk [tilespmem:v1+s18+$0x0], $0xffff  }
0x7e: {  	v10 =	vld.idx.msk [tilespmem:v0+s18+$0x0], $0xffff  }
0x7f: {  	v11 =	vld.idx.msk [tilespmem:v1+s15+$0x0], $0xffff  }
0x80: {  	v57 =	vld.idx.msk [tilespmem:v1+s19+$0x0], $0xffff  }
0x81: {  	v58 =	vld.idx.msk [tilespmem:v0+s19+$0x0], $0xffff;
	_ =	sdelay $0x1  }
0x82: {  	v3 =	vsub.f32 v3, v5;
	v2 =	vsub.f32 v2, v8  }
0x83: {  	v4 =	vsub.f32 v7, v4;
	v59 =	vsub.f32 v6, v11  }
0x84: {  	v3 =	vmul.f32 v3, v3;
	v60 =	vsub.f32 v10, v9;
	v2 =	vmul.f32 v2, v2  }
0x85: {  	v0 =	vsub.f32 v58, v57;
	v5 =	vmul.f32 v59, v59;
	v4 =	vmul.f32 v4, v4  }
0x86: {  	v62 =	vmul.f32 v60, v60;
	v61 =	vadd.f32 v2, v3  }
0x87: {  	v0 =	vmul.f32 v0, v0;
	v63 =	vadd.f32 v4, v5  }
0x88: {  	v1 =	vadd.f32 v62, v61  }
0x89: {  	v0 =	vadd.f32 v0, v63  }
0x8a: {  	[tilespmem:s25+$0xFDF8] =	vst v1  }
0x8b: {  	s30 =	sadd.s32 s6, s24;
	[tilespmem:s25+$0x11180] =	vst v0  }
0x8c: {  	[hbm4b:s30+s2] =	stream.linear.scatter [tilespmem:s21], [sflag:$0x1], $0x1388, $0x38;
	[tilespmem:$0x124F8] =	vst v63  }
0x8d: {  	_ =	swait.ge [sflag:s14], $0x1388  }
0x8e: {  	[sflag:s14] =	ssyncset.done $0x0  }
.Ltmp1:
0x8f: {  	s31 =	sadd.s32 s7, s24;
	[sflag:s14] =	ssyncadd.s32 $0xFFFFEC78;
	(pc) =	sbr.rel @p0 .LBB2_2-.Ltmp1, $4  }
0x90: {  	[hbm4b:s31+s2] =	stream.linear.scatter [tilespmem:s22], [sflag:$0x1], $0x1388, $0x38;
	[tilespmem:$0x124F8] =	vst v63  }
0x91: {  	_ =	swait.ge [sflag:s14], $0x1388  }
0x92: {  	[sflag:s14] =	ssyncset.done $0x0  }
0x93: {  	s24 =	simm.s32 $0x1388;
	p1 =	por $0x0, $0x0;
	[sflag:s14] =	ssyncadd.s32 $0xFFFFEC78  }
0x94: {  	s23 =	sadd.s32 $0x1, s23  }
0x95: {  	p0 =	sne.s32 s23, s13  }
.Ltmp2:
0x96: {  	_ = 	snop;
	(pc) =	sbr.rel @p0 .LBB2_1-.Ltmp2, $1  }
0x97: {  	_ =	sdelay $0x3  }
0x98: {  	_ =	sfence.sel $0x180000  }
0x99: {  	[bflag:$0x0] =	sbarrier.arrive $0xFFFF  }
0x9a: {  	p0 =	sne.s32 s3, $0x0;
	_ =	strace $0x90000050  }
0x9b: {  	s0 =	sadd.s32 @!p0 $0x100000, s0;
	[bflag:$0x2] =	sbarrier.arrive $0xFFFF  }
0x9c: {  	[sflag:s0] =	ssyncadd.tile.s32 @!p0 $0x1;
	_ =	shalt  }
.Lfunc_end2:
_tile_overlayer_lowered:
.L_overlay_start_2:
0x9d: {  	(tag) =	ssettag $0x2  }
0x9e: {  	s0 =	rddreg [dreg:$0x0];
	s2 =	stileid.u32  }
0x9f: {  	s1 =	rddreg [dreg:$0x1];
	p0 =	sne.s32 s2, $0x0  }
0xa0: {  	s3 =	rddreg [dreg:$0x2];
	[bflag:$0x3] =	sbarrier.arrive $0xFFFF;
	s2 =	simm.s32 @!p0 $0x1C01  }
0xa1: {  	[timem:s3], [sflag:s2] =	dma.local @!p0 [hbm:s0], s1  }
0xa2: {  	s0 =	simm.s32 @!p0 $0x1  }
0xa3: {  	_ =	swait.ge @!p0 [sflag:s0], s1  }
0xa4: {  	s1 =	ssub.s32 @!p0 $0x0, s1;
	[sflag:s0] =	ssyncset.done @!p0 $0x0  }
0xa5: {  	[sflag:s0] =	ssyncadd.s32 @!p0 s1  }
0xa6: {  	[bflag:$0x3] =	sbarrier.arrive $0xFFFF  }
0xa7: {  	_ =	shalt  }

</sc_bundles>
